<compile_context>
chip_gen: v7x
topology: tpu7x:2x2x1
jax: 0.10.2.dev20260603
libtpu: 0.0.44.dev20260713+nightly
codegen_flags: <defaults>
</compile_context>

<pallas_src>
import functools

import jax
import jax.numpy as jnp
from jax import lax
from jax.experimental import pallas as pl
from jax.experimental.pallas import tpu as pltpu
from jax.experimental.pallas import tpu_sc as plsc

_NC = 2
_NS = 16
_NW = _NC * _NS
_NBUF = 10
_LA = 7
_SPLIT = 2


@functools.lru_cache(maxsize=None)
def _make_gather(BS, T, V, D):
    assert BS % (_NW * _SPLIT) == 0
    b_chunk = BS // (_NW * _SPLIT)
    n_chunks = T * _SPLIT
    assert n_chunks % _NBUF == 0
    n_rounds = n_chunks // _NBUF
    mesh = plsc.VectorSubcoreMesh(core_axis_name="c", subcore_axis_name="s")

    @functools.partial(
        pl.kernel,
        mesh=mesh,
        out_type=jax.ShapeDtypeStruct((T, BS, D), jnp.float32),
        scratch_types=[
            pltpu.VMEM((T, b_chunk * _SPLIT), jnp.int32),
            pltpu.VMEM((_NBUF, b_chunk, D), jnp.float32),
            [pltpu.SemaphoreType.DMA] * _NBUF,
            [pltpu.SemaphoreType.DMA] * _NBUF,
        ],
    )
    def gather_kernel(table_hbm, idx_hbm, out_hbm, idx_v, rows_v, gsems, wsems):
        wid = lax.axis_index("s") * _NC + lax.axis_index("c")
        base_b = wid * b_chunk * _SPLIT
        t_head = 8
        pltpu.sync_copy(
            idx_hbm.at[pl.ds(0, t_head), pl.ds(base_b, b_chunk * _SPLIT)],
            idx_v.at[pl.ds(0, t_head)],
        )

        def issue_gather(c, j, h):
            pltpu.async_copy(
                table_hbm.at[idx_v.at[c // _SPLIT, pl.ds(h * b_chunk, b_chunk)]],
                rows_v.at[j],
                gsems[j],
            )

        def wait_gather(j):
            pltpu.make_async_copy(
                table_hbm.at[idx_v.at[0, pl.ds(0, b_chunk)]], rows_v.at[j], gsems[j]
            ).wait()

        def issue_write(c, j, h):
            pltpu.async_copy(
                rows_v.at[j],
                out_hbm.at[c // _SPLIT, pl.ds(base_b + h * b_chunk, b_chunk)],
                wsems[j],
            )

        def wait_write(j):
            pltpu.make_async_copy(
                rows_v.at[j], out_hbm.at[0, pl.ds(base_b, b_chunk)], wsems[j]
            ).wait()

        assert (_LA - 1) // _SPLIT < t_head
        for j in range(_LA):
            issue_gather(j, j, j % _SPLIT)
        pltpu.sync_copy(
            idx_hbm.at[pl.ds(t_head, T - t_head), pl.ds(base_b, b_chunk * _SPLIT)],
            idx_v.at[pl.ds(t_head, T - t_head)],
        )

        def consume_prefetch(r, j, first_round):
            c = r * _NBUF + j
            wait_gather(j)
            issue_write(c, j, j % _SPLIT)
            cp = c + _LA
            jp = (j + _LA) % _NBUF
            if not (first_round and j < _NBUF - _LA):
                wait_write(jp)
            issue_gather(cp, jp, (j + _LA) % _SPLIT)

        for j in range(_NBUF):
            consume_prefetch(0, j, True)

        def round_body(r, _):
            for j in range(_NBUF):
                consume_prefetch(r, j, False)
            return ()

        lax.fori_loop(1, n_rounds - 1, round_body, (), unroll=False)

        last = (n_rounds - 1) * _NBUF
        for j in range(_NBUF):
            c = last + j
            wait_gather(j)
            issue_write(c, j, j % _SPLIT)
            if j < _NBUF - _LA:
                jp = (j + _LA) % _NBUF
                wait_write(jp)
                issue_gather(c + _LA, jp, (j + _LA) % _SPLIT)
        for j in range(_NBUF):
            wait_write(j)

    return gather_kernel


def kernel(x, table):
    bs, seq = x.shape
    V, D = table.shape
    xt = x.astype(jnp.int32).T
    out = _make_gather(bs, seq, V, D)(table, xt)
    return out.transpose(1, 0, 2)

# --- scband reference (transcript-rebuilt; emitter-appended) ---
"""Pipeline reference for scband-word-feature-80479097193159 (READ-ONLY COPY).

The authoritative reference and input builder live on the scoring server;
editing this copy changes nothing except your own understanding.
"""

import jax, jax.numpy as jnp
import numpy as np

WORDS_SIZE = 100000
WORDS_DIM = 128

def setup_inputs(seed: int = 0) -> dict:
    key = jax.random.key(seed)
    k1, k2 = jax.random.split(key)
    x = jax.random.randint(k1, (4096, 50), 0, WORDS_SIZE, dtype=jnp.int64 if jax.config.jax_enable_x64 else jnp.int32)
    # init_embedding: uniform init scaled by 1/sqrt(dim), typical for word embeddings
    table = jax.random.uniform(k2, (WORDS_SIZE, WORDS_DIM), dtype=jnp.float32, minval=-1.0, maxval=1.0) / np.sqrt(WORDS_DIM)
    return {"x": x, "table": table}

def reference(x, table):
    # nn.Embedding forward: gather rows of the embedding table
    embed_outputs = jnp.take(table, x, axis=0)  # [bs, max_len, words_dim]
    return embed_outputs

if __name__ == "__main__":
    import jax
    _d = setup_inputs()
    print(jax.jit(kernel)(*tuple(_d.values())))

</pallas_src>

<mosaic_0001>
#map = affine_map<(d0, d1) -> (0, 0)>
#map1 = affine_map<(d0, d1) -> (0, 0, 0)>
module attributes {stable_mosaic.version = 14 : i64} {
  func.func @gather_kernel(%arg0: i32, %arg1: i32, %arg2: memref<100000x128xf32, #tpu.memory_space<hbm>>, %arg3: memref<50x4096xi32, #tpu.memory_space<hbm>>, %arg4: memref<50x4096x128xf32, #tpu.memory_space<hbm>>, %arg5: memref<50x128xi32, #tpu.memory_space<vmem>>, %arg6: memref<10x64x128xf32, #tpu.memory_space<vmem>>, %arg7: memref<!tpu.dma_semaphore, #tpu.memory_space<semaphore_mem>>, %arg8: memref<!tpu.dma_semaphore, #tpu.memory_space<semaphore_mem>>, %arg9: memref<!tpu.dma_semaphore, #tpu.memory_space<semaphore_mem>>, %arg10: memref<!tpu.dma_semaphore, #tpu.memory_space<semaphore_mem>>, %arg11: memref<!tpu.dma_semaphore, #tpu.memory_space<semaphore_mem>>, %arg12: memref<!tpu.dma_semaphore, #tpu.memory_space<semaphore_mem>>, %arg13: memref<!tpu.dma_semaphore, #tpu.memory_space<semaphore_mem>>, %arg14: memref<!tpu.dma_semaphore, #tpu.memory_space<semaphore_mem>>, %arg15: memref<!tpu.dma_semaphore, #tpu.memory_space<semaphore_mem>>, %arg16: memref<!tpu.dma_semaphore, #tpu.memory_space<semaphore_mem>>, %arg17: memref<!tpu.dma_semaphore, #tpu.memory_space<semaphore_mem>>, %arg18: memref<!tpu.dma_semaphore, #tpu.memory_space<semaphore_mem>>, %arg19: memref<!tpu.dma_semaphore, #tpu.memory_space<semaphore_mem>>, %arg20: memref<!tpu.dma_semaphore, #tpu.memory_space<semaphore_mem>>, %arg21: memref<!tpu.dma_semaphore, #tpu.memory_space<semaphore_mem>>, %arg22: memref<!tpu.dma_semaphore, #tpu.memory_space<semaphore_mem>>, %arg23: memref<!tpu.dma_semaphore, #tpu.memory_space<semaphore_mem>>, %arg24: memref<!tpu.dma_semaphore, #tpu.memory_space<semaphore_mem>>, %arg25: memref<!tpu.dma_semaphore, #tpu.memory_space<semaphore_mem>>, %arg26: memref<!tpu.dma_semaphore, #tpu.memory_space<semaphore_mem>>) attributes {dimension_semantics = [#tpu.dimension_semantics<core_parallel>, #tpu.dimension_semantics<subcore_parallel>], iteration_bounds = array<i64: 2, 16>, scalar_prefetch = 0 : i64, scratch_operands = 22 : i64, tpu.core_type = #tpu.core_type<sc_vector_subcore>, window_params = [{transform_indices = #map}, {transform_indices = #map}, {transform_indices = #map1}]} {
    %mul3A = arith.constant 2 : i32
    %mul3A_0 = arith.muli %arg1, %mul3A : i32
    %add3A = arith.addi %mul3A_0, %arg0 : i32
    %mul3A_1 = arith.constant 64 : i32
    %mul3A_2 = arith.muli %add3A, %mul3A_1 : i32
    %mul3A_3 = arith.constant 2 : i32
    %mul3A_4 = arith.muli %mul3A_2, %mul3A_3 : i32
    "tpu.region"() ({
      %run_scoped3A = tpu.sem_alloc : memref<!tpu.dma_semaphore, #tpu.memory_space<semaphore_mem>>
      %dma_start3A_1167 = arith.constant 0 : i32
      %dma_start3A_1168 = arith.constant 0 : i32
      %dma_start3A_1169 = tpu.memref_slice %arg5[%dma_start3A_1167, %dma_start3A_1168] : memref<50x128xi32, #tpu.memory_space<vmem>> -> memref<8x128xi32, #tpu.memory_space<vmem>>
      %dma_start3A_1170 = arith.constant 0 : i32
      %dma_start3A_1171 = tpu.memref_slice %arg3[%dma_start3A_1170, %mul3A_4] : memref<50x4096xi32, #tpu.memory_space<hbm>> -> memref<8x128xi32, #tpu.memory_space<hbm>>
      %dma_start3A_1172 = arith.constant 0 : i32
      %dma_start3A_1173 = arith.constant 0 : i32
      %dma_start3A_1174 = tpu.memref_slice %arg5[%dma_start3A_1172, %dma_start3A_1173] : memref<50x128xi32, #tpu.memory_space<vmem>> -> memref<8x128xi32, #tpu.memory_space<vmem>>
      %dma_start3A_1175 = arith.constant 0 : i32
      %dma_start3A_1176 = tpu.memref_slice %arg3[%dma_start3A_1175, %mul3A_4] : memref<50x4096xi32, #tpu.memory_space<hbm>> -> memref<8x128xi32, #tpu.memory_space<hbm>>
      tpu.enqueue_dma source(%dma_start3A_1176 : memref<8x128xi32, #tpu.memory_space<hbm>>) target(%dma_start3A_1174 : memref<8x128xi32, #tpu.memory_space<vmem>>) target_semaphore(%run_scoped3A : memref<!tpu.dma_semaphore, #tpu.memory_space<semaphore_mem>>)
      %dma_wait3A_1177 = arith.constant 0 : i32
      %dma_wait3A_1178 = arith.constant 0 : i32
      %dma_wait3A_1179 = tpu.memref_slice %arg5[%dma_wait3A_1177, %dma_wait3A_1178] : memref<50x128xi32, #tpu.memory_space<vmem>> -> memref<8x128xi32, #tpu.memory_space<vmem>>
      %dma_wait3A_1180 = arith.constant 0 : i32
      %dma_wait3A_1181 = tpu.memref_slice %arg3[%dma_wait3A_1180, %mul3A_4] : memref<50x4096xi32, #tpu.memory_space<hbm>> -> memref<8x128xi32, #tpu.memory_space<hbm>>
      %dma_wait3A_1182 = arith.constant 0 : i32
      %dma_wait3A_1183 = arith.constant 0 : i32
      %dma_wait3A_1184 = tpu.memref_slice %arg5[%dma_wait3A_1182, %dma_wait3A_1183] : memref<50x128xi32, #tpu.memory_space<vmem>> -> memref<8x128xi32, #tpu.memory_space<vmem>>
      %dma_wait3A_1185 = arith.constant 0 : i32
      %dma_wait3A_1186 = tpu.memref_slice %arg3[%dma_wait3A_1185, %mul3A_4] : memref<50x4096xi32, #tpu.memory_space<hbm>> -> memref<8x128xi32, #tpu.memory_space<hbm>>
      tpu.wait_dma2 semaphore(%run_scoped3A : memref<!tpu.dma_semaphore, #tpu.memory_space<semaphore_mem>>) src(%dma_wait3A_1186 : memref<8x128xi32, #tpu.memory_space<hbm>>) dst(%dma_wait3A_1184 : memref<8x128xi32, #tpu.memory_space<vmem>>)
      tpu.yield
    }) : () -> ()
    %dma_start3A = arith.constant 0 : i32
    %dma_start3A_5 = arith.constant 0 : i32
    %dma_start3A_6 = arith.constant 0 : i32
    %dma_start3A_7 = arith.constant 0 : i32
    %dma_start3A_8 = tpu.memref_slice %arg6[%dma_start3A_5, %dma_start3A_6, %dma_start3A_7] : memref<10x64x128xf32, #tpu.memory_space<vmem>> -> memref<1x64x128xf32, #tpu.memory_space<vmem>>
    %dma_start3A_9 = tpu.memref_squeeze %dma_start3A_8 : memref<1x64x128xf32, #tpu.memory_space<vmem>> -> memref<64x128xf32, #tpu.memory_space<vmem>>
    %dma_start3A_10 = arith.constant 0 : i32
    %dma_start3A_11 = tpu.memref_slice %arg5[%dma_start3A, %dma_start3A_10] : memref<50x128xi32, #tpu.memory_space<vmem>> -> memref<1x64xi32, #tpu.memory_space<vmem>>
    %dma_start3A_12 = tpu.memref_squeeze %dma_start3A_11 : memref<1x64xi32, #tpu.memory_space<vmem>> -> memref<64xi32, #tpu.memory_space<vmem>>
    %dma_start3A_13 = arith.constant 0 : i32
    %dma_start3A_14 = arith.constant 0 : i32
    %dma_start3A_15 = tpu.memref_slice %arg2[%dma_start3A_13, %dma_start3A_14] : memref<100000x128xf32, #tpu.memory_space<hbm>> -> memref<100000x128xf32, #tpu.memory_space<hbm>>
    tpu.enqueue_indirect_dma source(%dma_start3A_15 : memref<100000x128xf32, #tpu.memory_space<hbm>>) target(%dma_start3A_9 : memref<64x128xf32, #tpu.memory_space<vmem>>) offsets(%dma_start3A_12 : memref<64xi32, #tpu.memory_space<vmem>>) semaphore(%arg7 : memref<!tpu.dma_semaphore, #tpu.memory_space<semaphore_mem>>)
    %dma_start3A_16 = arith.constant 0 : i32
    %dma_start3A_17 = arith.constant 1 : i32
    %dma_start3A_18 = arith.constant 0 : i32
    %dma_start3A_19 = arith.constant 0 : i32
    %dma_start3A_20 = tpu.memref_slice %arg6[%dma_start3A_17, %dma_start3A_18, %dma_start3A_19] : memref<10x64x128xf32, #tpu.memory_space<vmem>> -> memref<1x64x128xf32, #tpu.memory_space<vmem>>
    %dma_start3A_21 = tpu.memref_squeeze %dma_start3A_20 : memref<1x64x128xf32, #tpu.memory_space<vmem>> -> memref<64x128xf32, #tpu.memory_space<vmem>>
    %dma_start3A_22 = arith.constant 64 : i32
    %dma_start3A_23 = tpu.memref_slice %arg5[%dma_start3A_16, %dma_start3A_22] : memref<50x128xi32, #tpu.memory_space<vmem>> -> memref<1x64xi32, #tpu.memory_space<vmem>>
    %dma_start3A_24 = tpu.memref_squeeze %dma_start3A_23 : memref<1x64xi32, #tpu.memory_space<vmem>> -> memref<64xi32, #tpu.memory_space<vmem>>
    %dma_start3A_25 = arith.constant 0 : i32
    %dma_start3A_26 = arith.constant 0 : i32
    %dma_start3A_27 = tpu.memref_slice %arg2[%dma_start3A_25, %dma_start3A_26] : memref<100000x128xf32, #tpu.memory_space<hbm>> -> memref<100000x128xf32, #tpu.memory_space<hbm>>
    tpu.enqueue_indirect_dma source(%dma_start3A_27 : memref<100000x128xf32, #tpu.memory_space<hbm>>) target(%dma_start3A_21 : memref<64x128xf32, #tpu.memory_space<vmem>>) offsets(%dma_start3A_24 : memref<64xi32, #tpu.memory_space<vmem>>) semaphore(%arg8 : memref<!tpu.dma_semaphore, #tpu.memory_space<semaphore_mem>>)
    %dma_start3A_28 = arith.constant 1 : i32
    %dma_start3A_29 = arith.constant 2 : i32
    %dma_start3A_30 = arith.constant 0 : i32
    %dma_start3A_31 = arith.constant 0 : i32
    %dma_start3A_32 = tpu.memref_slice %arg6[%dma_start3A_29, %dma_start3A_30, %dma_start3A_31] : memref<10x64x128xf32, #tpu.memory_space<vmem>> -> memref<1x64x128xf32, #tpu.memory_space<vmem>>
    %dma_start3A_33 = tpu.memref_squeeze %dma_start3A_32 : memref<1x64x128xf32, #tpu.memory_space<vmem>> -> memref<64x128xf32, #tpu.memory_space<vmem>>
    %dma_start3A_34 = arith.constant 0 : i32
    %dma_start3A_35 = tpu.memref_slice %arg5[%dma_start3A_28, %dma_start3A_34] : memref<50x128xi32, #tpu.memory_space<vmem>> -> memref<1x64xi32, #tpu.memory_space<vmem>>
    %dma_start3A_36 = tpu.memref_squeeze %dma_start3A_35 : memref<1x64xi32, #tpu.memory_space<vmem>> -> memref<64xi32, #tpu.memory_space<vmem>>
    %dma_start3A_37 = arith.constant 0 : i32
    %dma_start3A_38 = arith.constant 0 : i32
    %dma_start3A_39 = tpu.memref_slice %arg2[%dma_start3A_37, %dma_start3A_38] : memref<100000x128xf32, #tpu.memory_space<hbm>> -> memref<100000x128xf32, #tpu.memory_space<hbm>>
    tpu.enqueue_indirect_dma source(%dma_start3A_39 : memref<100000x128xf32, #tpu.memory_space<hbm>>) target(%dma_start3A_33 : memref<64x128xf32, #tpu.memory_space<vmem>>) offsets(%dma_start3A_36 : memref<64xi32, #tpu.memory_space<vmem>>) semaphore(%arg9 : memref<!tpu.dma_semaphore, #tpu.memory_space<semaphore_mem>>)
    %dma_start3A_40 = arith.constant 1 : i32
    %dma_start3A_41 = arith.constant 3 : i32
    %dma_start3A_42 = arith.constant 0 : i32
    %dma_start3A_43 = arith.constant 0 : i32
    %dma_start3A_44 = tpu.memref_slice %arg6[%dma_start3A_41, %dma_start3A_42, %dma_start3A_43] : memref<10x64x128xf32, #tpu.memory_space<vmem>> -> memref<1x64x128xf32, #tpu.memory_space<vmem>>
    %dma_start3A_45 = tpu.memref_squeeze %dma_start3A_44 : memref<1x64x128xf32, #tpu.memory_space<vmem>> -> memref<64x128xf32, #tpu.memory_space<vmem>>
    %dma_start3A_46 = arith.constant 64 : i32
    %dma_start3A_47 = tpu.memref_slice %arg5[%dma_start3A_40, %dma_start3A_46] : memref<50x128xi32, #tpu.memory_space<vmem>> -> memref<1x64xi32, #tpu.memory_space<vmem>>
    %dma_start3A_48 = tpu.memref_squeeze %dma_start3A_47 : memref<1x64xi32, #tpu.memory_space<vmem>> -> memref<64xi32, #tpu.memory_space<vmem>>
    %dma_start3A_49 = arith.constant 0 : i32
    %dma_start3A_50 = arith.constant 0 : i32
    %dma_start3A_51 = tpu.memref_slice %arg2[%dma_start3A_49, %dma_start3A_50] : memref<100000x128xf32, #tpu.memory_space<hbm>> -> memref<100000x128xf32, #tpu.memory_space<hbm>>
    tpu.enqueue_indirect_dma source(%dma_start3A_51 : memref<100000x128xf32, #tpu.memory_space<hbm>>) target(%dma_start3A_45 : memref<64x128xf32, #tpu.memory_space<vmem>>) offsets(%dma_start3A_48 : memref<64xi32, #tpu.memory_space<vmem>>) semaphore(%arg10 : memref<!tpu.dma_semaphore, #tpu.memory_space<semaphore_mem>>)
    %dma_start3A_52 = arith.constant 2 : i32
    %dma_start3A_53 = arith.constant 4 : i32
    %dma_start3A_54 = arith.constant 0 : i32
    %dma_start3A_55 = arith.constant 0 : i32
    %dma_start3A_56 = tpu.memref_slice %arg6[%dma_start3A_53, %dma_start3A_54, %dma_start3A_55] : memref<10x64x128xf32, #tpu.memory_space<vmem>> -> memref<1x64x128xf32, #tpu.memory_space<vmem>>
    %dma_start3A_57 = tpu.memref_squeeze %dma_start3A_56 : memref<1x64x128xf32, #tpu.memory_space<vmem>> -> memref<64x128xf32, #tpu.memory_space<vmem>>
    %dma_start3A_58 = arith.constant 0 : i32
    %dma_start3A_59 = tpu.memref_slice %arg5[%dma_start3A_52, %dma_start3A_58] : memref<50x128xi32, #tpu.memory_space<vmem>> -> memref<1x64xi32, #tpu.memory_space<vmem>>
    %dma_start3A_60 = tpu.memref_squeeze %dma_start3A_59 : memref<1x64xi32, #tpu.memory_space<vmem>> -> memref<64xi32, #tpu.memory_space<vmem>>
    %dma_start3A_61 = arith.constant 0 : i32
    %dma_start3A_62 = arith.constant 0 : i32
    %dma_start3A_63 = tpu.memref_slice %arg2[%dma_start3A_61, %dma_start3A_62] : memref<100000x128xf32, #tpu.memory_space<hbm>> -> memref<100000x128xf32, #tpu.memory_space<hbm>>
    tpu.enqueue_indirect_dma source(%dma_start3A_63 : memref<100000x128xf32, #tpu.memory_space<hbm>>) target(%dma_start3A_57 : memref<64x128xf32, #tpu.memory_space<vmem>>) offsets(%dma_start3A_60 : memref<64xi32, #tpu.memory_space<vmem>>) semaphore(%arg11 : memref<!tpu.dma_semaphore, #tpu.memory_space<semaphore_mem>>)
    %dma_start3A_64 = arith.constant 2 : i32
    %dma_start3A_65 = arith.constant 5 : i32
    %dma_start3A_66 = arith.constant 0 : i32
    %dma_start3A_67 = arith.constant 0 : i32
    %dma_start3A_68 = tpu.memref_slice %arg6[%dma_start3A_65, %dma_start3A_66, %dma_start3A_67] : memref<10x64x128xf32, #tpu.memory_space<vmem>> -> memref<1x64x128xf32, #tpu.memory_space<vmem>>
    %dma_start3A_69 = tpu.memref_squeeze %dma_start3A_68 : memref<1x64x128xf32, #tpu.memory_space<vmem>> -> memref<64x128xf32, #tpu.memory_space<vmem>>
    %dma_start3A_70 = arith.constant 64 : i32
    %dma_start3A_71 = tpu.memref_slice %arg5[%dma_start3A_64, %dma_start3A_70] : memref<50x128xi32, #tpu.memory_space<vmem>> -> memref<1x64xi32, #tpu.memory_space<vmem>>
    %dma_start3A_72 = tpu.memref_squeeze %dma_start3A_71 : memref<1x64xi32, #tpu.memory_space<vmem>> -> memref<64xi32, #tpu.memory_space<vmem>>
    %dma_start3A_73 = arith.constant 0 : i32
    %dma_start3A_74 = arith.constant 0 : i32
    %dma_start3A_75 = tpu.memref_slice %arg2[%dma_start3A_73, %dma_start3A_74] : memref<100000x128xf32, #tpu.memory_space<hbm>> -> memref<100000x128xf32, #tpu.memory_space<hbm>>
    tpu.enqueue_indirect_dma source(%dma_start3A_75 : memref<100000x128xf32, #tpu.memory_space<hbm>>) target(%dma_start3A_69 : memref<64x128xf32, #tpu.memory_space<vmem>>) offsets(%dma_start3A_72 : memref<64xi32, #tpu.memory_space<vmem>>) semaphore(%arg12 : memref<!tpu.dma_semaphore, #tpu.memory_space<semaphore_mem>>)
    %dma_start3A_76 = arith.constant 3 : i32
    %dma_start3A_77 = arith.constant 6 : i32
    %dma_start3A_78 = arith.constant 0 : i32
    %dma_start3A_79 = arith.constant 0 : i32
    %dma_start3A_80 = tpu.memref_slice %arg6[%dma_start3A_77, %dma_start3A_78, %dma_start3A_79] : memref<10x64x128xf32, #tpu.memory_space<vmem>> -> memref<1x64x128xf32, #tpu.memory_space<vmem>>
    %dma_start3A_81 = tpu.memref_squeeze %dma_start3A_80 : memref<1x64x128xf32, #tpu.memory_space<vmem>> -> memref<64x128xf32, #tpu.memory_space<vmem>>
    %dma_start3A_82 = arith.constant 0 : i32
    %dma_start3A_83 = tpu.memref_slice %arg5[%dma_start3A_76, %dma_start3A_82] : memref<50x128xi32, #tpu.memory_space<vmem>> -> memref<1x64xi32, #tpu.memory_space<vmem>>
    %dma_start3A_84 = tpu.memref_squeeze %dma_start3A_83 : memref<1x64xi32, #tpu.memory_space<vmem>> -> memref<64xi32, #tpu.memory_space<vmem>>
    %dma_start3A_85 = arith.constant 0 : i32
    %dma_start3A_86 = arith.constant 0 : i32
    %dma_start3A_87 = tpu.memref_slice %arg2[%dma_start3A_85, %dma_start3A_86] : memref<100000x128xf32, #tpu.memory_space<hbm>> -> memref<100000x128xf32, #tpu.memory_space<hbm>>
    tpu.enqueue_indirect_dma source(%dma_start3A_87 : memref<100000x128xf32, #tpu.memory_space<hbm>>) target(%dma_start3A_81 : memref<64x128xf32, #tpu.memory_space<vmem>>) offsets(%dma_start3A_84 : memref<64xi32, #tpu.memory_space<vmem>>) semaphore(%arg13 : memref<!tpu.dma_semaphore, #tpu.memory_space<semaphore_mem>>)
    "tpu.region"() ({
      %run_scoped3A = tpu.sem_alloc : memref<!tpu.dma_semaphore, #tpu.memory_space<semaphore_mem>>
      %dma_start3A_1167 = arith.constant 8 : i32
      %dma_start3A_1168 = arith.constant 0 : i32
      %dma_start3A_1169 = tpu.memref_slice %arg5[%dma_start3A_1167, %dma_start3A_1168] : memref<50x128xi32, #tpu.memory_space<vmem>> -> memref<42x128xi32, #tpu.memory_space<vmem>>
      %dma_start3A_1170 = arith.constant 8 : i32
      %dma_start3A_1171 = tpu.memref_slice %arg3[%dma_start3A_1170, %mul3A_4] : memref<50x4096xi32, #tpu.memory_space<hbm>> -> memref<42x128xi32, #tpu.memory_space<hbm>>
      %dma_start3A_1172 = arith.constant 8 : i32
      %dma_start3A_1173 = arith.constant 0 : i32
      %dma_start3A_1174 = tpu.memref_slice %arg5[%dma_start3A_1172, %dma_start3A_1173] : memref<50x128xi32, #tpu.memory_space<vmem>> -> memref<42x128xi32, #tpu.memory_space<vmem>>
      %dma_start3A_1175 = arith.constant 8 : i32
      %dma_start3A_1176 = tpu.memref_slice %arg3[%dma_start3A_1175, %mul3A_4] : memref<50x4096xi32, #tpu.memory_space<hbm>> -> memref<42x128xi32, #tpu.memory_space<hbm>>
      tpu.enqueue_dma source(%dma_start3A_1176 : memref<42x128xi32, #tpu.memory_space<hbm>>) target(%dma_start3A_1174 : memref<42x128xi32, #tpu.memory_space<vmem>>) target_semaphore(%run_scoped3A : memref<!tpu.dma_semaphore, #tpu.memory_space<semaphore_mem>>)
      %dma_wait3A_1177 = arith.constant 8 : i32
      %dma_wait3A_1178 = arith.constant 0 : i32
      %dma_wait3A_1179 = tpu.memref_slice %arg5[%dma_wait3A_1177, %dma_wait3A_1178] : memref<50x128xi32, #tpu.memory_space<vmem>> -> memref<42x128xi32, #tpu.memory_space<vmem>>
      %dma_wait3A_1180 = arith.constant 8 : i32
      %dma_wait3A_1181 = tpu.memref_slice %arg3[%dma_wait3A_1180, %mul3A_4] : memref<50x4096xi32, #tpu.memory_space<hbm>> -> memref<42x128xi32, #tpu.memory_space<hbm>>
      %dma_wait3A_1182 = arith.constant 8 : i32
      %dma_wait3A_1183 = arith.constant 0 : i32
      %dma_wait3A_1184 = tpu.memref_slice %arg5[%dma_wait3A_1182, %dma_wait3A_1183] : memref<50x128xi32, #tpu.memory_space<vmem>> -> memref<42x128xi32, #tpu.memory_space<vmem>>
      %dma_wait3A_1185 = arith.constant 8 : i32
      %dma_wait3A_1186 = tpu.memref_slice %arg3[%dma_wait3A_1185, %mul3A_4] : memref<50x4096xi32, #tpu.memory_space<hbm>> -> memref<42x128xi32, #tpu.memory_space<hbm>>
      tpu.wait_dma2 semaphore(%run_scoped3A : memref<!tpu.dma_semaphore, #tpu.memory_space<semaphore_mem>>) src(%dma_wait3A_1186 : memref<42x128xi32, #tpu.memory_space<hbm>>) dst(%dma_wait3A_1184 : memref<42x128xi32, #tpu.memory_space<vmem>>)
      tpu.yield
    }) : () -> ()
    %dma_wait3A = arith.constant 0 : i32
    %dma_wait3A_88 = arith.constant 0 : i32
    %dma_wait3A_89 = arith.constant 0 : i32
    %dma_wait3A_90 = arith.constant 0 : i32
    %dma_wait3A_91 = tpu.memref_slice %arg6[%dma_wait3A_88, %dma_wait3A_89, %dma_wait3A_90] : memref<10x64x128xf32, #tpu.memory_space<vmem>> -> memref<1x64x128xf32, #tpu.memory_space<vmem>>
    %dma_wait3A_92 = tpu.memref_squeeze %dma_wait3A_91 : memref<1x64x128xf32, #tpu.memory_space<vmem>> -> memref<64x128xf32, #tpu.memory_space<vmem>>
    %dma_wait3A_93 = arith.constant 0 : i32
    %dma_wait3A_94 = tpu.memref_slice %arg5[%dma_wait3A, %dma_wait3A_93] : memref<50x128xi32, #tpu.memory_space<vmem>> -> memref<1x64xi32, #tpu.memory_space<vmem>>
    %dma_wait3A_95 = tpu.memref_squeeze %dma_wait3A_94 : memref<1x64xi32, #tpu.memory_space<vmem>> -> memref<64xi32, #tpu.memory_space<vmem>>
    %dma_wait3A_96 = arith.constant 0 : i32
    %dma_wait3A_97 = arith.constant 0 : i32
    %dma_wait3A_98 = tpu.memref_slice %arg2[%dma_wait3A_96, %dma_wait3A_97] : memref<100000x128xf32, #tpu.memory_space<hbm>> -> memref<100000x128xf32, #tpu.memory_space<hbm>>
    tpu.wait_indirect_dma semaphore(%arg7 : memref<!tpu.dma_semaphore, #tpu.memory_space<semaphore_mem>>) src(%dma_wait3A_98 : memref<100000x128xf32, #tpu.memory_space<hbm>>) dst(%dma_wait3A_92 : memref<64x128xf32, #tpu.memory_space<vmem>>)
    %add3A_99 = arith.constant 0 : i32
    %add3A_100 = arith.addi %mul3A_4, %add3A_99 : i32
    %dma_start3A_101 = arith.constant 0 : i32
    %dma_start3A_102 = arith.constant 0 : i32
    %dma_start3A_103 = arith.constant 0 : i32
    %dma_start3A_104 = arith.constant 0 : i32
    %dma_start3A_105 = tpu.memref_slice %arg6[%dma_start3A_101, %dma_start3A_103, %dma_start3A_104] : memref<10x64x128xf32, #tpu.memory_space<vmem>> -> memref<1x64x128xf32, #tpu.memory_space<vmem>>
    %dma_start3A_106 = tpu.memref_squeeze %dma_start3A_105 : memref<1x64x128xf32, #tpu.memory_space<vmem>> -> memref<64x128xf32, #tpu.memory_space<vmem>>
    %dma_start3A_107 = arith.constant 0 : i32
    %dma_start3A_108 = tpu.memref_slice %arg4[%dma_start3A_102, %add3A_100, %dma_start3A_107] : memref<50x4096x128xf32, #tpu.memory_space<hbm>> -> memref<1x64x128xf32, #tpu.memory_space<hbm>>
    %dma_start3A_109 = tpu.memref_squeeze %dma_start3A_108 : memref<1x64x128xf32, #tpu.memory_space<hbm>> -> memref<64x128xf32, #tpu.memory_space<hbm>>
    %dma_start3A_110 = arith.constant 0 : i32
    %dma_start3A_111 = tpu.memref_slice %arg4[%dma_start3A_102, %add3A_100, %dma_start3A_110] : memref<50x4096x128xf32, #tpu.memory_space<hbm>> -> memref<1x64x128xf32, #tpu.memory_space<hbm>>
    %dma_start3A_112 = tpu.memref_squeeze %dma_start3A_111 : memref<1x64x128xf32, #tpu.memory_space<hbm>> -> memref<64x128xf32, #tpu.memory_space<hbm>>
    %dma_start3A_113 = arith.constant 0 : i32
    %dma_start3A_114 = arith.constant 0 : i32
    %dma_start3A_115 = tpu.memref_slice %arg6[%dma_start3A_101, %dma_start3A_113, %dma_start3A_114] : memref<10x64x128xf32, #tpu.memory_space<vmem>> -> memref<1x64x128xf32, #tpu.memory_space<vmem>>
    %dma_start3A_116 = tpu.memref_squeeze %dma_start3A_115 : memref<1x64x128xf32, #tpu.memory_space<vmem>> -> memref<64x128xf32, #tpu.memory_space<vmem>>
    tpu.enqueue_dma source(%dma_start3A_116 : memref<64x128xf32, #tpu.memory_space<vmem>>) target(%dma_start3A_112 : memref<64x128xf32, #tpu.memory_space<hbm>>) target_semaphore(%arg17 : memref<!tpu.dma_semaphore, #tpu.memory_space<semaphore_mem>>)
    %dma_start3A_117 = arith.constant 3 : i32
    %dma_start3A_118 = arith.constant 7 : i32
    %dma_start3A_119 = arith.constant 0 : i32
    %dma_start3A_120 = arith.constant 0 : i32
    %dma_start3A_121 = tpu.memref_slice %arg6[%dma_start3A_118, %dma_start3A_119, %dma_start3A_120] : memref<10x64x128xf32, #tpu.memory_space<vmem>> -> memref<1x64x128xf32, #tpu.memory_space<vmem>>
    %dma_start3A_122 = tpu.memref_squeeze %dma_start3A_121 : memref<1x64x128xf32, #tpu.memory_space<vmem>> -> memref<64x128xf32, #tpu.memory_space<vmem>>
    %dma_start3A_123 = arith.constant 64 : i32
    %dma_start3A_124 = tpu.memref_slice %arg5[%dma_start3A_117, %dma_start3A_123] : memref<50x128xi32, #tpu.memory_space<vmem>> -> memref<1x64xi32, #tpu.memory_space<vmem>>
    %dma_start3A_125 = tpu.memref_squeeze %dma_start3A_124 : memref<1x64xi32, #tpu.memory_space<vmem>> -> memref<64xi32, #tpu.memory_space<vmem>>
    %dma_start3A_126 = arith.constant 0 : i32
    %dma_start3A_127 = arith.constant 0 : i32
    %dma_start3A_128 = tpu.memref_slice %arg2[%dma_start3A_126, %dma_start3A_127] : memref<100000x128xf32, #tpu.memory_space<hbm>> -> memref<100000x128xf32, #tpu.memory_space<hbm>>
    tpu.enqueue_indirect_dma source(%dma_start3A_128 : memref<100000x128xf32, #tpu.memory_space<hbm>>) target(%dma_start3A_122 : memref<64x128xf32, #tpu.memory_space<vmem>>) offsets(%dma_start3A_125 : memref<64xi32, #tpu.memory_space<vmem>>) semaphore(%arg14 : memref<!tpu.dma_semaphore, #tpu.memory_space<semaphore_mem>>)
    %dma_wait3A_129 = arith.constant 0 : i32
    %dma_wait3A_130 = arith.constant 1 : i32
    %dma_wait3A_131 = arith.constant 0 : i32
    %dma_wait3A_132 = arith.constant 0 : i32
    %dma_wait3A_133 = tpu.memref_slice %arg6[%dma_wait3A_130, %dma_wait3A_131, %dma_wait3A_132] : memref<10x64x128xf32, #tpu.memory_space<vmem>> -> memref<1x64x128xf32, #tpu.memory_space<vmem>>
    %dma_wait3A_134 = tpu.memref_squeeze %dma_wait3A_133 : memref<1x64x128xf32, #tpu.memory_space<vmem>> -> memref<64x128xf32, #tpu.memory_space<vmem>>
    %dma_wait3A_135 = arith.constant 0 : i32
    %dma_wait3A_136 = tpu.memref_slice %arg5[%dma_wait3A_129, %dma_wait3A_135] : memref<50x128xi32, #tpu.memory_space<vmem>> -> memref<1x64xi32, #tpu.memory_space<vmem>>
    %dma_wait3A_137 = tpu.memref_squeeze %dma_wait3A_136 : memref<1x64xi32, #tpu.memory_space<vmem>> -> memref<64xi32, #tpu.memory_space<vmem>>
    %dma_wait3A_138 = arith.constant 0 : i32
    %dma_wait3A_139 = arith.constant 0 : i32
    %dma_wait3A_140 = tpu.memref_slice %arg2[%dma_wait3A_138, %dma_wait3A_139] : memref<100000x128xf32, #tpu.memory_space<hbm>> -> memref<100000x128xf32, #tpu.memory_space<hbm>>
    tpu.wait_indirect_dma semaphore(%arg8 : memref<!tpu.dma_semaphore, #tpu.memory_space<semaphore_mem>>) src(%dma_wait3A_140 : memref<100000x128xf32, #tpu.memory_space<hbm>>) dst(%dma_wait3A_134 : memref<64x128xf32, #tpu.memory_space<vmem>>)
    %add3A_141 = arith.constant 64 : i32
    %add3A_142 = arith.addi %mul3A_4, %add3A_141 : i32
    %dma_start3A_143 = arith.constant 1 : i32
    %dma_start3A_144 = arith.constant 0 : i32
    %dma_start3A_145 = arith.constant 0 : i32
    %dma_start3A_146 = arith.constant 0 : i32
    %dma_start3A_147 = tpu.memref_slice %arg6[%dma_start3A_143, %dma_start3A_145, %dma_start3A_146] : memref<10x64x128xf32, #tpu.memory_space<vmem>> -> memref<1x64x128xf32, #tpu.memory_space<vmem>>
    %dma_start3A_148 = tpu.memref_squeeze %dma_start3A_147 : memref<1x64x128xf32, #tpu.memory_space<vmem>> -> memref<64x128xf32, #tpu.memory_space<vmem>>
    %dma_start3A_149 = arith.constant 0 : i32
    %dma_start3A_150 = tpu.memref_slice %arg4[%dma_start3A_144, %add3A_142, %dma_start3A_149] : memref<50x4096x128xf32, #tpu.memory_space<hbm>> -> memref<1x64x128xf32, #tpu.memory_space<hbm>>
    %dma_start3A_151 = tpu.memref_squeeze %dma_start3A_150 : memref<1x64x128xf32, #tpu.memory_space<hbm>> -> memref<64x128xf32, #tpu.memory_space<hbm>>
    %dma_start3A_152 = arith.constant 0 : i32
    %dma_start3A_153 = tpu.memref_slice %arg4[%dma_start3A_144, %add3A_142, %dma_start3A_152] : memref<50x4096x128xf32, #tpu.memory_space<hbm>> -> memref<1x64x128xf32, #tpu.memory_space<hbm>>
    %dma_start3A_154 = tpu.memref_squeeze %dma_start3A_153 : memref<1x64x128xf32, #tpu.memory_space<hbm>> -> memref<64x128xf32, #tpu.memory_space<hbm>>
    %dma_start3A_155 = arith.constant 0 : i32
    %dma_start3A_156 = arith.constant 0 : i32
    %dma_start3A_157 = tpu.memref_slice %arg6[%dma_start3A_143, %dma_start3A_155, %dma_start3A_156] : memref<10x64x128xf32, #tpu.memory_space<vmem>> -> memref<1x64x128xf32, #tpu.memory_space<vmem>>
    %dma_start3A_158 = tpu.memref_squeeze %dma_start3A_157 : memref<1x64x128xf32, #tpu.memory_space<vmem>> -> memref<64x128xf32, #tpu.memory_space<vmem>>
    tpu.enqueue_dma source(%dma_start3A_158 : memref<64x128xf32, #tpu.memory_space<vmem>>) target(%dma_start3A_154 : memref<64x128xf32, #tpu.memory_space<hbm>>) target_semaphore(%arg18 : memref<!tpu.dma_semaphore, #tpu.memory_space<semaphore_mem>>)
    %dma_start3A_159 = arith.constant 4 : i32
    %dma_start3A_160 = arith.constant 8 : i32
    %dma_start3A_161 = arith.constant 0 : i32
    %dma_start3A_162 = arith.constant 0 : i32
    %dma_start3A_163 = tpu.memref_slice %arg6[%dma_start3A_160, %dma_start3A_161, %dma_start3A_162] : memref<10x64x128xf32, #tpu.memory_space<vmem>> -> memref<1x64x128xf32, #tpu.memory_space<vmem>>
    %dma_start3A_164 = tpu.memref_squeeze %dma_start3A_163 : memref<1x64x128xf32, #tpu.memory_space<vmem>> -> memref<64x128xf32, #tpu.memory_space<vmem>>
    %dma_start3A_165 = arith.constant 0 : i32
    %dma_start3A_166 = tpu.memref_slice %arg5[%dma_start3A_159, %dma_start3A_165] : memref<50x128xi32, #tpu.memory_space<vmem>> -> memref<1x64xi32, #tpu.memory_space<vmem>>
    %dma_start3A_167 = tpu.memref_squeeze %dma_start3A_166 : memref<1x64xi32, #tpu.memory_space<vmem>> -> memref<64xi32, #tpu.memory_space<vmem>>
    %dma_start3A_168 = arith.constant 0 : i32
    %dma_start3A_169 = arith.constant 0 : i32
    %dma_start3A_170 = tpu.memref_slice %arg2[%dma_start3A_168, %dma_start3A_169] : memref<100000x128xf32, #tpu.memory_space<hbm>> -> memref<100000x128xf32, #tpu.memory_space<hbm>>
    tpu.enqueue_indirect_dma source(%dma_start3A_170 : memref<100000x128xf32, #tpu.memory_space<hbm>>) target(%dma_start3A_164 : memref<64x128xf32, #tpu.memory_space<vmem>>) offsets(%dma_start3A_167 : memref<64xi32, #tpu.memory_space<vmem>>) semaphore(%arg15 : memref<!tpu.dma_semaphore, #tpu.memory_space<semaphore_mem>>)
    %dma_wait3A_171 = arith.constant 0 : i32
    %dma_wait3A_172 = arith.constant 2 : i32
    %dma_wait3A_173 = arith.constant 0 : i32
    %dma_wait3A_174 = arith.constant 0 : i32
    %dma_wait3A_175 = tpu.memref_slice %arg6[%dma_wait3A_172, %dma_wait3A_173, %dma_wait3A_174] : memref<10x64x128xf32, #tpu.memory_space<vmem>> -> memref<1x64x128xf32, #tpu.memory_space<vmem>>
    %dma_wait3A_176 = tpu.memref_squeeze %dma_wait3A_175 : memref<1x64x128xf32, #tpu.memory_space<vmem>> -> memref<64x128xf32, #tpu.memory_space<vmem>>
    %dma_wait3A_177 = arith.constant 0 : i32
    %dma_wait3A_178 = tpu.memref_slice %arg5[%dma_wait3A_171, %dma_wait3A_177] : memref<50x128xi32, #tpu.memory_space<vmem>> -> memref<1x64xi32, #tpu.memory_space<vmem>>
    %dma_wait3A_179 = tpu.memref_squeeze %dma_wait3A_178 : memref<1x64xi32, #tpu.memory_space<vmem>> -> memref<64xi32, #tpu.memory_space<vmem>>
    %dma_wait3A_180 = arith.constant 0 : i32
    %dma_wait3A_181 = arith.constant 0 : i32
    %dma_wait3A_182 = tpu.memref_slice %arg2[%dma_wait3A_180, %dma_wait3A_181] : memref<100000x128xf32, #tpu.memory_space<hbm>> -> memref<100000x128xf32, #tpu.memory_space<hbm>>
    tpu.wait_indirect_dma semaphore(%arg9 : memref<!tpu.dma_semaphore, #tpu.memory_space<semaphore_mem>>) src(%dma_wait3A_182 : memref<100000x128xf32, #tpu.memory_space<hbm>>) dst(%dma_wait3A_176 : memref<64x128xf32, #tpu.memory_space<vmem>>)
    %add3A_183 = arith.constant 0 : i32
    %add3A_184 = arith.addi %mul3A_4, %add3A_183 : i32
    %dma_start3A_185 = arith.constant 2 : i32
    %dma_start3A_186 = arith.constant 1 : i32
    %dma_start3A_187 = arith.constant 0 : i32
    %dma_start3A_188 = arith.constant 0 : i32
    %dma_start3A_189 = tpu.memref_slice %arg6[%dma_start3A_185, %dma_start3A_187, %dma_start3A_188] : memref<10x64x128xf32, #tpu.memory_space<vmem>> -> memref<1x64x128xf32, #tpu.memory_space<vmem>>
    %dma_start3A_190 = tpu.memref_squeeze %dma_start3A_189 : memref<1x64x128xf32, #tpu.memory_space<vmem>> -> memref<64x128xf32, #tpu.memory_space<vmem>>
    %dma_start3A_191 = arith.constant 0 : i32
    %dma_start3A_192 = tpu.memref_slice %arg4[%dma_start3A_186, %add3A_184, %dma_start3A_191] : memref<50x4096x128xf32, #tpu.memory_space<hbm>> -> memref<1x64x128xf32, #tpu.memory_space<hbm>>
    %dma_start3A_193 = tpu.memref_squeeze %dma_start3A_192 : memref<1x64x128xf32, #tpu.memory_space<hbm>> -> memref<64x128xf32, #tpu.memory_space<hbm>>
    %dma_start3A_194 = arith.constant 0 : i32
    %dma_start3A_195 = tpu.memref_slice %arg4[%dma_start3A_186, %add3A_184, %dma_start3A_194] : memref<50x4096x128xf32, #tpu.memory_space<hbm>> -> memref<1x64x128xf32, #tpu.memory_space<hbm>>
    %dma_start3A_196 = tpu.memref_squeeze %dma_start3A_195 : memref<1x64x128xf32, #tpu.memory_space<hbm>> -> memref<64x128xf32, #tpu.memory_space<hbm>>
    %dma_start3A_197 = arith.constant 0 : i32
    %dma_start3A_198 = arith.constant 0 : i32
    %dma_start3A_199 = tpu.memref_slice %arg6[%dma_start3A_185, %dma_start3A_197, %dma_start3A_198] : memref<10x64x128xf32, #tpu.memory_space<vmem>> -> memref<1x64x128xf32, #tpu.memory_space<vmem>>
    %dma_start3A_200 = tpu.memref_squeeze %dma_start3A_199 : memref<1x64x128xf32, #tpu.memory_space<vmem>> -> memref<64x128xf32, #tpu.memory_space<vmem>>
    tpu.enqueue_dma source(%dma_start3A_200 : memref<64x128xf32, #tpu.memory_space<vmem>>) target(%dma_start3A_196 : memref<64x128xf32, #tpu.memory_space<hbm>>) target_semaphore(%arg19 : memref<!tpu.dma_semaphore, #tpu.memory_space<semaphore_mem>>)
    %dma_start3A_201 = arith.constant 4 : i32
    %dma_start3A_202 = arith.constant 9 : i32
    %dma_start3A_203 = arith.constant 0 : i32
    %dma_start3A_204 = arith.constant 0 : i32
    %dma_start3A_205 = tpu.memref_slice %arg6[%dma_start3A_202, %dma_start3A_203, %dma_start3A_204] : memref<10x64x128xf32, #tpu.memory_space<vmem>> -> memref<1x64x128xf32, #tpu.memory_space<vmem>>
    %dma_start3A_206 = tpu.memref_squeeze %dma_start3A_205 : memref<1x64x128xf32, #tpu.memory_space<vmem>> -> memref<64x128xf32, #tpu.memory_space<vmem>>
    %dma_start3A_207 = arith.constant 64 : i32
    %dma_start3A_208 = tpu.memref_slice %arg5[%dma_start3A_201, %dma_start3A_207] : memref<50x128xi32, #tpu.memory_space<vmem>> -> memref<1x64xi32, #tpu.memory_space<vmem>>
    %dma_start3A_209 = tpu.memref_squeeze %dma_start3A_208 : memref<1x64xi32, #tpu.memory_space<vmem>> -> memref<64xi32, #tpu.memory_space<vmem>>
    %dma_start3A_210 = arith.constant 0 : i32
    %dma_start3A_211 = arith.constant 0 : i32
    %dma_start3A_212 = tpu.memref_slice %arg2[%dma_start3A_210, %dma_start3A_211] : memref<100000x128xf32, #tpu.memory_space<hbm>> -> memref<100000x128xf32, #tpu.memory_space<hbm>>
    tpu.enqueue_indirect_dma source(%dma_start3A_212 : memref<100000x128xf32, #tpu.memory_space<hbm>>) target(%dma_start3A_206 : memref<64x128xf32, #tpu.memory_space<vmem>>) offsets(%dma_start3A_209 : memref<64xi32, #tpu.memory_space<vmem>>) semaphore(%arg16 : memref<!tpu.dma_semaphore, #tpu.memory_space<semaphore_mem>>)
    %dma_wait3A_213 = arith.constant 0 : i32
    %dma_wait3A_214 = arith.constant 3 : i32
    %dma_wait3A_215 = arith.constant 0 : i32
    %dma_wait3A_216 = arith.constant 0 : i32
    %dma_wait3A_217 = tpu.memref_slice %arg6[%dma_wait3A_214, %dma_wait3A_215, %dma_wait3A_216] : memref<10x64x128xf32, #tpu.memory_space<vmem>> -> memref<1x64x128xf32, #tpu.memory_space<vmem>>
    %dma_wait3A_218 = tpu.memref_squeeze %dma_wait3A_217 : memref<1x64x128xf32, #tpu.memory_space<vmem>> -> memref<64x128xf32, #tpu.memory_space<vmem>>
    %dma_wait3A_219 = arith.constant 0 : i32
    %dma_wait3A_220 = tpu.memref_slice %arg5[%dma_wait3A_213, %dma_wait3A_219] : memref<50x128xi32, #tpu.memory_space<vmem>> -> memref<1x64xi32, #tpu.memory_space<vmem>>
    %dma_wait3A_221 = tpu.memref_squeeze %dma_wait3A_220 : memref<1x64xi32, #tpu.memory_space<vmem>> -> memref<64xi32, #tpu.memory_space<vmem>>
    %dma_wait3A_222 = arith.constant 0 : i32
    %dma_wait3A_223 = arith.constant 0 : i32
    %dma_wait3A_224 = tpu.memref_slice %arg2[%dma_wait3A_222, %dma_wait3A_223] : memref<100000x128xf32, #tpu.memory_space<hbm>> -> memref<100000x128xf32, #tpu.memory_space<hbm>>
    tpu.wait_indirect_dma semaphore(%arg10 : memref<!tpu.dma_semaphore, #tpu.memory_space<semaphore_mem>>) src(%dma_wait3A_224 : memref<100000x128xf32, #tpu.memory_space<hbm>>) dst(%dma_wait3A_218 : memref<64x128xf32, #tpu.memory_space<vmem>>)
    %add3A_225 = arith.constant 64 : i32
    %add3A_226 = arith.addi %mul3A_4, %add3A_225 : i32
    %dma_start3A_227 = arith.constant 3 : i32
    %dma_start3A_228 = arith.constant 1 : i32
    %dma_start3A_229 = arith.constant 0 : i32
    %dma_start3A_230 = arith.constant 0 : i32
    %dma_start3A_231 = tpu.memref_slice %arg6[%dma_start3A_227, %dma_start3A_229, %dma_start3A_230] : memref<10x64x128xf32, #tpu.memory_space<vmem>> -> memref<1x64x128xf32, #tpu.memory_space<vmem>>
    %dma_start3A_232 = tpu.memref_squeeze %dma_start3A_231 : memref<1x64x128xf32, #tpu.memory_space<vmem>> -> memref<64x128xf32, #tpu.memory_space<vmem>>
    %dma_start3A_233 = arith.constant 0 : i32
    %dma_start3A_234 = tpu.memref_slice %arg4[%dma_start3A_228, %add3A_226, %dma_start3A_233] : memref<50x4096x128xf32, #tpu.memory_space<hbm>> -> memref<1x64x128xf32, #tpu.memory_space<hbm>>
    %dma_start3A_235 = tpu.memref_squeeze %dma_start3A_234 : memref<1x64x128xf32, #tpu.memory_space<hbm>> -> memref<64x128xf32, #tpu.memory_space<hbm>>
    %dma_start3A_236 = arith.constant 0 : i32
    %dma_start3A_237 = tpu.memref_slice %arg4[%dma_start3A_228, %add3A_226, %dma_start3A_236] : memref<50x4096x128xf32, #tpu.memory_space<hbm>> -> memref<1x64x128xf32, #tpu.memory_space<hbm>>
    %dma_start3A_238 = tpu.memref_squeeze %dma_start3A_237 : memref<1x64x128xf32, #tpu.memory_space<hbm>> -> memref<64x128xf32, #tpu.memory_space<hbm>>
    %dma_start3A_239 = arith.constant 0 : i32
    %dma_start3A_240 = arith.constant 0 : i32
    %dma_start3A_241 = tpu.memref_slice %arg6[%dma_start3A_227, %dma_start3A_239, %dma_start3A_240] : memref<10x64x128xf32, #tpu.memory_space<vmem>> -> memref<1x64x128xf32, #tpu.memory_space<vmem>>
    %dma_start3A_242 = tpu.memref_squeeze %dma_start3A_241 : memref<1x64x128xf32, #tpu.memory_space<vmem>> -> memref<64x128xf32, #tpu.memory_space<vmem>>
    tpu.enqueue_dma source(%dma_start3A_242 : memref<64x128xf32, #tpu.memory_space<vmem>>) target(%dma_start3A_238 : memref<64x128xf32, #tpu.memory_space<hbm>>) target_semaphore(%arg20 : memref<!tpu.dma_semaphore, #tpu.memory_space<semaphore_mem>>)
    %dma_wait3A_243 = arith.constant 0 : i32
    %dma_wait3A_244 = arith.constant 0 : i32
    %dma_wait3A_245 = arith.constant 0 : i32
    %dma_wait3A_246 = arith.constant 0 : i32
    %dma_wait3A_247 = tpu.memref_slice %arg6[%dma_wait3A_243, %dma_wait3A_245, %dma_wait3A_246] : memref<10x64x128xf32, #tpu.memory_space<vmem>> -> memref<1x64x128xf32, #tpu.memory_space<vmem>>
    %dma_wait3A_248 = tpu.memref_squeeze %dma_wait3A_247 : memref<1x64x128xf32, #tpu.memory_space<vmem>> -> memref<64x128xf32, #tpu.memory_space<vmem>>
    %dma_wait3A_249 = arith.constant 0 : i32
    %dma_wait3A_250 = tpu.memref_slice %arg4[%dma_wait3A_244, %mul3A_4, %dma_wait3A_249] : memref<50x4096x128xf32, #tpu.memory_space<hbm>> -> memref<1x64x128xf32, #tpu.memory_space<hbm>>
    %dma_wait3A_251 = tpu.memref_squeeze %dma_wait3A_250 : memref<1x64x128xf32, #tpu.memory_space<hbm>> -> memref<64x128xf32, #tpu.memory_space<hbm>>
    %dma_wait3A_252 = arith.constant 0 : i32
    %dma_wait3A_253 = tpu.memref_slice %arg4[%dma_wait3A_244, %mul3A_4, %dma_wait3A_252] : memref<50x4096x128xf32, #tpu.memory_space<hbm>> -> memref<1x64x128xf32, #tpu.memory_space<hbm>>
    %dma_wait3A_254 = tpu.memref_squeeze %dma_wait3A_253 : memref<1x64x128xf32, #tpu.memory_space<hbm>> -> memref<64x128xf32, #tpu.memory_space<hbm>>
    %dma_wait3A_255 = arith.constant 0 : i32
    %dma_wait3A_256 = arith.constant 0 : i32
    %dma_wait3A_257 = tpu.memref_slice %arg6[%dma_wait3A_243, %dma_wait3A_255, %dma_wait3A_256] : memref<10x64x128xf32, #tpu.memory_space<vmem>> -> memref<1x64x128xf32, #tpu.memory_space<vmem>>
    %dma_wait3A_258 = tpu.memref_squeeze %dma_wait3A_257 : memref<1x64x128xf32, #tpu.memory_space<vmem>> -> memref<64x128xf32, #tpu.memory_space<vmem>>
    tpu.wait_dma2 semaphore(%arg17 : memref<!tpu.dma_semaphore, #tpu.memory_space<semaphore_mem>>) src(%dma_wait3A_258 : memref<64x128xf32, #tpu.memory_space<vmem>>) dst(%dma_wait3A_254 : memref<64x128xf32, #tpu.memory_space<hbm>>)
    %dma_start3A_259 = arith.constant 5 : i32
    %dma_start3A_260 = arith.constant 0 : i32
    %dma_start3A_261 = arith.constant 0 : i32
    %dma_start3A_262 = arith.constant 0 : i32
    %dma_start3A_263 = tpu.memref_slice %arg6[%dma_start3A_260, %dma_start3A_261, %dma_start3A_262] : memref<10x64x128xf32, #tpu.memory_space<vmem>> -> memref<1x64x128xf32, #tpu.memory_space<vmem>>
    %dma_start3A_264 = tpu.memref_squeeze %dma_start3A_263 : memref<1x64x128xf32, #tpu.memory_space<vmem>> -> memref<64x128xf32, #tpu.memory_space<vmem>>
    %dma_start3A_265 = arith.constant 0 : i32
    %dma_start3A_266 = tpu.memref_slice %arg5[%dma_start3A_259, %dma_start3A_265] : memref<50x128xi32, #tpu.memory_space<vmem>> -> memref<1x64xi32, #tpu.memory_space<vmem>>
    %dma_start3A_267 = tpu.memref_squeeze %dma_start3A_266 : memref<1x64xi32, #tpu.memory_space<vmem>> -> memref<64xi32, #tpu.memory_space<vmem>>
    %dma_start3A_268 = arith.constant 0 : i32
    %dma_start3A_269 = arith.constant 0 : i32
    %dma_start3A_270 = tpu.memref_slice %arg2[%dma_start3A_268, %dma_start3A_269] : memref<100000x128xf32, #tpu.memory_space<hbm>> -> memref<100000x128xf32, #tpu.memory_space<hbm>>
    tpu.enqueue_indirect_dma source(%dma_start3A_270 : memref<100000x128xf32, #tpu.memory_space<hbm>>) target(%dma_start3A_264 : memref<64x128xf32, #tpu.memory_space<vmem>>) offsets(%dma_start3A_267 : memref<64xi32, #tpu.memory_space<vmem>>) semaphore(%arg7 : memref<!tpu.dma_semaphore, #tpu.memory_space<semaphore_mem>>)
    %dma_wait3A_271 = arith.constant 0 : i32
    %dma_wait3A_272 = arith.constant 4 : i32
    %dma_wait3A_273 = arith.constant 0 : i32
    %dma_wait3A_274 = arith.constant 0 : i32
    %dma_wait3A_275 = tpu.memref_slice %arg6[%dma_wait3A_272, %dma_wait3A_273, %dma_wait3A_274] : memref<10x64x128xf32, #tpu.memory_space<vmem>> -> memref<1x64x128xf32, #tpu.memory_space<vmem>>
    %dma_wait3A_276 = tpu.memref_squeeze %dma_wait3A_275 : memref<1x64x128xf32, #tpu.memory_space<vmem>> -> memref<64x128xf32, #tpu.memory_space<vmem>>
    %dma_wait3A_277 = arith.constant 0 : i32
    %dma_wait3A_278 = tpu.memref_slice %arg5[%dma_wait3A_271, %dma_wait3A_277] : memref<50x128xi32, #tpu.memory_space<vmem>> -> memref<1x64xi32, #tpu.memory_space<vmem>>
    %dma_wait3A_279 = tpu.memref_squeeze %dma_wait3A_278 : memref<1x64xi32, #tpu.memory_space<vmem>> -> memref<64xi32, #tpu.memory_space<vmem>>
    %dma_wait3A_280 = arith.constant 0 : i32
    %dma_wait3A_281 = arith.constant 0 : i32
    %dma_wait3A_282 = tpu.memref_slice %arg2[%dma_wait3A_280, %dma_wait3A_281] : memref<100000x128xf32, #tpu.memory_space<hbm>> -> memref<100000x128xf32, #tpu.memory_space<hbm>>
    tpu.wait_indirect_dma semaphore(%arg11 : memref<!tpu.dma_semaphore, #tpu.memory_space<semaphore_mem>>) src(%dma_wait3A_282 : memref<100000x128xf32, #tpu.memory_space<hbm>>) dst(%dma_wait3A_276 : memref<64x128xf32, #tpu.memory_space<vmem>>)
    %add3A_283 = arith.constant 0 : i32
    %add3A_284 = arith.addi %mul3A_4, %add3A_283 : i32
    %dma_start3A_285 = arith.constant 4 : i32
    %dma_start3A_286 = arith.constant 2 : i32
    %dma_start3A_287 = arith.constant 0 : i32
    %dma_start3A_288 = arith.constant 0 : i32
    %dma_start3A_289 = tpu.memref_slice %arg6[%dma_start3A_285, %dma_start3A_287, %dma_start3A_288] : memref<10x64x128xf32, #tpu.memory_space<vmem>> -> memref<1x64x128xf32, #tpu.memory_space<vmem>>
    %dma_start3A_290 = tpu.memref_squeeze %dma_start3A_289 : memref<1x64x128xf32, #tpu.memory_space<vmem>> -> memref<64x128xf32, #tpu.memory_space<vmem>>
    %dma_start3A_291 = arith.constant 0 : i32
    %dma_start3A_292 = tpu.memref_slice %arg4[%dma_start3A_286, %add3A_284, %dma_start3A_291] : memref<50x4096x128xf32, #tpu.memory_space<hbm>> -> memref<1x64x128xf32, #tpu.memory_space<hbm>>
    %dma_start3A_293 = tpu.memref_squeeze %dma_start3A_292 : memref<1x64x128xf32, #tpu.memory_space<hbm>> -> memref<64x128xf32, #tpu.memory_space<hbm>>
    %dma_start3A_294 = arith.constant 0 : i32
    %dma_start3A_295 = tpu.memref_slice %arg4[%dma_start3A_286, %add3A_284, %dma_start3A_294] : memref<50x4096x128xf32, #tpu.memory_space<hbm>> -> memref<1x64x128xf32, #tpu.memory_space<hbm>>
    %dma_start3A_296 = tpu.memref_squeeze %dma_start3A_295 : memref<1x64x128xf32, #tpu.memory_space<hbm>> -> memref<64x128xf32, #tpu.memory_space<hbm>>
    %dma_start3A_297 = arith.constant 0 : i32
    %dma_start3A_298 = arith.constant 0 : i32
    %dma_start3A_299 = tpu.memref_slice %arg6[%dma_start3A_285, %dma_start3A_297, %dma_start3A_298] : memref<10x64x128xf32, #tpu.memory_space<vmem>> -> memref<1x64x128xf32, #tpu.memory_space<vmem>>
    %dma_start3A_300 = tpu.memref_squeeze %dma_start3A_299 : memref<1x64x128xf32, #tpu.memory_space<vmem>> -> memref<64x128xf32, #tpu.memory_space<vmem>>
    tpu.enqueue_dma source(%dma_start3A_300 : memref<64x128xf32, #tpu.memory_space<vmem>>) target(%dma_start3A_296 : memref<64x128xf32, #tpu.memory_space<hbm>>) target_semaphore(%arg21 : memref<!tpu.dma_semaphore, #tpu.memory_space<semaphore_mem>>)
    %dma_wait3A_301 = arith.constant 1 : i32
    %dma_wait3A_302 = arith.constant 0 : i32
    %dma_wait3A_303 = arith.constant 0 : i32
    %dma_wait3A_304 = arith.constant 0 : i32
    %dma_wait3A_305 = tpu.memref_slice %arg6[%dma_wait3A_301, %dma_wait3A_303, %dma_wait3A_304] : memref<10x64x128xf32, #tpu.memory_space<vmem>> -> memref<1x64x128xf32, #tpu.memory_space<vmem>>
    %dma_wait3A_306 = tpu.memref_squeeze %dma_wait3A_305 : memref<1x64x128xf32, #tpu.memory_space<vmem>> -> memref<64x128xf32, #tpu.memory_space<vmem>>
    %dma_wait3A_307 = arith.constant 0 : i32
    %dma_wait3A_308 = tpu.memref_slice %arg4[%dma_wait3A_302, %mul3A_4, %dma_wait3A_307] : memref<50x4096x128xf32, #tpu.memory_space<hbm>> -> memref<1x64x128xf32, #tpu.memory_space<hbm>>
    %dma_wait3A_309 = tpu.memref_squeeze %dma_wait3A_308 : memref<1x64x128xf32, #tpu.memory_space<hbm>> -> memref<64x128xf32, #tpu.memory_space<hbm>>
    %dma_wait3A_310 = arith.constant 0 : i32
    %dma_wait3A_311 = tpu.memref_slice %arg4[%dma_wait3A_302, %mul3A_4, %dma_wait3A_310] : memref<50x4096x128xf32, #tpu.memory_space<hbm>> -> memref<1x64x128xf32, #tpu.memory_space<hbm>>
    %dma_wait3A_312 = tpu.memref_squeeze %dma_wait3A_311 : memref<1x64x128xf32, #tpu.memory_space<hbm>> -> memref<64x128xf32, #tpu.memory_space<hbm>>
    %dma_wait3A_313 = arith.constant 0 : i32
    %dma_wait3A_314 = arith.constant 0 : i32
    %dma_wait3A_315 = tpu.memref_slice %arg6[%dma_wait3A_301, %dma_wait3A_313, %dma_wait3A_314] : memref<10x64x128xf32, #tpu.memory_space<vmem>> -> memref<1x64x128xf32, #tpu.memory_space<vmem>>
    %dma_wait3A_316 = tpu.memref_squeeze %dma_wait3A_315 : memref<1x64x128xf32, #tpu.memory_space<vmem>> -> memref<64x128xf32, #tpu.memory_space<vmem>>
    tpu.wait_dma2 semaphore(%arg18 : memref<!tpu.dma_semaphore, #tpu.memory_space<semaphore_mem>>) src(%dma_wait3A_316 : memref<64x128xf32, #tpu.memory_space<vmem>>) dst(%dma_wait3A_312 : memref<64x128xf32, #tpu.memory_space<hbm>>)
    %dma_start3A_317 = arith.constant 5 : i32
    %dma_start3A_318 = arith.constant 1 : i32
    %dma_start3A_319 = arith.constant 0 : i32
    %dma_start3A_320 = arith.constant 0 : i32
    %dma_start3A_321 = tpu.memref_slice %arg6[%dma_start3A_318, %dma_start3A_319, %dma_start3A_320] : memref<10x64x128xf32, #tpu.memory_space<vmem>> -> memref<1x64x128xf32, #tpu.memory_space<vmem>>
    %dma_start3A_322 = tpu.memref_squeeze %dma_start3A_321 : memref<1x64x128xf32, #tpu.memory_space<vmem>> -> memref<64x128xf32, #tpu.memory_space<vmem>>
    %dma_start3A_323 = arith.constant 64 : i32
    %dma_start3A_324 = tpu.memref_slice %arg5[%dma_start3A_317, %dma_start3A_323] : memref<50x128xi32, #tpu.memory_space<vmem>> -> memref<1x64xi32, #tpu.memory_space<vmem>>
    %dma_start3A_325 = tpu.memref_squeeze %dma_start3A_324 : memref<1x64xi32, #tpu.memory_space<vmem>> -> memref<64xi32, #tpu.memory_space<vmem>>
    %dma_start3A_326 = arith.constant 0 : i32
    %dma_start3A_327 = arith.constant 0 : i32
    %dma_start3A_328 = tpu.memref_slice %arg2[%dma_start3A_326, %dma_start3A_327] : memref<100000x128xf32, #tpu.memory_space<hbm>> -> memref<100000x128xf32, #tpu.memory_space<hbm>>
    tpu.enqueue_indirect_dma source(%dma_start3A_328 : memref<100000x128xf32, #tpu.memory_space<hbm>>) target(%dma_start3A_322 : memref<64x128xf32, #tpu.memory_space<vmem>>) offsets(%dma_start3A_325 : memref<64xi32, #tpu.memory_space<vmem>>) semaphore(%arg8 : memref<!tpu.dma_semaphore, #tpu.memory_space<semaphore_mem>>)
    %dma_wait3A_329 = arith.constant 0 : i32
    %dma_wait3A_330 = arith.constant 5 : i32
    %dma_wait3A_331 = arith.constant 0 : i32
    %dma_wait3A_332 = arith.constant 0 : i32
    %dma_wait3A_333 = tpu.memref_slice %arg6[%dma_wait3A_330, %dma_wait3A_331, %dma_wait3A_332] : memref<10x64x128xf32, #tpu.memory_space<vmem>> -> memref<1x64x128xf32, #tpu.memory_space<vmem>>
    %dma_wait3A_334 = tpu.memref_squeeze %dma_wait3A_333 : memref<1x64x128xf32, #tpu.memory_space<vmem>> -> memref<64x128xf32, #tpu.memory_space<vmem>>
    %dma_wait3A_335 = arith.constant 0 : i32
    %dma_wait3A_336 = tpu.memref_slice %arg5[%dma_wait3A_329, %dma_wait3A_335] : memref<50x128xi32, #tpu.memory_space<vmem>> -> memref<1x64xi32, #tpu.memory_space<vmem>>
    %dma_wait3A_337 = tpu.memref_squeeze %dma_wait3A_336 : memref<1x64xi32, #tpu.memory_space<vmem>> -> memref<64xi32, #tpu.memory_space<vmem>>
    %dma_wait3A_338 = arith.constant 0 : i32
    %dma_wait3A_339 = arith.constant 0 : i32
    %dma_wait3A_340 = tpu.memref_slice %arg2[%dma_wait3A_338, %dma_wait3A_339] : memref<100000x128xf32, #tpu.memory_space<hbm>> -> memref<100000x128xf32, #tpu.memory_space<hbm>>
    tpu.wait_indirect_dma semaphore(%arg12 : memref<!tpu.dma_semaphore, #tpu.memory_space<semaphore_mem>>) src(%dma_wait3A_340 : memref<100000x128xf32, #tpu.memory_space<hbm>>) dst(%dma_wait3A_334 : memref<64x128xf32, #tpu.memory_space<vmem>>)
    %add3A_341 = arith.constant 64 : i32
    %add3A_342 = arith.addi %mul3A_4, %add3A_341 : i32
    %dma_start3A_343 = arith.constant 5 : i32
    %dma_start3A_344 = arith.constant 2 : i32
    %dma_start3A_345 = arith.constant 0 : i32
    %dma_start3A_346 = arith.constant 0 : i32
    %dma_start3A_347 = tpu.memref_slice %arg6[%dma_start3A_343, %dma_start3A_345, %dma_start3A_346] : memref<10x64x128xf32, #tpu.memory_space<vmem>> -> memref<1x64x128xf32, #tpu.memory_space<vmem>>
    %dma_start3A_348 = tpu.memref_squeeze %dma_start3A_347 : memref<1x64x128xf32, #tpu.memory_space<vmem>> -> memref<64x128xf32, #tpu.memory_space<vmem>>
    %dma_start3A_349 = arith.constant 0 : i32
    %dma_start3A_350 = tpu.memref_slice %arg4[%dma_start3A_344, %add3A_342, %dma_start3A_349] : memref<50x4096x128xf32, #tpu.memory_space<hbm>> -> memref<1x64x128xf32, #tpu.memory_space<hbm>>
    %dma_start3A_351 = tpu.memref_squeeze %dma_start3A_350 : memref<1x64x128xf32, #tpu.memory_space<hbm>> -> memref<64x128xf32, #tpu.memory_space<hbm>>
    %dma_start3A_352 = arith.constant 0 : i32
    %dma_start3A_353 = tpu.memref_slice %arg4[%dma_start3A_344, %add3A_342, %dma_start3A_352] : memref<50x4096x128xf32, #tpu.memory_space<hbm>> -> memref<1x64x128xf32, #tpu.memory_space<hbm>>
    %dma_start3A_354 = tpu.memref_squeeze %dma_start3A_353 : memref<1x64x128xf32, #tpu.memory_space<hbm>> -> memref<64x128xf32, #tpu.memory_space<hbm>>
    %dma_start3A_355 = arith.constant 0 : i32
    %dma_start3A_356 = arith.constant 0 : i32
    %dma_start3A_357 = tpu.memref_slice %arg6[%dma_start3A_343, %dma_start3A_355, %dma_start3A_356] : memref<10x64x128xf32, #tpu.memory_space<vmem>> -> memref<1x64x128xf32, #tpu.memory_space<vmem>>
    %dma_start3A_358 = tpu.memref_squeeze %dma_start3A_357 : memref<1x64x128xf32, #tpu.memory_space<vmem>> -> memref<64x128xf32, #tpu.memory_space<vmem>>
    tpu.enqueue_dma source(%dma_start3A_358 : memref<64x128xf32, #tpu.memory_space<vmem>>) target(%dma_start3A_354 : memref<64x128xf32, #tpu.memory_space<hbm>>) target_semaphore(%arg22 : memref<!tpu.dma_semaphore, #tpu.memory_space<semaphore_mem>>)
    %dma_wait3A_359 = arith.constant 2 : i32
    %dma_wait3A_360 = arith.constant 0 : i32
    %dma_wait3A_361 = arith.constant 0 : i32
    %dma_wait3A_362 = arith.constant 0 : i32
    %dma_wait3A_363 = tpu.memref_slice %arg6[%dma_wait3A_359, %dma_wait3A_361, %dma_wait3A_362] : memref<10x64x128xf32, #tpu.memory_space<vmem>> -> memref<1x64x128xf32, #tpu.memory_space<vmem>>
    %dma_wait3A_364 = tpu.memref_squeeze %dma_wait3A_363 : memref<1x64x128xf32, #tpu.memory_space<vmem>> -> memref<64x128xf32, #tpu.memory_space<vmem>>
    %dma_wait3A_365 = arith.constant 0 : i32
    %dma_wait3A_366 = tpu.memref_slice %arg4[%dma_wait3A_360, %mul3A_4, %dma_wait3A_365] : memref<50x4096x128xf32, #tpu.memory_space<hbm>> -> memref<1x64x128xf32, #tpu.memory_space<hbm>>
    %dma_wait3A_367 = tpu.memref_squeeze %dma_wait3A_366 : memref<1x64x128xf32, #tpu.memory_space<hbm>> -> memref<64x128xf32, #tpu.memory_space<hbm>>
    %dma_wait3A_368 = arith.constant 0 : i32
    %dma_wait3A_369 = tpu.memref_slice %arg4[%dma_wait3A_360, %mul3A_4, %dma_wait3A_368] : memref<50x4096x128xf32, #tpu.memory_space<hbm>> -> memref<1x64x128xf32, #tpu.memory_space<hbm>>
    %dma_wait3A_370 = tpu.memref_squeeze %dma_wait3A_369 : memref<1x64x128xf32, #tpu.memory_space<hbm>> -> memref<64x128xf32, #tpu.memory_space<hbm>>
    %dma_wait3A_371 = arith.constant 0 : i32
    %dma_wait3A_372 = arith.constant 0 : i32
    %dma_wait3A_373 = tpu.memref_slice %arg6[%dma_wait3A_359, %dma_wait3A_371, %dma_wait3A_372] : memref<10x64x128xf32, #tpu.memory_space<vmem>> -> memref<1x64x128xf32, #tpu.memory_space<vmem>>
    %dma_wait3A_374 = tpu.memref_squeeze %dma_wait3A_373 : memref<1x64x128xf32, #tpu.memory_space<vmem>> -> memref<64x128xf32, #tpu.memory_space<vmem>>
    tpu.wait_dma2 semaphore(%arg19 : memref<!tpu.dma_semaphore, #tpu.memory_space<semaphore_mem>>) src(%dma_wait3A_374 : memref<64x128xf32, #tpu.memory_space<vmem>>) dst(%dma_wait3A_370 : memref<64x128xf32, #tpu.memory_space<hbm>>)
    %dma_start3A_375 = arith.constant 6 : i32
    %dma_start3A_376 = arith.constant 2 : i32
    %dma_start3A_377 = arith.constant 0 : i32
    %dma_start3A_378 = arith.constant 0 : i32
    %dma_start3A_379 = tpu.memref_slice %arg6[%dma_start3A_376, %dma_start3A_377, %dma_start3A_378] : memref<10x64x128xf32, #tpu.memory_space<vmem>> -> memref<1x64x128xf32, #tpu.memory_space<vmem>>
    %dma_start3A_380 = tpu.memref_squeeze %dma_start3A_379 : memref<1x64x128xf32, #tpu.memory_space<vmem>> -> memref<64x128xf32, #tpu.memory_space<vmem>>
    %dma_start3A_381 = arith.constant 0 : i32
    %dma_start3A_382 = tpu.memref_slice %arg5[%dma_start3A_375, %dma_start3A_381] : memref<50x128xi32, #tpu.memory_space<vmem>> -> memref<1x64xi32, #tpu.memory_space<vmem>>
    %dma_start3A_383 = tpu.memref_squeeze %dma_start3A_382 : memref<1x64xi32, #tpu.memory_space<vmem>> -> memref<64xi32, #tpu.memory_space<vmem>>
    %dma_start3A_384 = arith.constant 0 : i32
    %dma_start3A_385 = arith.constant 0 : i32
    %dma_start3A_386 = tpu.memref_slice %arg2[%dma_start3A_384, %dma_start3A_385] : memref<100000x128xf32, #tpu.memory_space<hbm>> -> memref<100000x128xf32, #tpu.memory_space<hbm>>
    tpu.enqueue_indirect_dma source(%dma_start3A_386 : memref<100000x128xf32, #tpu.memory_space<hbm>>) target(%dma_start3A_380 : memref<64x128xf32, #tpu.memory_space<vmem>>) offsets(%dma_start3A_383 : memref<64xi32, #tpu.memory_space<vmem>>) semaphore(%arg9 : memref<!tpu.dma_semaphore, #tpu.memory_space<semaphore_mem>>)
    %dma_wait3A_387 = arith.constant 0 : i32
    %dma_wait3A_388 = arith.constant 6 : i32
    %dma_wait3A_389 = arith.constant 0 : i32
    %dma_wait3A_390 = arith.constant 0 : i32
    %dma_wait3A_391 = tpu.memref_slice %arg6[%dma_wait3A_388, %dma_wait3A_389, %dma_wait3A_390] : memref<10x64x128xf32, #tpu.memory_space<vmem>> -> memref<1x64x128xf32, #tpu.memory_space<vmem>>
    %dma_wait3A_392 = tpu.memref_squeeze %dma_wait3A_391 : memref<1x64x128xf32, #tpu.memory_space<vmem>> -> memref<64x128xf32, #tpu.memory_space<vmem>>
    %dma_wait3A_393 = arith.constant 0 : i32
    %dma_wait3A_394 = tpu.memref_slice %arg5[%dma_wait3A_387, %dma_wait3A_393] : memref<50x128xi32, #tpu.memory_space<vmem>> -> memref<1x64xi32, #tpu.memory_space<vmem>>
    %dma_wait3A_395 = tpu.memref_squeeze %dma_wait3A_394 : memref<1x64xi32, #tpu.memory_space<vmem>> -> memref<64xi32, #tpu.memory_space<vmem>>
    %dma_wait3A_396 = arith.constant 0 : i32
    %dma_wait3A_397 = arith.constant 0 : i32
    %dma_wait3A_398 = tpu.memref_slice %arg2[%dma_wait3A_396, %dma_wait3A_397] : memref<100000x128xf32, #tpu.memory_space<hbm>> -> memref<100000x128xf32, #tpu.memory_space<hbm>>
    tpu.wait_indirect_dma semaphore(%arg13 : memref<!tpu.dma_semaphore, #tpu.memory_space<semaphore_mem>>) src(%dma_wait3A_398 : memref<100000x128xf32, #tpu.memory_space<hbm>>) dst(%dma_wait3A_392 : memref<64x128xf32, #tpu.memory_space<vmem>>)
    %add3A_399 = arith.constant 0 : i32
    %add3A_400 = arith.addi %mul3A_4, %add3A_399 : i32
    %dma_start3A_401 = arith.constant 6 : i32
    %dma_start3A_402 = arith.constant 3 : i32
    %dma_start3A_403 = arith.constant 0 : i32
    %dma_start3A_404 = arith.constant 0 : i32
    %dma_start3A_405 = tpu.memref_slice %arg6[%dma_start3A_401, %dma_start3A_403, %dma_start3A_404] : memref<10x64x128xf32, #tpu.memory_space<vmem>> -> memref<1x64x128xf32, #tpu.memory_space<vmem>>
    %dma_start3A_406 = tpu.memref_squeeze %dma_start3A_405 : memref<1x64x128xf32, #tpu.memory_space<vmem>> -> memref<64x128xf32, #tpu.memory_space<vmem>>
    %dma_start3A_407 = arith.constant 0 : i32
    %dma_start3A_408 = tpu.memref_slice %arg4[%dma_start3A_402, %add3A_400, %dma_start3A_407] : memref<50x4096x128xf32, #tpu.memory_space<hbm>> -> memref<1x64x128xf32, #tpu.memory_space<hbm>>
    %dma_start3A_409 = tpu.memref_squeeze %dma_start3A_408 : memref<1x64x128xf32, #tpu.memory_space<hbm>> -> memref<64x128xf32, #tpu.memory_space<hbm>>
    %dma_start3A_410 = arith.constant 0 : i32
    %dma_start3A_411 = tpu.memref_slice %arg4[%dma_start3A_402, %add3A_400, %dma_start3A_410] : memref<50x4096x128xf32, #tpu.memory_space<hbm>> -> memref<1x64x128xf32, #tpu.memory_space<hbm>>
    %dma_start3A_412 = tpu.memref_squeeze %dma_start3A_411 : memref<1x64x128xf32, #tpu.memory_space<hbm>> -> memref<64x128xf32, #tpu.memory_space<hbm>>
    %dma_start3A_413 = arith.constant 0 : i32
    %dma_start3A_414 = arith.constant 0 : i32
    %dma_start3A_415 = tpu.memref_slice %arg6[%dma_start3A_401, %dma_start3A_413, %dma_start3A_414] : memref<10x64x128xf32, #tpu.memory_space<vmem>> -> memref<1x64x128xf32, #tpu.memory_space<vmem>>
    %dma_start3A_416 = tpu.memref_squeeze %dma_start3A_415 : memref<1x64x128xf32, #tpu.memory_space<vmem>> -> memref<64x128xf32, #tpu.memory_space<vmem>>
    tpu.enqueue_dma source(%dma_start3A_416 : memref<64x128xf32, #tpu.memory_space<vmem>>) target(%dma_start3A_412 : memref<64x128xf32, #tpu.memory_space<hbm>>) target_semaphore(%arg23 : memref<!tpu.dma_semaphore, #tpu.memory_space<semaphore_mem>>)
    %dma_wait3A_417 = arith.constant 3 : i32
    %dma_wait3A_418 = arith.constant 0 : i32
    %dma_wait3A_419 = arith.constant 0 : i32
    %dma_wait3A_420 = arith.constant 0 : i32
    %dma_wait3A_421 = tpu.memref_slice %arg6[%dma_wait3A_417, %dma_wait3A_419, %dma_wait3A_420] : memref<10x64x128xf32, #tpu.memory_space<vmem>> -> memref<1x64x128xf32, #tpu.memory_space<vmem>>
    %dma_wait3A_422 = tpu.memref_squeeze %dma_wait3A_421 : memref<1x64x128xf32, #tpu.memory_space<vmem>> -> memref<64x128xf32, #tpu.memory_space<vmem>>
    %dma_wait3A_423 = arith.constant 0 : i32
    %dma_wait3A_424 = tpu.memref_slice %arg4[%dma_wait3A_418, %mul3A_4, %dma_wait3A_423] : memref<50x4096x128xf32, #tpu.memory_space<hbm>> -> memref<1x64x128xf32, #tpu.memory_space<hbm>>
    %dma_wait3A_425 = tpu.memref_squeeze %dma_wait3A_424 : memref<1x64x128xf32, #tpu.memory_space<hbm>> -> memref<64x128xf32, #tpu.memory_space<hbm>>
    %dma_wait3A_426 = arith.constant 0 : i32
    %dma_wait3A_427 = tpu.memref_slice %arg4[%dma_wait3A_418, %mul3A_4, %dma_wait3A_426] : memref<50x4096x128xf32, #tpu.memory_space<hbm>> -> memref<1x64x128xf32, #tpu.memory_space<hbm>>
    %dma_wait3A_428 = tpu.memref_squeeze %dma_wait3A_427 : memref<1x64x128xf32, #tpu.memory_space<hbm>> -> memref<64x128xf32, #tpu.memory_space<hbm>>
    %dma_wait3A_429 = arith.constant 0 : i32
    %dma_wait3A_430 = arith.constant 0 : i32
    %dma_wait3A_431 = tpu.memref_slice %arg6[%dma_wait3A_417, %dma_wait3A_429, %dma_wait3A_430] : memref<10x64x128xf32, #tpu.memory_space<vmem>> -> memref<1x64x128xf32, #tpu.memory_space<vmem>>
    %dma_wait3A_432 = tpu.memref_squeeze %dma_wait3A_431 : memref<1x64x128xf32, #tpu.memory_space<vmem>> -> memref<64x128xf32, #tpu.memory_space<vmem>>
    tpu.wait_dma2 semaphore(%arg20 : memref<!tpu.dma_semaphore, #tpu.memory_space<semaphore_mem>>) src(%dma_wait3A_432 : memref<64x128xf32, #tpu.memory_space<vmem>>) dst(%dma_wait3A_428 : memref<64x128xf32, #tpu.memory_space<hbm>>)
    %dma_start3A_433 = arith.constant 6 : i32
    %dma_start3A_434 = arith.constant 3 : i32
    %dma_start3A_435 = arith.constant 0 : i32
    %dma_start3A_436 = arith.constant 0 : i32
    %dma_start3A_437 = tpu.memref_slice %arg6[%dma_start3A_434, %dma_start3A_435, %dma_start3A_436] : memref<10x64x128xf32, #tpu.memory_space<vmem>> -> memref<1x64x128xf32, #tpu.memory_space<vmem>>
    %dma_start3A_438 = tpu.memref_squeeze %dma_start3A_437 : memref<1x64x128xf32, #tpu.memory_space<vmem>> -> memref<64x128xf32, #tpu.memory_space<vmem>>
    %dma_start3A_439 = arith.constant 64 : i32
    %dma_start3A_440 = tpu.memref_slice %arg5[%dma_start3A_433, %dma_start3A_439] : memref<50x128xi32, #tpu.memory_space<vmem>> -> memref<1x64xi32, #tpu.memory_space<vmem>>
    %dma_start3A_441 = tpu.memref_squeeze %dma_start3A_440 : memref<1x64xi32, #tpu.memory_space<vmem>> -> memref<64xi32, #tpu.memory_space<vmem>>
    %dma_start3A_442 = arith.constant 0 : i32
    %dma_start3A_443 = arith.constant 0 : i32
    %dma_start3A_444 = tpu.memref_slice %arg2[%dma_start3A_442, %dma_start3A_443] : memref<100000x128xf32, #tpu.memory_space<hbm>> -> memref<100000x128xf32, #tpu.memory_space<hbm>>
    tpu.enqueue_indirect_dma source(%dma_start3A_444 : memref<100000x128xf32, #tpu.memory_space<hbm>>) target(%dma_start3A_438 : memref<64x128xf32, #tpu.memory_space<vmem>>) offsets(%dma_start3A_441 : memref<64xi32, #tpu.memory_space<vmem>>) semaphore(%arg10 : memref<!tpu.dma_semaphore, #tpu.memory_space<semaphore_mem>>)
    %dma_wait3A_445 = arith.constant 0 : i32
    %dma_wait3A_446 = arith.constant 7 : i32
    %dma_wait3A_447 = arith.constant 0 : i32
    %dma_wait3A_448 = arith.constant 0 : i32
    %dma_wait3A_449 = tpu.memref_slice %arg6[%dma_wait3A_446, %dma_wait3A_447, %dma_wait3A_448] : memref<10x64x128xf32, #tpu.memory_space<vmem>> -> memref<1x64x128xf32, #tpu.memory_space<vmem>>
    %dma_wait3A_450 = tpu.memref_squeeze %dma_wait3A_449 : memref<1x64x128xf32, #tpu.memory_space<vmem>> -> memref<64x128xf32, #tpu.memory_space<vmem>>
    %dma_wait3A_451 = arith.constant 0 : i32
    %dma_wait3A_452 = tpu.memref_slice %arg5[%dma_wait3A_445, %dma_wait3A_451] : memref<50x128xi32, #tpu.memory_space<vmem>> -> memref<1x64xi32, #tpu.memory_space<vmem>>
    %dma_wait3A_453 = tpu.memref_squeeze %dma_wait3A_452 : memref<1x64xi32, #tpu.memory_space<vmem>> -> memref<64xi32, #tpu.memory_space<vmem>>
    %dma_wait3A_454 = arith.constant 0 : i32
    %dma_wait3A_455 = arith.constant 0 : i32
    %dma_wait3A_456 = tpu.memref_slice %arg2[%dma_wait3A_454, %dma_wait3A_455] : memref<100000x128xf32, #tpu.memory_space<hbm>> -> memref<100000x128xf32, #tpu.memory_space<hbm>>
    tpu.wait_indirect_dma semaphore(%arg14 : memref<!tpu.dma_semaphore, #tpu.memory_space<semaphore_mem>>) src(%dma_wait3A_456 : memref<100000x128xf32, #tpu.memory_space<hbm>>) dst(%dma_wait3A_450 : memref<64x128xf32, #tpu.memory_space<vmem>>)
    %add3A_457 = arith.constant 64 : i32
    %add3A_458 = arith.addi %mul3A_4, %add3A_457 : i32
    %dma_start3A_459 = arith.constant 7 : i32
    %dma_start3A_460 = arith.constant 3 : i32
    %dma_start3A_461 = arith.constant 0 : i32
    %dma_start3A_462 = arith.constant 0 : i32
    %dma_start3A_463 = tpu.memref_slice %arg6[%dma_start3A_459, %dma_start3A_461, %dma_start3A_462] : memref<10x64x128xf32, #tpu.memory_space<vmem>> -> memref<1x64x128xf32, #tpu.memory_space<vmem>>
    %dma_start3A_464 = tpu.memref_squeeze %dma_start3A_463 : memref<1x64x128xf32, #tpu.memory_space<vmem>> -> memref<64x128xf32, #tpu.memory_space<vmem>>
    %dma_start3A_465 = arith.constant 0 : i32
    %dma_start3A_466 = tpu.memref_slice %arg4[%dma_start3A_460, %add3A_458, %dma_start3A_465] : memref<50x4096x128xf32, #tpu.memory_space<hbm>> -> memref<1x64x128xf32, #tpu.memory_space<hbm>>
    %dma_start3A_467 = tpu.memref_squeeze %dma_start3A_466 : memref<1x64x128xf32, #tpu.memory_space<hbm>> -> memref<64x128xf32, #tpu.memory_space<hbm>>
    %dma_start3A_468 = arith.constant 0 : i32
    %dma_start3A_469 = tpu.memref_slice %arg4[%dma_start3A_460, %add3A_458, %dma_start3A_468] : memref<50x4096x128xf32, #tpu.memory_space<hbm>> -> memref<1x64x128xf32, #tpu.memory_space<hbm>>
    %dma_start3A_470 = tpu.memref_squeeze %dma_start3A_469 : memref<1x64x128xf32, #tpu.memory_space<hbm>> -> memref<64x128xf32, #tpu.memory_space<hbm>>
    %dma_start3A_471 = arith.constant 0 : i32
    %dma_start3A_472 = arith.constant 0 : i32
    %dma_start3A_473 = tpu.memref_slice %arg6[%dma_start3A_459, %dma_start3A_471, %dma_start3A_472] : memref<10x64x128xf32, #tpu.memory_space<vmem>> -> memref<1x64x128xf32, #tpu.memory_space<vmem>>
    %dma_start3A_474 = tpu.memref_squeeze %dma_start3A_473 : memref<1x64x128xf32, #tpu.memory_space<vmem>> -> memref<64x128xf32, #tpu.memory_space<vmem>>
    tpu.enqueue_dma source(%dma_start3A_474 : memref<64x128xf32, #tpu.memory_space<vmem>>) target(%dma_start3A_470 : memref<64x128xf32, #tpu.memory_space<hbm>>) target_semaphore(%arg24 : memref<!tpu.dma_semaphore, #tpu.memory_space<semaphore_mem>>)
    %dma_wait3A_475 = arith.constant 4 : i32
    %dma_wait3A_476 = arith.constant 0 : i32
    %dma_wait3A_477 = arith.constant 0 : i32
    %dma_wait3A_478 = arith.constant 0 : i32
    %dma_wait3A_479 = tpu.memref_slice %arg6[%dma_wait3A_475, %dma_wait3A_477, %dma_wait3A_478] : memref<10x64x128xf32, #tpu.memory_space<vmem>> -> memref<1x64x128xf32, #tpu.memory_space<vmem>>
    %dma_wait3A_480 = tpu.memref_squeeze %dma_wait3A_479 : memref<1x64x128xf32, #tpu.memory_space<vmem>> -> memref<64x128xf32, #tpu.memory_space<vmem>>
    %dma_wait3A_481 = arith.constant 0 : i32
    %dma_wait3A_482 = tpu.memref_slice %arg4[%dma_wait3A_476, %mul3A_4, %dma_wait3A_481] : memref<50x4096x128xf32, #tpu.memory_space<hbm>> -> memref<1x64x128xf32, #tpu.memory_space<hbm>>
    %dma_wait3A_483 = tpu.memref_squeeze %dma_wait3A_482 : memref<1x64x128xf32, #tpu.memory_space<hbm>> -> memref<64x128xf32, #tpu.memory_space<hbm>>
    %dma_wait3A_484 = arith.constant 0 : i32
    %dma_wait3A_485 = tpu.memref_slice %arg4[%dma_wait3A_476, %mul3A_4, %dma_wait3A_484] : memref<50x4096x128xf32, #tpu.memory_space<hbm>> -> memref<1x64x128xf32, #tpu.memory_space<hbm>>
    %dma_wait3A_486 = tpu.memref_squeeze %dma_wait3A_485 : memref<1x64x128xf32, #tpu.memory_space<hbm>> -> memref<64x128xf32, #tpu.memory_space<hbm>>
    %dma_wait3A_487 = arith.constant 0 : i32
    %dma_wait3A_488 = arith.constant 0 : i32
    %dma_wait3A_489 = tpu.memref_slice %arg6[%dma_wait3A_475, %dma_wait3A_487, %dma_wait3A_488] : memref<10x64x128xf32, #tpu.memory_space<vmem>> -> memref<1x64x128xf32, #tpu.memory_space<vmem>>
    %dma_wait3A_490 = tpu.memref_squeeze %dma_wait3A_489 : memref<1x64x128xf32, #tpu.memory_space<vmem>> -> memref<64x128xf32, #tpu.memory_space<vmem>>
    tpu.wait_dma2 semaphore(%arg21 : memref<!tpu.dma_semaphore, #tpu.memory_space<semaphore_mem>>) src(%dma_wait3A_490 : memref<64x128xf32, #tpu.memory_space<vmem>>) dst(%dma_wait3A_486 : memref<64x128xf32, #tpu.memory_space<hbm>>)
    %dma_start3A_491 = arith.constant 7 : i32
    %dma_start3A_492 = arith.constant 4 : i32
    %dma_start3A_493 = arith.constant 0 : i32
    %dma_start3A_494 = arith.constant 0 : i32
    %dma_start3A_495 = tpu.memref_slice %arg6[%dma_start3A_492, %dma_start3A_493, %dma_start3A_494] : memref<10x64x128xf32, #tpu.memory_space<vmem>> -> memref<1x64x128xf32, #tpu.memory_space<vmem>>
    %dma_start3A_496 = tpu.memref_squeeze %dma_start3A_495 : memref<1x64x128xf32, #tpu.memory_space<vmem>> -> memref<64x128xf32, #tpu.memory_space<vmem>>
    %dma_start3A_497 = arith.constant 0 : i32
    %dma_start3A_498 = tpu.memref_slice %arg5[%dma_start3A_491, %dma_start3A_497] : memref<50x128xi32, #tpu.memory_space<vmem>> -> memref<1x64xi32, #tpu.memory_space<vmem>>
    %dma_start3A_499 = tpu.memref_squeeze %dma_start3A_498 : memref<1x64xi32, #tpu.memory_space<vmem>> -> memref<64xi32, #tpu.memory_space<vmem>>
    %dma_start3A_500 = arith.constant 0 : i32
    %dma_start3A_501 = arith.constant 0 : i32
    %dma_start3A_502 = tpu.memref_slice %arg2[%dma_start3A_500, %dma_start3A_501] : memref<100000x128xf32, #tpu.memory_space<hbm>> -> memref<100000x128xf32, #tpu.memory_space<hbm>>
    tpu.enqueue_indirect_dma source(%dma_start3A_502 : memref<100000x128xf32, #tpu.memory_space<hbm>>) target(%dma_start3A_496 : memref<64x128xf32, #tpu.memory_space<vmem>>) offsets(%dma_start3A_499 : memref<64xi32, #tpu.memory_space<vmem>>) semaphore(%arg11 : memref<!tpu.dma_semaphore, #tpu.memory_space<semaphore_mem>>)
    %dma_wait3A_503 = arith.constant 0 : i32
    %dma_wait3A_504 = arith.constant 8 : i32
    %dma_wait3A_505 = arith.constant 0 : i32
    %dma_wait3A_506 = arith.constant 0 : i32
    %dma_wait3A_507 = tpu.memref_slice %arg6[%dma_wait3A_504, %dma_wait3A_505, %dma_wait3A_506] : memref<10x64x128xf32, #tpu.memory_space<vmem>> -> memref<1x64x128xf32, #tpu.memory_space<vmem>>
    %dma_wait3A_508 = tpu.memref_squeeze %dma_wait3A_507 : memref<1x64x128xf32, #tpu.memory_space<vmem>> -> memref<64x128xf32, #tpu.memory_space<vmem>>
    %dma_wait3A_509 = arith.constant 0 : i32
    %dma_wait3A_510 = tpu.memref_slice %arg5[%dma_wait3A_503, %dma_wait3A_509] : memref<50x128xi32, #tpu.memory_space<vmem>> -> memref<1x64xi32, #tpu.memory_space<vmem>>
    %dma_wait3A_511 = tpu.memref_squeeze %dma_wait3A_510 : memref<1x64xi32, #tpu.memory_space<vmem>> -> memref<64xi32, #tpu.memory_space<vmem>>
    %dma_wait3A_512 = arith.constant 0 : i32
    %dma_wait3A_513 = arith.constant 0 : i32
    %dma_wait3A_514 = tpu.memref_slice %arg2[%dma_wait3A_512, %dma_wait3A_513] : memref<100000x128xf32, #tpu.memory_space<hbm>> -> memref<100000x128xf32, #tpu.memory_space<hbm>>
    tpu.wait_indirect_dma semaphore(%arg15 : memref<!tpu.dma_semaphore, #tpu.memory_space<semaphore_mem>>) src(%dma_wait3A_514 : memref<100000x128xf32, #tpu.memory_space<hbm>>) dst(%dma_wait3A_508 : memref<64x128xf32, #tpu.memory_space<vmem>>)
    %add3A_515 = arith.constant 0 : i32
    %add3A_516 = arith.addi %mul3A_4, %add3A_515 : i32
    %dma_start3A_517 = arith.constant 8 : i32
    %dma_start3A_518 = arith.constant 4 : i32
    %dma_start3A_519 = arith.constant 0 : i32
    %dma_start3A_520 = arith.constant 0 : i32
    %dma_start3A_521 = tpu.memref_slice %arg6[%dma_start3A_517, %dma_start3A_519, %dma_start3A_520] : memref<10x64x128xf32, #tpu.memory_space<vmem>> -> memref<1x64x128xf32, #tpu.memory_space<vmem>>
    %dma_start3A_522 = tpu.memref_squeeze %dma_start3A_521 : memref<1x64x128xf32, #tpu.memory_space<vmem>> -> memref<64x128xf32, #tpu.memory_space<vmem>>
    %dma_start3A_523 = arith.constant 0 : i32
    %dma_start3A_524 = tpu.memref_slice %arg4[%dma_start3A_518, %add3A_516, %dma_start3A_523] : memref<50x4096x128xf32, #tpu.memory_space<hbm>> -> memref<1x64x128xf32, #tpu.memory_space<hbm>>
    %dma_start3A_525 = tpu.memref_squeeze %dma_start3A_524 : memref<1x64x128xf32, #tpu.memory_space<hbm>> -> memref<64x128xf32, #tpu.memory_space<hbm>>
    %dma_start3A_526 = arith.constant 0 : i32
    %dma_start3A_527 = tpu.memref_slice %arg4[%dma_start3A_518, %add3A_516, %dma_start3A_526] : memref<50x4096x128xf32, #tpu.memory_space<hbm>> -> memref<1x64x128xf32, #tpu.memory_space<hbm>>
    %dma_start3A_528 = tpu.memref_squeeze %dma_start3A_527 : memref<1x64x128xf32, #tpu.memory_space<hbm>> -> memref<64x128xf32, #tpu.memory_space<hbm>>
    %dma_start3A_529 = arith.constant 0 : i32
    %dma_start3A_530 = arith.constant 0 : i32
    %dma_start3A_531 = tpu.memref_slice %arg6[%dma_start3A_517, %dma_start3A_529, %dma_start3A_530] : memref<10x64x128xf32, #tpu.memory_space<vmem>> -> memref<1x64x128xf32, #tpu.memory_space<vmem>>
    %dma_start3A_532 = tpu.memref_squeeze %dma_start3A_531 : memref<1x64x128xf32, #tpu.memory_space<vmem>> -> memref<64x128xf32, #tpu.memory_space<vmem>>
    tpu.enqueue_dma source(%dma_start3A_532 : memref<64x128xf32, #tpu.memory_space<vmem>>) target(%dma_start3A_528 : memref<64x128xf32, #tpu.memory_space<hbm>>) target_semaphore(%arg25 : memref<!tpu.dma_semaphore, #tpu.memory_space<semaphore_mem>>)
    %dma_wait3A_533 = arith.constant 5 : i32
    %dma_wait3A_534 = arith.constant 0 : i32
    %dma_wait3A_535 = arith.constant 0 : i32
    %dma_wait3A_536 = arith.constant 0 : i32
    %dma_wait3A_537 = tpu.memref_slice %arg6[%dma_wait3A_533, %dma_wait3A_535, %dma_wait3A_536] : memref<10x64x128xf32, #tpu.memory_space<vmem>> -> memref<1x64x128xf32, #tpu.memory_space<vmem>>
    %dma_wait3A_538 = tpu.memref_squeeze %dma_wait3A_537 : memref<1x64x128xf32, #tpu.memory_space<vmem>> -> memref<64x128xf32, #tpu.memory_space<vmem>>
    %dma_wait3A_539 = arith.constant 0 : i32
    %dma_wait3A_540 = tpu.memref_slice %arg4[%dma_wait3A_534, %mul3A_4, %dma_wait3A_539] : memref<50x4096x128xf32, #tpu.memory_space<hbm>> -> memref<1x64x128xf32, #tpu.memory_space<hbm>>
    %dma_wait3A_541 = tpu.memref_squeeze %dma_wait3A_540 : memref<1x64x128xf32, #tpu.memory_space<hbm>> -> memref<64x128xf32, #tpu.memory_space<hbm>>
    %dma_wait3A_542 = arith.constant 0 : i32
    %dma_wait3A_543 = tpu.memref_slice %arg4[%dma_wait3A_534, %mul3A_4, %dma_wait3A_542] : memref<50x4096x128xf32, #tpu.memory_space<hbm>> -> memref<1x64x128xf32, #tpu.memory_space<hbm>>
    %dma_wait3A_544 = tpu.memref_squeeze %dma_wait3A_543 : memref<1x64x128xf32, #tpu.memory_space<hbm>> -> memref<64x128xf32, #tpu.memory_space<hbm>>
    %dma_wait3A_545 = arith.constant 0 : i32
    %dma_wait3A_546 = arith.constant 0 : i32
    %dma_wait3A_547 = tpu.memref_slice %arg6[%dma_wait3A_533, %dma_wait3A_545, %dma_wait3A_546] : memref<10x64x128xf32, #tpu.memory_space<vmem>> -> memref<1x64x128xf32, #tpu.memory_space<vmem>>
    %dma_wait3A_548 = tpu.memref_squeeze %dma_wait3A_547 : memref<1x64x128xf32, #tpu.memory_space<vmem>> -> memref<64x128xf32, #tpu.memory_space<vmem>>
    tpu.wait_dma2 semaphore(%arg22 : memref<!tpu.dma_semaphore, #tpu.memory_space<semaphore_mem>>) src(%dma_wait3A_548 : memref<64x128xf32, #tpu.memory_space<vmem>>) dst(%dma_wait3A_544 : memref<64x128xf32, #tpu.memory_space<hbm>>)
    %dma_start3A_549 = arith.constant 7 : i32
    %dma_start3A_550 = arith.constant 5 : i32
    %dma_start3A_551 = arith.constant 0 : i32
    %dma_start3A_552 = arith.constant 0 : i32
    %dma_start3A_553 = tpu.memref_slice %arg6[%dma_start3A_550, %dma_start3A_551, %dma_start3A_552] : memref<10x64x128xf32, #tpu.memory_space<vmem>> -> memref<1x64x128xf32, #tpu.memory_space<vmem>>
    %dma_start3A_554 = tpu.memref_squeeze %dma_start3A_553 : memref<1x64x128xf32, #tpu.memory_space<vmem>> -> memref<64x128xf32, #tpu.memory_space<vmem>>
    %dma_start3A_555 = arith.constant 64 : i32
    %dma_start3A_556 = tpu.memref_slice %arg5[%dma_start3A_549, %dma_start3A_555] : memref<50x128xi32, #tpu.memory_space<vmem>> -> memref<1x64xi32, #tpu.memory_space<vmem>>
    %dma_start3A_557 = tpu.memref_squeeze %dma_start3A_556 : memref<1x64xi32, #tpu.memory_space<vmem>> -> memref<64xi32, #tpu.memory_space<vmem>>
    %dma_start3A_558 = arith.constant 0 : i32
    %dma_start3A_559 = arith.constant 0 : i32
    %dma_start3A_560 = tpu.memref_slice %arg2[%dma_start3A_558, %dma_start3A_559] : memref<100000x128xf32, #tpu.memory_space<hbm>> -> memref<100000x128xf32, #tpu.memory_space<hbm>>
    tpu.enqueue_indirect_dma source(%dma_start3A_560 : memref<100000x128xf32, #tpu.memory_space<hbm>>) target(%dma_start3A_554 : memref<64x128xf32, #tpu.memory_space<vmem>>) offsets(%dma_start3A_557 : memref<64xi32, #tpu.memory_space<vmem>>) semaphore(%arg12 : memref<!tpu.dma_semaphore, #tpu.memory_space<semaphore_mem>>)
    %dma_wait3A_561 = arith.constant 0 : i32
    %dma_wait3A_562 = arith.constant 9 : i32
    %dma_wait3A_563 = arith.constant 0 : i32
    %dma_wait3A_564 = arith.constant 0 : i32
    %dma_wait3A_565 = tpu.memref_slice %arg6[%dma_wait3A_562, %dma_wait3A_563, %dma_wait3A_564] : memref<10x64x128xf32, #tpu.memory_space<vmem>> -> memref<1x64x128xf32, #tpu.memory_space<vmem>>
    %dma_wait3A_566 = tpu.memref_squeeze %dma_wait3A_565 : memref<1x64x128xf32, #tpu.memory_space<vmem>> -> memref<64x128xf32, #tpu.memory_space<vmem>>
    %dma_wait3A_567 = arith.constant 0 : i32
    %dma_wait3A_568 = tpu.memref_slice %arg5[%dma_wait3A_561, %dma_wait3A_567] : memref<50x128xi32, #tpu.memory_space<vmem>> -> memref<1x64xi32, #tpu.memory_space<vmem>>
    %dma_wait3A_569 = tpu.memref_squeeze %dma_wait3A_568 : memref<1x64xi32, #tpu.memory_space<vmem>> -> memref<64xi32, #tpu.memory_space<vmem>>
    %dma_wait3A_570 = arith.constant 0 : i32
    %dma_wait3A_571 = arith.constant 0 : i32
    %dma_wait3A_572 = tpu.memref_slice %arg2[%dma_wait3A_570, %dma_wait3A_571] : memref<100000x128xf32, #tpu.memory_space<hbm>> -> memref<100000x128xf32, #tpu.memory_space<hbm>>
    tpu.wait_indirect_dma semaphore(%arg16 : memref<!tpu.dma_semaphore, #tpu.memory_space<semaphore_mem>>) src(%dma_wait3A_572 : memref<100000x128xf32, #tpu.memory_space<hbm>>) dst(%dma_wait3A_566 : memref<64x128xf32, #tpu.memory_space<vmem>>)
    %add3A_573 = arith.constant 64 : i32
    %add3A_574 = arith.addi %mul3A_4, %add3A_573 : i32
    %dma_start3A_575 = arith.constant 9 : i32
    %dma_start3A_576 = arith.constant 4 : i32
    %dma_start3A_577 = arith.constant 0 : i32
    %dma_start3A_578 = arith.constant 0 : i32
    %dma_start3A_579 = tpu.memref_slice %arg6[%dma_start3A_575, %dma_start3A_577, %dma_start3A_578] : memref<10x64x128xf32, #tpu.memory_space<vmem>> -> memref<1x64x128xf32, #tpu.memory_space<vmem>>
    %dma_start3A_580 = tpu.memref_squeeze %dma_start3A_579 : memref<1x64x128xf32, #tpu.memory_space<vmem>> -> memref<64x128xf32, #tpu.memory_space<vmem>>
    %dma_start3A_581 = arith.constant 0 : i32
    %dma_start3A_582 = tpu.memref_slice %arg4[%dma_start3A_576, %add3A_574, %dma_start3A_581] : memref<50x4096x128xf32, #tpu.memory_space<hbm>> -> memref<1x64x128xf32, #tpu.memory_space<hbm>>
    %dma_start3A_583 = tpu.memref_squeeze %dma_start3A_582 : memref<1x64x128xf32, #tpu.memory_space<hbm>> -> memref<64x128xf32, #tpu.memory_space<hbm>>
    %dma_start3A_584 = arith.constant 0 : i32
    %dma_start3A_585 = tpu.memref_slice %arg4[%dma_start3A_576, %add3A_574, %dma_start3A_584] : memref<50x4096x128xf32, #tpu.memory_space<hbm>> -> memref<1x64x128xf32, #tpu.memory_space<hbm>>
    %dma_start3A_586 = tpu.memref_squeeze %dma_start3A_585 : memref<1x64x128xf32, #tpu.memory_space<hbm>> -> memref<64x128xf32, #tpu.memory_space<hbm>>
    %dma_start3A_587 = arith.constant 0 : i32
    %dma_start3A_588 = arith.constant 0 : i32
    %dma_start3A_589 = tpu.memref_slice %arg6[%dma_start3A_575, %dma_start3A_587, %dma_start3A_588] : memref<10x64x128xf32, #tpu.memory_space<vmem>> -> memref<1x64x128xf32, #tpu.memory_space<vmem>>
    %dma_start3A_590 = tpu.memref_squeeze %dma_start3A_589 : memref<1x64x128xf32, #tpu.memory_space<vmem>> -> memref<64x128xf32, #tpu.memory_space<vmem>>
    tpu.enqueue_dma source(%dma_start3A_590 : memref<64x128xf32, #tpu.memory_space<vmem>>) target(%dma_start3A_586 : memref<64x128xf32, #tpu.memory_space<hbm>>) target_semaphore(%arg26 : memref<!tpu.dma_semaphore, #tpu.memory_space<semaphore_mem>>)
    %dma_wait3A_591 = arith.constant 6 : i32
    %dma_wait3A_592 = arith.constant 0 : i32
    %dma_wait3A_593 = arith.constant 0 : i32
    %dma_wait3A_594 = arith.constant 0 : i32
    %dma_wait3A_595 = tpu.memref_slice %arg6[%dma_wait3A_591, %dma_wait3A_593, %dma_wait3A_594] : memref<10x64x128xf32, #tpu.memory_space<vmem>> -> memref<1x64x128xf32, #tpu.memory_space<vmem>>
    %dma_wait3A_596 = tpu.memref_squeeze %dma_wait3A_595 : memref<1x64x128xf32, #tpu.memory_space<vmem>> -> memref<64x128xf32, #tpu.memory_space<vmem>>
    %dma_wait3A_597 = arith.constant 0 : i32
    %dma_wait3A_598 = tpu.memref_slice %arg4[%dma_wait3A_592, %mul3A_4, %dma_wait3A_597] : memref<50x4096x128xf32, #tpu.memory_space<hbm>> -> memref<1x64x128xf32, #tpu.memory_space<hbm>>
    %dma_wait3A_599 = tpu.memref_squeeze %dma_wait3A_598 : memref<1x64x128xf32, #tpu.memory_space<hbm>> -> memref<64x128xf32, #tpu.memory_space<hbm>>
    %dma_wait3A_600 = arith.constant 0 : i32
    %dma_wait3A_601 = tpu.memref_slice %arg4[%dma_wait3A_592, %mul3A_4, %dma_wait3A_600] : memref<50x4096x128xf32, #tpu.memory_space<hbm>> -> memref<1x64x128xf32, #tpu.memory_space<hbm>>
    %dma_wait3A_602 = tpu.memref_squeeze %dma_wait3A_601 : memref<1x64x128xf32, #tpu.memory_space<hbm>> -> memref<64x128xf32, #tpu.memory_space<hbm>>
    %dma_wait3A_603 = arith.constant 0 : i32
    %dma_wait3A_604 = arith.constant 0 : i32
    %dma_wait3A_605 = tpu.memref_slice %arg6[%dma_wait3A_591, %dma_wait3A_603, %dma_wait3A_604] : memref<10x64x128xf32, #tpu.memory_space<vmem>> -> memref<1x64x128xf32, #tpu.memory_space<vmem>>
    %dma_wait3A_606 = tpu.memref_squeeze %dma_wait3A_605 : memref<1x64x128xf32, #tpu.memory_space<vmem>> -> memref<64x128xf32, #tpu.memory_space<vmem>>
    tpu.wait_dma2 semaphore(%arg23 : memref<!tpu.dma_semaphore, #tpu.memory_space<semaphore_mem>>) src(%dma_wait3A_606 : memref<64x128xf32, #tpu.memory_space<vmem>>) dst(%dma_wait3A_602 : memref<64x128xf32, #tpu.memory_space<hbm>>)
    %dma_start3A_607 = arith.constant 8 : i32
    %dma_start3A_608 = arith.constant 6 : i32
    %dma_start3A_609 = arith.constant 0 : i32
    %dma_start3A_610 = arith.constant 0 : i32
    %dma_start3A_611 = tpu.memref_slice %arg6[%dma_start3A_608, %dma_start3A_609, %dma_start3A_610] : memref<10x64x128xf32, #tpu.memory_space<vmem>> -> memref<1x64x128xf32, #tpu.memory_space<vmem>>
    %dma_start3A_612 = tpu.memref_squeeze %dma_start3A_611 : memref<1x64x128xf32, #tpu.memory_space<vmem>> -> memref<64x128xf32, #tpu.memory_space<vmem>>
    %dma_start3A_613 = arith.constant 0 : i32
    %dma_start3A_614 = tpu.memref_slice %arg5[%dma_start3A_607, %dma_start3A_613] : memref<50x128xi32, #tpu.memory_space<vmem>> -> memref<1x64xi32, #tpu.memory_space<vmem>>
    %dma_start3A_615 = tpu.memref_squeeze %dma_start3A_614 : memref<1x64xi32, #tpu.memory_space<vmem>> -> memref<64xi32, #tpu.memory_space<vmem>>
    %dma_start3A_616 = arith.constant 0 : i32
    %dma_start3A_617 = arith.constant 0 : i32
    %dma_start3A_618 = tpu.memref_slice %arg2[%dma_start3A_616, %dma_start3A_617] : memref<100000x128xf32, #tpu.memory_space<hbm>> -> memref<100000x128xf32, #tpu.memory_space<hbm>>
    tpu.enqueue_indirect_dma source(%dma_start3A_618 : memref<100000x128xf32, #tpu.memory_space<hbm>>) target(%dma_start3A_612 : memref<64x128xf32, #tpu.memory_space<vmem>>) offsets(%dma_start3A_615 : memref<64xi32, #tpu.memory_space<vmem>>) semaphore(%arg13 : memref<!tpu.dma_semaphore, #tpu.memory_space<semaphore_mem>>)
    %scan3A = arith.constant 1 : i32
    %scan3A_619 = arith.constant 8 : i32
    %scan3A_620 = arith.addi %scan3A, %scan3A_619 : i32
    %scan3A_621 = arith.constant 1 : i32
    scf.for %scan3A_1167 = %scan3A to %scan3A_620 step %scan3A_621  : i32 {
      %mul3A_1168 = arith.constant 10 : i32
      %mul3A_1169 = arith.muli %scan3A_1167, %mul3A_1168 : i32
      %add3A_1170 = arith.constant 0 : i32
      %add3A_1171 = arith.addi %mul3A_1169, %add3A_1170 : i32
      %dma_wait3A_1172 = arith.constant 0 : i32
      %dma_wait3A_1173 = arith.constant 0 : i32
      %dma_wait3A_1174 = arith.constant 0 : i32
      %dma_wait3A_1175 = arith.constant 0 : i32
      %dma_wait3A_1176 = tpu.memref_slice %arg6[%dma_wait3A_1173, %dma_wait3A_1174, %dma_wait3A_1175] : memref<10x64x128xf32, #tpu.memory_space<vmem>> -> memref<1x64x128xf32, #tpu.memory_space<vmem>>
      %dma_wait3A_1177 = tpu.memref_squeeze %dma_wait3A_1176 : memref<1x64x128xf32, #tpu.memory_space<vmem>> -> memref<64x128xf32, #tpu.memory_space<vmem>>
      %dma_wait3A_1178 = arith.constant 0 : i32
      %dma_wait3A_1179 = tpu.memref_slice %arg5[%dma_wait3A_1172, %dma_wait3A_1178] : memref<50x128xi32, #tpu.memory_space<vmem>> -> memref<1x64xi32, #tpu.memory_space<vmem>>
      %dma_wait3A_1180 = tpu.memref_squeeze %dma_wait3A_1179 : memref<1x64xi32, #tpu.memory_space<vmem>> -> memref<64xi32, #tpu.memory_space<vmem>>
      %dma_wait3A_1181 = arith.constant 0 : i32
      %dma_wait3A_1182 = arith.constant 0 : i32
      %dma_wait3A_1183 = tpu.memref_slice %arg2[%dma_wait3A_1181, %dma_wait3A_1182] : memref<100000x128xf32, #tpu.memory_space<hbm>> -> memref<100000x128xf32, #tpu.memory_space<hbm>>
      tpu.wait_indirect_dma semaphore(%arg7 : memref<!tpu.dma_semaphore, #tpu.memory_space<semaphore_mem>>) src(%dma_wait3A_1183 : memref<100000x128xf32, #tpu.memory_space<hbm>>) dst(%dma_wait3A_1177 : memref<64x128xf32, #tpu.memory_space<vmem>>)
      %jit3A = arith.constant 2 : i32
      %div3A = arith.divsi %add3A_1171, %jit3A : i32
      %sign3A = arith.constant 0 : i32
      %sign3A_1184 = arith.cmpi sgt, %add3A_1171, %sign3A : i32
      %sign3A_1185 = arith.extui %sign3A_1184 : i1 to i32
      %sign3A_1186 = arith.constant 0 : i32
      %sign3A_1187 = arith.cmpi slt, %add3A_1171, %sign3A_1186 : i32
      %sign3A_1188 = arith.extui %sign3A_1187 : i1 to i32
      %sign3A_1189 = arith.subi %sign3A_1185, %sign3A_1188 : i32
      %sign3A_1190 = arith.constant 0 : i32
      %sign3A_1191 = arith.cmpi sgt, %jit3A, %sign3A_1190 : i32
      %sign3A_1192 = arith.extui %sign3A_1191 : i1 to i32
      %sign3A_1193 = arith.constant 0 : i32
      %sign3A_1194 = arith.cmpi slt, %jit3A, %sign3A_1193 : i32
      %sign3A_1195 = arith.extui %sign3A_1194 : i1 to i32
      %sign3A_1196 = arith.subi %sign3A_1192, %sign3A_1195 : i32
      %ne3A = arith.cmpi ne, %sign3A_1189, %sign3A_1196 : i32
      %rem3A = arith.remsi %add3A_1171, %jit3A : i32
      %ne3A_1197 = arith.constant 0 : i32
      %ne3A_1198 = arith.cmpi ne, %rem3A, %ne3A_1197 : i32
      %and3A = arith.andi %ne3A, %ne3A_1198 : i1
      %sub3A = arith.constant 1 : i32
      %sub3A_1199 = arith.subi %div3A, %sub3A : i32
      %select_n3A = arith.select %and3A, %sub3A_1199, %div3A : i32
      %add3A_1200 = arith.constant 0 : i32
      %add3A_1201 = arith.addi %mul3A_4, %add3A_1200 : i32
      %dma_start3A_1202 = arith.constant 0 : i32
      %dma_start3A_1203 = arith.constant 0 : i32
      %dma_start3A_1204 = arith.constant 0 : i32
      %dma_start3A_1205 = tpu.memref_slice %arg6[%dma_start3A_1202, %dma_start3A_1203, %dma_start3A_1204] : memref<10x64x128xf32, #tpu.memory_space<vmem>> -> memref<1x64x128xf32, #tpu.memory_space<vmem>>
      %dma_start3A_1206 = tpu.memref_squeeze %dma_start3A_1205 : memref<1x64x128xf32, #tpu.memory_space<vmem>> -> memref<64x128xf32, #tpu.memory_space<vmem>>
      %dma_start3A_1207 = arith.constant 0 : i32
      %dma_start3A_1208 = tpu.memref_slice %arg4[%select_n3A, %add3A_1201, %dma_start3A_1207] : memref<50x4096x128xf32, #tpu.memory_space<hbm>> -> memref<1x64x128xf32, #tpu.memory_space<hbm>>
      %dma_start3A_1209 = tpu.memref_squeeze %dma_start3A_1208 : memref<1x64x128xf32, #tpu.memory_space<hbm>> -> memref<64x128xf32, #tpu.memory_space<hbm>>
      %dma_start3A_1210 = arith.constant 0 : i32
      %dma_start3A_1211 = tpu.memref_slice %arg4[%select_n3A, %add3A_1201, %dma_start3A_1210] : memref<50x4096x128xf32, #tpu.memory_space<hbm>> -> memref<1x64x128xf32, #tpu.memory_space<hbm>>
      %dma_start3A_1212 = tpu.memref_squeeze %dma_start3A_1211 : memref<1x64x128xf32, #tpu.memory_space<hbm>> -> memref<64x128xf32, #tpu.memory_space<hbm>>
      %dma_start3A_1213 = arith.constant 0 : i32
      %dma_start3A_1214 = arith.constant 0 : i32
      %dma_start3A_1215 = tpu.memref_slice %arg6[%dma_start3A_1202, %dma_start3A_1213, %dma_start3A_1214] : memref<10x64x128xf32, #tpu.memory_space<vmem>> -> memref<1x64x128xf32, #tpu.memory_space<vmem>>
      %dma_start3A_1216 = tpu.memref_squeeze %dma_start3A_1215 : memref<1x64x128xf32, #tpu.memory_space<vmem>> -> memref<64x128xf32, #tpu.memory_space<vmem>>
      tpu.enqueue_dma source(%dma_start3A_1216 : memref<64x128xf32, #tpu.memory_space<vmem>>) target(%dma_start3A_1212 : memref<64x128xf32, #tpu.memory_space<hbm>>) target_semaphore(%arg17 : memref<!tpu.dma_semaphore, #tpu.memory_space<semaphore_mem>>)
      %add3A_1217 = arith.constant 7 : i32
      %add3A_1218 = arith.addi %add3A_1171, %add3A_1217 : i32
      %dma_wait3A_1219 = arith.constant 7 : i32
      %dma_wait3A_1220 = arith.constant 0 : i32
      %dma_wait3A_1221 = arith.constant 0 : i32
      %dma_wait3A_1222 = arith.constant 0 : i32
      %dma_wait3A_1223 = tpu.memref_slice %arg6[%dma_wait3A_1219, %dma_wait3A_1221, %dma_wait3A_1222] : memref<10x64x128xf32, #tpu.memory_space<vmem>> -> memref<1x64x128xf32, #tpu.memory_space<vmem>>
      %dma_wait3A_1224 = tpu.memref_squeeze %dma_wait3A_1223 : memref<1x64x128xf32, #tpu.memory_space<vmem>> -> memref<64x128xf32, #tpu.memory_space<vmem>>
      %dma_wait3A_1225 = arith.constant 0 : i32
      %dma_wait3A_1226 = tpu.memref_slice %arg4[%dma_wait3A_1220, %mul3A_4, %dma_wait3A_1225] : memref<50x4096x128xf32, #tpu.memory_space<hbm>> -> memref<1x64x128xf32, #tpu.memory_space<hbm>>
      %dma_wait3A_1227 = tpu.memref_squeeze %dma_wait3A_1226 : memref<1x64x128xf32, #tpu.memory_space<hbm>> -> memref<64x128xf32, #tpu.memory_space<hbm>>
      %dma_wait3A_1228 = arith.constant 0 : i32
      %dma_wait3A_1229 = tpu.memref_slice %arg4[%dma_wait3A_1220, %mul3A_4, %dma_wait3A_1228] : memref<50x4096x128xf32, #tpu.memory_space<hbm>> -> memref<1x64x128xf32, #tpu.memory_space<hbm>>
      %dma_wait3A_1230 = tpu.memref_squeeze %dma_wait3A_1229 : memref<1x64x128xf32, #tpu.memory_space<hbm>> -> memref<64x128xf32, #tpu.memory_space<hbm>>
      %dma_wait3A_1231 = arith.constant 0 : i32
      %dma_wait3A_1232 = arith.constant 0 : i32
      %dma_wait3A_1233 = tpu.memref_slice %arg6[%dma_wait3A_1219, %dma_wait3A_1231, %dma_wait3A_1232] : memref<10x64x128xf32, #tpu.memory_space<vmem>> -> memref<1x64x128xf32, #tpu.memory_space<vmem>>
      %dma_wait3A_1234 = tpu.memref_squeeze %dma_wait3A_1233 : memref<1x64x128xf32, #tpu.memory_space<vmem>> -> memref<64x128xf32, #tpu.memory_space<vmem>>
      tpu.wait_dma2 semaphore(%arg24 : memref<!tpu.dma_semaphore, #tpu.memory_space<semaphore_mem>>) src(%dma_wait3A_1234 : memref<64x128xf32, #tpu.memory_space<vmem>>) dst(%dma_wait3A_1230 : memref<64x128xf32, #tpu.memory_space<hbm>>)
      %jit3A_1235 = arith.constant 2 : i32
      %div3A_1236 = arith.divsi %add3A_1218, %jit3A_1235 : i32
      %sign3A_1237 = arith.constant 0 : i32
      %sign3A_1238 = arith.cmpi sgt, %add3A_1218, %sign3A_1237 : i32
      %sign3A_1239 = arith.extui %sign3A_1238 : i1 to i32
      %sign3A_1240 = arith.constant 0 : i32
      %sign3A_1241 = arith.cmpi slt, %add3A_1218, %sign3A_1240 : i32
      %sign3A_1242 = arith.extui %sign3A_1241 : i1 to i32
      %sign3A_1243 = arith.subi %sign3A_1239, %sign3A_1242 : i32
      %sign3A_1244 = arith.constant 0 : i32
      %sign3A_1245 = arith.cmpi sgt, %jit3A_1235, %sign3A_1244 : i32
      %sign3A_1246 = arith.extui %sign3A_1245 : i1 to i32
      %sign3A_1247 = arith.constant 0 : i32
      %sign3A_1248 = arith.cmpi slt, %jit3A_1235, %sign3A_1247 : i32
      %sign3A_1249 = arith.extui %sign3A_1248 : i1 to i32
      %sign3A_1250 = arith.subi %sign3A_1246, %sign3A_1249 : i32
      %ne3A_1251 = arith.cmpi ne, %sign3A_1243, %sign3A_1250 : i32
      %rem3A_1252 = arith.remsi %add3A_1218, %jit3A_1235 : i32
      %ne3A_1253 = arith.constant 0 : i32
      %ne3A_1254 = arith.cmpi ne, %rem3A_1252, %ne3A_1253 : i32
      %and3A_1255 = arith.andi %ne3A_1251, %ne3A_1254 : i1
      %sub3A_1256 = arith.constant 1 : i32
      %sub3A_1257 = arith.subi %div3A_1236, %sub3A_1256 : i32
      %select_n3A_1258 = arith.select %and3A_1255, %sub3A_1257, %div3A_1236 : i32
      %dma_start3A_1259 = arith.constant 7 : i32
      %dma_start3A_1260 = arith.constant 0 : i32
      %dma_start3A_1261 = arith.constant 0 : i32
      %dma_start3A_1262 = tpu.memref_slice %arg6[%dma_start3A_1259, %dma_start3A_1260, %dma_start3A_1261] : memref<10x64x128xf32, #tpu.memory_space<vmem>> -> memref<1x64x128xf32, #tpu.memory_space<vmem>>
      %dma_start3A_1263 = tpu.memref_squeeze %dma_start3A_1262 : memref<1x64x128xf32, #tpu.memory_space<vmem>> -> memref<64x128xf32, #tpu.memory_space<vmem>>
      %dma_start3A_1264 = arith.constant 64 : i32
      %dma_start3A_1265 = tpu.memref_slice %arg5[%select_n3A_1258, %dma_start3A_1264] : memref<50x128xi32, #tpu.memory_space<vmem>> -> memref<1x64xi32, #tpu.memory_space<vmem>>
      %dma_start3A_1266 = tpu.memref_squeeze %dma_start3A_1265 : memref<1x64xi32, #tpu.memory_space<vmem>> -> memref<64xi32, #tpu.memory_space<vmem>>
      %dma_start3A_1267 = arith.constant 0 : i32
      %dma_start3A_1268 = arith.constant 0 : i32
      %dma_start3A_1269 = tpu.memref_slice %arg2[%dma_start3A_1267, %dma_start3A_1268] : memref<100000x128xf32, #tpu.memory_space<hbm>> -> memref<100000x128xf32, #tpu.memory_space<hbm>>
      tpu.enqueue_indirect_dma source(%dma_start3A_1269 : memref<100000x128xf32, #tpu.memory_space<hbm>>) target(%dma_start3A_1263 : memref<64x128xf32, #tpu.memory_space<vmem>>) offsets(%dma_start3A_1266 : memref<64xi32, #tpu.memory_space<vmem>>) semaphore(%arg14 : memref<!tpu.dma_semaphore, #tpu.memory_space<semaphore_mem>>)
      %mul3A_1270 = arith.constant 10 : i32
      %mul3A_1271 = arith.muli %scan3A_1167, %mul3A_1270 : i32
      %add3A_1272 = arith.constant 1 : i32
      %add3A_1273 = arith.addi %mul3A_1271, %add3A_1272 : i32
      %dma_wait3A_1274 = arith.constant 0 : i32
      %dma_wait3A_1275 = arith.constant 1 : i32
      %dma_wait3A_1276 = arith.constant 0 : i32
      %dma_wait3A_1277 = arith.constant 0 : i32
      %dma_wait3A_1278 = tpu.memref_slice %arg6[%dma_wait3A_1275, %dma_wait3A_1276, %dma_wait3A_1277] : memref<10x64x128xf32, #tpu.memory_space<vmem>> -> memref<1x64x128xf32, #tpu.memory_space<vmem>>
      %dma_wait3A_1279 = tpu.memref_squeeze %dma_wait3A_1278 : memref<1x64x128xf32, #tpu.memory_space<vmem>> -> memref<64x128xf32, #tpu.memory_space<vmem>>
      %dma_wait3A_1280 = arith.constant 0 : i32
      %dma_wait3A_1281 = tpu.memref_slice %arg5[%dma_wait3A_1274, %dma_wait3A_1280] : memref<50x128xi32, #tpu.memory_space<vmem>> -> memref<1x64xi32, #tpu.memory_space<vmem>>
      %dma_wait3A_1282 = tpu.memref_squeeze %dma_wait3A_1281 : memref<1x64xi32, #tpu.memory_space<vmem>> -> memref<64xi32, #tpu.memory_space<vmem>>
      %dma_wait3A_1283 = arith.constant 0 : i32
      %dma_wait3A_1284 = arith.constant 0 : i32
      %dma_wait3A_1285 = tpu.memref_slice %arg2[%dma_wait3A_1283, %dma_wait3A_1284] : memref<100000x128xf32, #tpu.memory_space<hbm>> -> memref<100000x128xf32, #tpu.memory_space<hbm>>
      tpu.wait_indirect_dma semaphore(%arg8 : memref<!tpu.dma_semaphore, #tpu.memory_space<semaphore_mem>>) src(%dma_wait3A_1285 : memref<100000x128xf32, #tpu.memory_space<hbm>>) dst(%dma_wait3A_1279 : memref<64x128xf32, #tpu.memory_space<vmem>>)
      %jit3A_1286 = arith.constant 2 : i32
      %div3A_1287 = arith.divsi %add3A_1273, %jit3A_1286 : i32
      %sign3A_1288 = arith.constant 0 : i32
      %sign3A_1289 = arith.cmpi sgt, %add3A_1273, %sign3A_1288 : i32
      %sign3A_1290 = arith.extui %sign3A_1289 : i1 to i32
      %sign3A_1291 = arith.constant 0 : i32
      %sign3A_1292 = arith.cmpi slt, %add3A_1273, %sign3A_1291 : i32
      %sign3A_1293 = arith.extui %sign3A_1292 : i1 to i32
      %sign3A_1294 = arith.subi %sign3A_1290, %sign3A_1293 : i32
      %sign3A_1295 = arith.constant 0 : i32
      %sign3A_1296 = arith.cmpi sgt, %jit3A_1286, %sign3A_1295 : i32
      %sign3A_1297 = arith.extui %sign3A_1296 : i1 to i32
      %sign3A_1298 = arith.constant 0 : i32
      %sign3A_1299 = arith.cmpi slt, %jit3A_1286, %sign3A_1298 : i32
      %sign3A_1300 = arith.extui %sign3A_1299 : i1 to i32
      %sign3A_1301 = arith.subi %sign3A_1297, %sign3A_1300 : i32
      %ne3A_1302 = arith.cmpi ne, %sign3A_1294, %sign3A_1301 : i32
      %rem3A_1303 = arith.remsi %add3A_1273, %jit3A_1286 : i32
      %ne3A_1304 = arith.constant 0 : i32
      %ne3A_1305 = arith.cmpi ne, %rem3A_1303, %ne3A_1304 : i32
      %and3A_1306 = arith.andi %ne3A_1302, %ne3A_1305 : i1
      %sub3A_1307 = arith.constant 1 : i32
      %sub3A_1308 = arith.subi %div3A_1287, %sub3A_1307 : i32
      %select_n3A_1309 = arith.select %and3A_1306, %sub3A_1308, %div3A_1287 : i32
      %add3A_1310 = arith.constant 64 : i32
      %add3A_1311 = arith.addi %mul3A_4, %add3A_1310 : i32
      %dma_start3A_1312 = arith.constant 1 : i32
      %dma_start3A_1313 = arith.constant 0 : i32
      %dma_start3A_1314 = arith.constant 0 : i32
      %dma_start3A_1315 = tpu.memref_slice %arg6[%dma_start3A_1312, %dma_start3A_1313, %dma_start3A_1314] : memref<10x64x128xf32, #tpu.memory_space<vmem>> -> memref<1x64x128xf32, #tpu.memory_space<vmem>>
      %dma_start3A_1316 = tpu.memref_squeeze %dma_start3A_1315 : memref<1x64x128xf32, #tpu.memory_space<vmem>> -> memref<64x128xf32, #tpu.memory_space<vmem>>
      %dma_start3A_1317 = arith.constant 0 : i32
      %dma_start3A_1318 = tpu.memref_slice %arg4[%select_n3A_1309, %add3A_1311, %dma_start3A_1317] : memref<50x4096x128xf32, #tpu.memory_space<hbm>> -> memref<1x64x128xf32, #tpu.memory_space<hbm>>
      %dma_start3A_1319 = tpu.memref_squeeze %dma_start3A_1318 : memref<1x64x128xf32, #tpu.memory_space<hbm>> -> memref<64x128xf32, #tpu.memory_space<hbm>>
      %dma_start3A_1320 = arith.constant 0 : i32
      %dma_start3A_1321 = tpu.memref_slice %arg4[%select_n3A_1309, %add3A_1311, %dma_start3A_1320] : memref<50x4096x128xf32, #tpu.memory_space<hbm>> -> memref<1x64x128xf32, #tpu.memory_space<hbm>>
      %dma_start3A_1322 = tpu.memref_squeeze %dma_start3A_1321 : memref<1x64x128xf32, #tpu.memory_space<hbm>> -> memref<64x128xf32, #tpu.memory_space<hbm>>
      %dma_start3A_1323 = arith.constant 0 : i32
      %dma_start3A_1324 = arith.constant 0 : i32
      %dma_start3A_1325 = tpu.memref_slice %arg6[%dma_start3A_1312, %dma_start3A_1323, %dma_start3A_1324] : memref<10x64x128xf32, #tpu.memory_space<vmem>> -> memref<1x64x128xf32, #tpu.memory_space<vmem>>
      %dma_start3A_1326 = tpu.memref_squeeze %dma_start3A_1325 : memref<1x64x128xf32, #tpu.memory_space<vmem>> -> memref<64x128xf32, #tpu.memory_space<vmem>>
      tpu.enqueue_dma source(%dma_start3A_1326 : memref<64x128xf32, #tpu.memory_space<vmem>>) target(%dma_start3A_1322 : memref<64x128xf32, #tpu.memory_space<hbm>>) target_semaphore(%arg18 : memref<!tpu.dma_semaphore, #tpu.memory_space<semaphore_mem>>)
      %add3A_1327 = arith.constant 7 : i32
      %add3A_1328 = arith.addi %add3A_1273, %add3A_1327 : i32
      %dma_wait3A_1329 = arith.constant 8 : i32
      %dma_wait3A_1330 = arith.constant 0 : i32
      %dma_wait3A_1331 = arith.constant 0 : i32
      %dma_wait3A_1332 = arith.constant 0 : i32
      %dma_wait3A_1333 = tpu.memref_slice %arg6[%dma_wait3A_1329, %dma_wait3A_1331, %dma_wait3A_1332] : memref<10x64x128xf32, #tpu.memory_space<vmem>> -> memref<1x64x128xf32, #tpu.memory_space<vmem>>
      %dma_wait3A_1334 = tpu.memref_squeeze %dma_wait3A_1333 : memref<1x64x128xf32, #tpu.memory_space<vmem>> -> memref<64x128xf32, #tpu.memory_space<vmem>>
      %dma_wait3A_1335 = arith.constant 0 : i32
      %dma_wait3A_1336 = tpu.memref_slice %arg4[%dma_wait3A_1330, %mul3A_4, %dma_wait3A_1335] : memref<50x4096x128xf32, #tpu.memory_space<hbm>> -> memref<1x64x128xf32, #tpu.memory_space<hbm>>
      %dma_wait3A_1337 = tpu.memref_squeeze %dma_wait3A_1336 : memref<1x64x128xf32, #tpu.memory_space<hbm>> -> memref<64x128xf32, #tpu.memory_space<hbm>>
      %dma_wait3A_1338 = arith.constant 0 : i32
      %dma_wait3A_1339 = tpu.memref_slice %arg4[%dma_wait3A_1330, %mul3A_4, %dma_wait3A_1338] : memref<50x4096x128xf32, #tpu.memory_space<hbm>> -> memref<1x64x128xf32, #tpu.memory_space<hbm>>
      %dma_wait3A_1340 = tpu.memref_squeeze %dma_wait3A_1339 : memref<1x64x128xf32, #tpu.memory_space<hbm>> -> memref<64x128xf32, #tpu.memory_space<hbm>>
      %dma_wait3A_1341 = arith.constant 0 : i32
      %dma_wait3A_1342 = arith.constant 0 : i32
      %dma_wait3A_1343 = tpu.memref_slice %arg6[%dma_wait3A_1329, %dma_wait3A_1341, %dma_wait3A_1342] : memref<10x64x128xf32, #tpu.memory_space<vmem>> -> memref<1x64x128xf32, #tpu.memory_space<vmem>>
      %dma_wait3A_1344 = tpu.memref_squeeze %dma_wait3A_1343 : memref<1x64x128xf32, #tpu.memory_space<vmem>> -> memref<64x128xf32, #tpu.memory_space<vmem>>
      tpu.wait_dma2 semaphore(%arg25 : memref<!tpu.dma_semaphore, #tpu.memory_space<semaphore_mem>>) src(%dma_wait3A_1344 : memref<64x128xf32, #tpu.memory_space<vmem>>) dst(%dma_wait3A_1340 : memref<64x128xf32, #tpu.memory_space<hbm>>)
      %jit3A_1345 = arith.constant 2 : i32
      %div3A_1346 = arith.divsi %add3A_1328, %jit3A_1345 : i32
      %sign3A_1347 = arith.constant 0 : i32
      %sign3A_1348 = arith.cmpi sgt, %add3A_1328, %sign3A_1347 : i32
      %sign3A_1349 = arith.extui %sign3A_1348 : i1 to i32
      %sign3A_1350 = arith.constant 0 : i32
      %sign3A_1351 = arith.cmpi slt, %add3A_1328, %sign3A_1350 : i32
      %sign3A_1352 = arith.extui %sign3A_1351 : i1 to i32
      %sign3A_1353 = arith.subi %sign3A_1349, %sign3A_1352 : i32
      %sign3A_1354 = arith.constant 0 : i32
      %sign3A_1355 = arith.cmpi sgt, %jit3A_1345, %sign3A_1354 : i32
      %sign3A_1356 = arith.extui %sign3A_1355 : i1 to i32
      %sign3A_1357 = arith.constant 0 : i32
      %sign3A_1358 = arith.cmpi slt, %jit3A_1345, %sign3A_1357 : i32
      %sign3A_1359 = arith.extui %sign3A_1358 : i1 to i32
      %sign3A_1360 = arith.subi %sign3A_1356, %sign3A_1359 : i32
      %ne3A_1361 = arith.cmpi ne, %sign3A_1353, %sign3A_1360 : i32
      %rem3A_1362 = arith.remsi %add3A_1328, %jit3A_1345 : i32
      %ne3A_1363 = arith.constant 0 : i32
      %ne3A_1364 = arith.cmpi ne, %rem3A_1362, %ne3A_1363 : i32
      %and3A_1365 = arith.andi %ne3A_1361, %ne3A_1364 : i1
      %sub3A_1366 = arith.constant 1 : i32
      %sub3A_1367 = arith.subi %div3A_1346, %sub3A_1366 : i32
      %select_n3A_1368 = arith.select %and3A_1365, %sub3A_1367, %div3A_1346 : i32
      %dma_start3A_1369 = arith.constant 8 : i32
      %dma_start3A_1370 = arith.constant 0 : i32
      %dma_start3A_1371 = arith.constant 0 : i32
      %dma_start3A_1372 = tpu.memref_slice %arg6[%dma_start3A_1369, %dma_start3A_1370, %dma_start3A_1371] : memref<10x64x128xf32, #tpu.memory_space<vmem>> -> memref<1x64x128xf32, #tpu.memory_space<vmem>>
      %dma_start3A_1373 = tpu.memref_squeeze %dma_start3A_1372 : memref<1x64x128xf32, #tpu.memory_space<vmem>> -> memref<64x128xf32, #tpu.memory_space<vmem>>
      %dma_start3A_1374 = arith.constant 0 : i32
      %dma_start3A_1375 = tpu.memref_slice %arg5[%select_n3A_1368, %dma_start3A_1374] : memref<50x128xi32, #tpu.memory_space<vmem>> -> memref<1x64xi32, #tpu.memory_space<vmem>>
      %dma_start3A_1376 = tpu.memref_squeeze %dma_start3A_1375 : memref<1x64xi32, #tpu.memory_space<vmem>> -> memref<64xi32, #tpu.memory_space<vmem>>
      %dma_start3A_1377 = arith.constant 0 : i32
      %dma_start3A_1378 = arith.constant 0 : i32
      %dma_start3A_1379 = tpu.memref_slice %arg2[%dma_start3A_1377, %dma_start3A_1378] : memref<100000x128xf32, #tpu.memory_space<hbm>> -> memref<100000x128xf32, #tpu.memory_space<hbm>>
      tpu.enqueue_indirect_dma source(%dma_start3A_1379 : memref<100000x128xf32, #tpu.memory_space<hbm>>) target(%dma_start3A_1373 : memref<64x128xf32, #tpu.memory_space<vmem>>) offsets(%dma_start3A_1376 : memref<64xi32, #tpu.memory_space<vmem>>) semaphore(%arg15 : memref<!tpu.dma_semaphore, #tpu.memory_space<semaphore_mem>>)
      %mul3A_1380 = arith.constant 10 : i32
      %mul3A_1381 = arith.muli %scan3A_1167, %mul3A_1380 : i32
      %add3A_1382 = arith.constant 2 : i32
      %add3A_1383 = arith.addi %mul3A_1381, %add3A_1382 : i32
      %dma_wait3A_1384 = arith.constant 0 : i32
      %dma_wait3A_1385 = arith.constant 2 : i32
      %dma_wait3A_1386 = arith.constant 0 : i32
      %dma_wait3A_1387 = arith.constant 0 : i32
      %dma_wait3A_1388 = tpu.memref_slice %arg6[%dma_wait3A_1385, %dma_wait3A_1386, %dma_wait3A_1387] : memref<10x64x128xf32, #tpu.memory_space<vmem>> -> memref<1x64x128xf32, #tpu.memory_space<vmem>>
      %dma_wait3A_1389 = tpu.memref_squeeze %dma_wait3A_1388 : memref<1x64x128xf32, #tpu.memory_space<vmem>> -> memref<64x128xf32, #tpu.memory_space<vmem>>
      %dma_wait3A_1390 = arith.constant 0 : i32
      %dma_wait3A_1391 = tpu.memref_slice %arg5[%dma_wait3A_1384, %dma_wait3A_1390] : memref<50x128xi32, #tpu.memory_space<vmem>> -> memref<1x64xi32, #tpu.memory_space<vmem>>
      %dma_wait3A_1392 = tpu.memref_squeeze %dma_wait3A_1391 : memref<1x64xi32, #tpu.memory_space<vmem>> -> memref<64xi32, #tpu.memory_space<vmem>>
      %dma_wait3A_1393 = arith.constant 0 : i32
      %dma_wait3A_1394 = arith.constant 0 : i32
      %dma_wait3A_1395 = tpu.memref_slice %arg2[%dma_wait3A_1393, %dma_wait3A_1394] : memref<100000x128xf32, #tpu.memory_space<hbm>> -> memref<100000x128xf32, #tpu.memory_space<hbm>>
      tpu.wait_indirect_dma semaphore(%arg9 : memref<!tpu.dma_semaphore, #tpu.memory_space<semaphore_mem>>) src(%dma_wait3A_1395 : memref<100000x128xf32, #tpu.memory_space<hbm>>) dst(%dma_wait3A_1389 : memref<64x128xf32, #tpu.memory_space<vmem>>)
      %jit3A_1396 = arith.constant 2 : i32
      %div3A_1397 = arith.divsi %add3A_1383, %jit3A_1396 : i32
      %sign3A_1398 = arith.constant 0 : i32
      %sign3A_1399 = arith.cmpi sgt, %add3A_1383, %sign3A_1398 : i32
      %sign3A_1400 = arith.extui %sign3A_1399 : i1 to i32
      %sign3A_1401 = arith.constant 0 : i32
      %sign3A_1402 = arith.cmpi slt, %add3A_1383, %sign3A_1401 : i32
      %sign3A_1403 = arith.extui %sign3A_1402 : i1 to i32
      %sign3A_1404 = arith.subi %sign3A_1400, %sign3A_1403 : i32
      %sign3A_1405 = arith.constant 0 : i32
      %sign3A_1406 = arith.cmpi sgt, %jit3A_1396, %sign3A_1405 : i32
      %sign3A_1407 = arith.extui %sign3A_1406 : i1 to i32
      %sign3A_1408 = arith.constant 0 : i32
      %sign3A_1409 = arith.cmpi slt, %jit3A_1396, %sign3A_1408 : i32
      %sign3A_1410 = arith.extui %sign3A_1409 : i1 to i32
      %sign3A_1411 = arith.subi %sign3A_1407, %sign3A_1410 : i32
      %ne3A_1412 = arith.cmpi ne, %sign3A_1404, %sign3A_1411 : i32
      %rem3A_1413 = arith.remsi %add3A_1383, %jit3A_1396 : i32
      %ne3A_1414 = arith.constant 0 : i32
      %ne3A_1415 = arith.cmpi ne, %rem3A_1413, %ne3A_1414 : i32
      %and3A_1416 = arith.andi %ne3A_1412, %ne3A_1415 : i1
      %sub3A_1417 = arith.constant 1 : i32
      %sub3A_1418 = arith.subi %div3A_1397, %sub3A_1417 : i32
      %select_n3A_1419 = arith.select %and3A_1416, %sub3A_1418, %div3A_1397 : i32
      %add3A_1420 = arith.constant 0 : i32
      %add3A_1421 = arith.addi %mul3A_4, %add3A_1420 : i32
      %dma_start3A_1422 = arith.constant 2 : i32
      %dma_start3A_1423 = arith.constant 0 : i32
      %dma_start3A_1424 = arith.constant 0 : i32
      %dma_start3A_1425 = tpu.memref_slice %arg6[%dma_start3A_1422, %dma_start3A_1423, %dma_start3A_1424] : memref<10x64x128xf32, #tpu.memory_space<vmem>> -> memref<1x64x128xf32, #tpu.memory_space<vmem>>
      %dma_start3A_1426 = tpu.memref_squeeze %dma_start3A_1425 : memref<1x64x128xf32, #tpu.memory_space<vmem>> -> memref<64x128xf32, #tpu.memory_space<vmem>>
      %dma_start3A_1427 = arith.constant 0 : i32
      %dma_start3A_1428 = tpu.memref_slice %arg4[%select_n3A_1419, %add3A_1421, %dma_start3A_1427] : memref<50x4096x128xf32, #tpu.memory_space<hbm>> -> memref<1x64x128xf32, #tpu.memory_space<hbm>>
      %dma_start3A_1429 = tpu.memref_squeeze %dma_start3A_1428 : memref<1x64x128xf32, #tpu.memory_space<hbm>> -> memref<64x128xf32, #tpu.memory_space<hbm>>
      %dma_start3A_1430 = arith.constant 0 : i32
      %dma_start3A_1431 = tpu.memref_slice %arg4[%select_n3A_1419, %add3A_1421, %dma_start3A_1430] : memref<50x4096x128xf32, #tpu.memory_space<hbm>> -> memref<1x64x128xf32, #tpu.memory_space<hbm>>
      %dma_start3A_1432 = tpu.memref_squeeze %dma_start3A_1431 : memref<1x64x128xf32, #tpu.memory_space<hbm>> -> memref<64x128xf32, #tpu.memory_space<hbm>>
      %dma_start3A_1433 = arith.constant 0 : i32
      %dma_start3A_1434 = arith.constant 0 : i32
      %dma_start3A_1435 = tpu.memref_slice %arg6[%dma_start3A_1422, %dma_start3A_1433, %dma_start3A_1434] : memref<10x64x128xf32, #tpu.memory_space<vmem>> -> memref<1x64x128xf32, #tpu.memory_space<vmem>>
      %dma_start3A_1436 = tpu.memref_squeeze %dma_start3A_1435 : memref<1x64x128xf32, #tpu.memory_space<vmem>> -> memref<64x128xf32, #tpu.memory_space<vmem>>
      tpu.enqueue_dma source(%dma_start3A_1436 : memref<64x128xf32, #tpu.memory_space<vmem>>) target(%dma_start3A_1432 : memref<64x128xf32, #tpu.memory_space<hbm>>) target_semaphore(%arg19 : memref<!tpu.dma_semaphore, #tpu.memory_space<semaphore_mem>>)
      %add3A_1437 = arith.constant 7 : i32
      %add3A_1438 = arith.addi %add3A_1383, %add3A_1437 : i32
      %dma_wait3A_1439 = arith.constant 9 : i32
      %dma_wait3A_1440 = arith.constant 0 : i32
      %dma_wait3A_1441 = arith.constant 0 : i32
      %dma_wait3A_1442 = arith.constant 0 : i32
      %dma_wait3A_1443 = tpu.memref_slice %arg6[%dma_wait3A_1439, %dma_wait3A_1441, %dma_wait3A_1442] : memref<10x64x128xf32, #tpu.memory_space<vmem>> -> memref<1x64x128xf32, #tpu.memory_space<vmem>>
      %dma_wait3A_1444 = tpu.memref_squeeze %dma_wait3A_1443 : memref<1x64x128xf32, #tpu.memory_space<vmem>> -> memref<64x128xf32, #tpu.memory_space<vmem>>
      %dma_wait3A_1445 = arith.constant 0 : i32
      %dma_wait3A_1446 = tpu.memref_slice %arg4[%dma_wait3A_1440, %mul3A_4, %dma_wait3A_1445] : memref<50x4096x128xf32, #tpu.memory_space<hbm>> -> memref<1x64x128xf32, #tpu.memory_space<hbm>>
      %dma_wait3A_1447 = tpu.memref_squeeze %dma_wait3A_1446 : memref<1x64x128xf32, #tpu.memory_space<hbm>> -> memref<64x128xf32, #tpu.memory_space<hbm>>
      %dma_wait3A_1448 = arith.constant 0 : i32
      %dma_wait3A_1449 = tpu.memref_slice %arg4[%dma_wait3A_1440, %mul3A_4, %dma_wait3A_1448] : memref<50x4096x128xf32, #tpu.memory_space<hbm>> -> memref<1x64x128xf32, #tpu.memory_space<hbm>>
      %dma_wait3A_1450 = tpu.memref_squeeze %dma_wait3A_1449 : memref<1x64x128xf32, #tpu.memory_space<hbm>> -> memref<64x128xf32, #tpu.memory_space<hbm>>
      %dma_wait3A_1451 = arith.constant 0 : i32
      %dma_wait3A_1452 = arith.constant 0 : i32
      %dma_wait3A_1453 = tpu.memref_slice %arg6[%dma_wait3A_1439, %dma_wait3A_1451, %dma_wait3A_1452] : memref<10x64x128xf32, #tpu.memory_space<vmem>> -> memref<1x64x128xf32, #tpu.memory_space<vmem>>
      %dma_wait3A_1454 = tpu.memref_squeeze %dma_wait3A_1453 : memref<1x64x128xf32, #tpu.memory_space<vmem>> -> memref<64x128xf32, #tpu.memory_space<vmem>>
      tpu.wait_dma2 semaphore(%arg26 : memref<!tpu.dma_semaphore, #tpu.memory_space<semaphore_mem>>) src(%dma_wait3A_1454 : memref<64x128xf32, #tpu.memory_space<vmem>>) dst(%dma_wait3A_1450 : memref<64x128xf32, #tpu.memory_space<hbm>>)
      %jit3A_1455 = arith.constant 2 : i32
      %div3A_1456 = arith.divsi %add3A_1438, %jit3A_1455 : i32
      %sign3A_1457 = arith.constant 0 : i32
      %sign3A_1458 = arith.cmpi sgt, %add3A_1438, %sign3A_1457 : i32
      %sign3A_1459 = arith.extui %sign3A_1458 : i1 to i32
      %sign3A_1460 = arith.constant 0 : i32
      %sign3A_1461 = arith.cmpi slt, %add3A_1438, %sign3A_1460 : i32
      %sign3A_1462 = arith.extui %sign3A_1461 : i1 to i32
      %sign3A_1463 = arith.subi %sign3A_1459, %sign3A_1462 : i32
      %sign3A_1464 = arith.constant 0 : i32
      %sign3A_1465 = arith.cmpi sgt, %jit3A_1455, %sign3A_1464 : i32
      %sign3A_1466 = arith.extui %sign3A_1465 : i1 to i32
      %sign3A_1467 = arith.constant 0 : i32
      %sign3A_1468 = arith.cmpi slt, %jit3A_1455, %sign3A_1467 : i32
      %sign3A_1469 = arith.extui %sign3A_1468 : i1 to i32
      %sign3A_1470 = arith.subi %sign3A_1466, %sign3A_1469 : i32
      %ne3A_1471 = arith.cmpi ne, %sign3A_1463, %sign3A_1470 : i32
      %rem3A_1472 = arith.remsi %add3A_1438, %jit3A_1455 : i32
      %ne3A_1473 = arith.constant 0 : i32
      %ne3A_1474 = arith.cmpi ne, %rem3A_1472, %ne3A_1473 : i32
      %and3A_1475 = arith.andi %ne3A_1471, %ne3A_1474 : i1
      %sub3A_1476 = arith.constant 1 : i32
      %sub3A_1477 = arith.subi %div3A_1456, %sub3A_1476 : i32
      %select_n3A_1478 = arith.select %and3A_1475, %sub3A_1477, %div3A_1456 : i32
      %dma_start3A_1479 = arith.constant 9 : i32
      %dma_start3A_1480 = arith.constant 0 : i32
      %dma_start3A_1481 = arith.constant 0 : i32
      %dma_start3A_1482 = tpu.memref_slice %arg6[%dma_start3A_1479, %dma_start3A_1480, %dma_start3A_1481] : memref<10x64x128xf32, #tpu.memory_space<vmem>> -> memref<1x64x128xf32, #tpu.memory_space<vmem>>
      %dma_start3A_1483 = tpu.memref_squeeze %dma_start3A_1482 : memref<1x64x128xf32, #tpu.memory_space<vmem>> -> memref<64x128xf32, #tpu.memory_space<vmem>>
      %dma_start3A_1484 = arith.constant 64 : i32
      %dma_start3A_1485 = tpu.memref_slice %arg5[%select_n3A_1478, %dma_start3A_1484] : memref<50x128xi32, #tpu.memory_space<vmem>> -> memref<1x64xi32, #tpu.memory_space<vmem>>
      %dma_start3A_1486 = tpu.memref_squeeze %dma_start3A_1485 : memref<1x64xi32, #tpu.memory_space<vmem>> -> memref<64xi32, #tpu.memory_space<vmem>>
      %dma_start3A_1487 = arith.constant 0 : i32
      %dma_start3A_1488 = arith.constant 0 : i32
      %dma_start3A_1489 = tpu.memref_slice %arg2[%dma_start3A_1487, %dma_start3A_1488] : memref<100000x128xf32, #tpu.memory_space<hbm>> -> memref<100000x128xf32, #tpu.memory_space<hbm>>
      tpu.enqueue_indirect_dma source(%dma_start3A_1489 : memref<100000x128xf32, #tpu.memory_space<hbm>>) target(%dma_start3A_1483 : memref<64x128xf32, #tpu.memory_space<vmem>>) offsets(%dma_start3A_1486 : memref<64xi32, #tpu.memory_space<vmem>>) semaphore(%arg16 : memref<!tpu.dma_semaphore, #tpu.memory_space<semaphore_mem>>)
      %mul3A_1490 = arith.constant 10 : i32
      %mul3A_1491 = arith.muli %scan3A_1167, %mul3A_1490 : i32
      %add3A_1492 = arith.constant 3 : i32
      %add3A_1493 = arith.addi %mul3A_1491, %add3A_1492 : i32
      %dma_wait3A_1494 = arith.constant 0 : i32
      %dma_wait3A_1495 = arith.constant 3 : i32
      %dma_wait3A_1496 = arith.constant 0 : i32
      %dma_wait3A_1497 = arith.constant 0 : i32
      %dma_wait3A_1498 = tpu.memref_slice %arg6[%dma_wait3A_1495, %dma_wait3A_1496, %dma_wait3A_1497] : memref<10x64x128xf32, #tpu.memory_space<vmem>> -> memref<1x64x128xf32, #tpu.memory_space<vmem>>
      %dma_wait3A_1499 = tpu.memref_squeeze %dma_wait3A_1498 : memref<1x64x128xf32, #tpu.memory_space<vmem>> -> memref<64x128xf32, #tpu.memory_space<vmem>>
      %dma_wait3A_1500 = arith.constant 0 : i32
      %dma_wait3A_1501 = tpu.memref_slice %arg5[%dma_wait3A_1494, %dma_wait3A_1500] : memref<50x128xi32, #tpu.memory_space<vmem>> -> memref<1x64xi32, #tpu.memory_space<vmem>>
      %dma_wait3A_1502 = tpu.memref_squeeze %dma_wait3A_1501 : memref<1x64xi32, #tpu.memory_space<vmem>> -> memref<64xi32, #tpu.memory_space<vmem>>
      %dma_wait3A_1503 = arith.constant 0 : i32
      %dma_wait3A_1504 = arith.constant 0 : i32
      %dma_wait3A_1505 = tpu.memref_slice %arg2[%dma_wait3A_1503, %dma_wait3A_1504] : memref<100000x128xf32, #tpu.memory_space<hbm>> -> memref<100000x128xf32, #tpu.memory_space<hbm>>
      tpu.wait_indirect_dma semaphore(%arg10 : memref<!tpu.dma_semaphore, #tpu.memory_space<semaphore_mem>>) src(%dma_wait3A_1505 : memref<100000x128xf32, #tpu.memory_space<hbm>>) dst(%dma_wait3A_1499 : memref<64x128xf32, #tpu.memory_space<vmem>>)
      %jit3A_1506 = arith.constant 2 : i32
      %div3A_1507 = arith.divsi %add3A_1493, %jit3A_1506 : i32
      %sign3A_1508 = arith.constant 0 : i32
      %sign3A_1509 = arith.cmpi sgt, %add3A_1493, %sign3A_1508 : i32
      %sign3A_1510 = arith.extui %sign3A_1509 : i1 to i32
      %sign3A_1511 = arith.constant 0 : i32
      %sign3A_1512 = arith.cmpi slt, %add3A_1493, %sign3A_1511 : i32
      %sign3A_1513 = arith.extui %sign3A_1512 : i1 to i32
      %sign3A_1514 = arith.subi %sign3A_1510, %sign3A_1513 : i32
      %sign3A_1515 = arith.constant 0 : i32
      %sign3A_1516 = arith.cmpi sgt, %jit3A_1506, %sign3A_1515 : i32
      %sign3A_1517 = arith.extui %sign3A_1516 : i1 to i32
      %sign3A_1518 = arith.constant 0 : i32
      %sign3A_1519 = arith.cmpi slt, %jit3A_1506, %sign3A_1518 : i32
      %sign3A_1520 = arith.extui %sign3A_1519 : i1 to i32
      %sign3A_1521 = arith.subi %sign3A_1517, %sign3A_1520 : i32
      %ne3A_1522 = arith.cmpi ne, %sign3A_1514, %sign3A_1521 : i32
      %rem3A_1523 = arith.remsi %add3A_1493, %jit3A_1506 : i32
      %ne3A_1524 = arith.constant 0 : i32
      %ne3A_1525 = arith.cmpi ne, %rem3A_1523, %ne3A_1524 : i32
      %and3A_1526 = arith.andi %ne3A_1522, %ne3A_1525 : i1
      %sub3A_1527 = arith.constant 1 : i32
      %sub3A_1528 = arith.subi %div3A_1507, %sub3A_1527 : i32
      %select_n3A_1529 = arith.select %and3A_1526, %sub3A_1528, %div3A_1507 : i32
      %add3A_1530 = arith.constant 64 : i32
      %add3A_1531 = arith.addi %mul3A_4, %add3A_1530 : i32
      %dma_start3A_1532 = arith.constant 3 : i32
      %dma_start3A_1533 = arith.constant 0 : i32
      %dma_start3A_1534 = arith.constant 0 : i32
      %dma_start3A_1535 = tpu.memref_slice %arg6[%dma_start3A_1532, %dma_start3A_1533, %dma_start3A_1534] : memref<10x64x128xf32, #tpu.memory_space<vmem>> -> memref<1x64x128xf32, #tpu.memory_space<vmem>>
      %dma_start3A_1536 = tpu.memref_squeeze %dma_start3A_1535 : memref<1x64x128xf32, #tpu.memory_space<vmem>> -> memref<64x128xf32, #tpu.memory_space<vmem>>
      %dma_start3A_1537 = arith.constant 0 : i32
      %dma_start3A_1538 = tpu.memref_slice %arg4[%select_n3A_1529, %add3A_1531, %dma_start3A_1537] : memref<50x4096x128xf32, #tpu.memory_space<hbm>> -> memref<1x64x128xf32, #tpu.memory_space<hbm>>
      %dma_start3A_1539 = tpu.memref_squeeze %dma_start3A_1538 : memref<1x64x128xf32, #tpu.memory_space<hbm>> -> memref<64x128xf32, #tpu.memory_space<hbm>>
      %dma_start3A_1540 = arith.constant 0 : i32
      %dma_start3A_1541 = tpu.memref_slice %arg4[%select_n3A_1529, %add3A_1531, %dma_start3A_1540] : memref<50x4096x128xf32, #tpu.memory_space<hbm>> -> memref<1x64x128xf32, #tpu.memory_space<hbm>>
      %dma_start3A_1542 = tpu.memref_squeeze %dma_start3A_1541 : memref<1x64x128xf32, #tpu.memory_space<hbm>> -> memref<64x128xf32, #tpu.memory_space<hbm>>
      %dma_start3A_1543 = arith.constant 0 : i32
      %dma_start3A_1544 = arith.constant 0 : i32
      %dma_start3A_1545 = tpu.memref_slice %arg6[%dma_start3A_1532, %dma_start3A_1543, %dma_start3A_1544] : memref<10x64x128xf32, #tpu.memory_space<vmem>> -> memref<1x64x128xf32, #tpu.memory_space<vmem>>
      %dma_start3A_1546 = tpu.memref_squeeze %dma_start3A_1545 : memref<1x64x128xf32, #tpu.memory_space<vmem>> -> memref<64x128xf32, #tpu.memory_space<vmem>>
      tpu.enqueue_dma source(%dma_start3A_1546 : memref<64x128xf32, #tpu.memory_space<vmem>>) target(%dma_start3A_1542 : memref<64x128xf32, #tpu.memory_space<hbm>>) target_semaphore(%arg20 : memref<!tpu.dma_semaphore, #tpu.memory_space<semaphore_mem>>)
      %add3A_1547 = arith.constant 7 : i32
      %add3A_1548 = arith.addi %add3A_1493, %add3A_1547 : i32
      %dma_wait3A_1549 = arith.constant 0 : i32
      %dma_wait3A_1550 = arith.constant 0 : i32
      %dma_wait3A_1551 = arith.constant 0 : i32
      %dma_wait3A_1552 = arith.constant 0 : i32
      %dma_wait3A_1553 = tpu.memref_slice %arg6[%dma_wait3A_1549, %dma_wait3A_1551, %dma_wait3A_1552] : memref<10x64x128xf32, #tpu.memory_space<vmem>> -> memref<1x64x128xf32, #tpu.memory_space<vmem>>
      %dma_wait3A_1554 = tpu.memref_squeeze %dma_wait3A_1553 : memref<1x64x128xf32, #tpu.memory_space<vmem>> -> memref<64x128xf32, #tpu.memory_space<vmem>>
      %dma_wait3A_1555 = arith.constant 0 : i32
      %dma_wait3A_1556 = tpu.memref_slice %arg4[%dma_wait3A_1550, %mul3A_4, %dma_wait3A_1555] : memref<50x4096x128xf32, #tpu.memory_space<hbm>> -> memref<1x64x128xf32, #tpu.memory_space<hbm>>
      %dma_wait3A_1557 = tpu.memref_squeeze %dma_wait3A_1556 : memref<1x64x128xf32, #tpu.memory_space<hbm>> -> memref<64x128xf32, #tpu.memory_space<hbm>>
      %dma_wait3A_1558 = arith.constant 0 : i32
      %dma_wait3A_1559 = tpu.memref_slice %arg4[%dma_wait3A_1550, %mul3A_4, %dma_wait3A_1558] : memref<50x4096x128xf32, #tpu.memory_space<hbm>> -> memref<1x64x128xf32, #tpu.memory_space<hbm>>
      %dma_wait3A_1560 = tpu.memref_squeeze %dma_wait3A_1559 : memref<1x64x128xf32, #tpu.memory_space<hbm>> -> memref<64x128xf32, #tpu.memory_space<hbm>>
      %dma_wait3A_1561 = arith.constant 0 : i32
      %dma_wait3A_1562 = arith.constant 0 : i32
      %dma_wait3A_1563 = tpu.memref_slice %arg6[%dma_wait3A_1549, %dma_wait3A_1561, %dma_wait3A_1562] : memref<10x64x128xf32, #tpu.memory_space<vmem>> -> memref<1x64x128xf32, #tpu.memory_space<vmem>>
      %dma_wait3A_1564 = tpu.memref_squeeze %dma_wait3A_1563 : memref<1x64x128xf32, #tpu.memory_space<vmem>> -> memref<64x128xf32, #tpu.memory_space<vmem>>
      tpu.wait_dma2 semaphore(%arg17 : memref<!tpu.dma_semaphore, #tpu.memory_space<semaphore_mem>>) src(%dma_wait3A_1564 : memref<64x128xf32, #tpu.memory_space<vmem>>) dst(%dma_wait3A_1560 : memref<64x128xf32, #tpu.memory_space<hbm>>)
      %jit3A_1565 = arith.constant 2 : i32
      %div3A_1566 = arith.divsi %add3A_1548, %jit3A_1565 : i32
      %sign3A_1567 = arith.constant 0 : i32
      %sign3A_1568 = arith.cmpi sgt, %add3A_1548, %sign3A_1567 : i32
      %sign3A_1569 = arith.extui %sign3A_1568 : i1 to i32
      %sign3A_1570 = arith.constant 0 : i32
      %sign3A_1571 = arith.cmpi slt, %add3A_1548, %sign3A_1570 : i32
      %sign3A_1572 = arith.extui %sign3A_1571 : i1 to i32
      %sign3A_1573 = arith.subi %sign3A_1569, %sign3A_1572 : i32
      %sign3A_1574 = arith.constant 0 : i32
      %sign3A_1575 = arith.cmpi sgt, %jit3A_1565, %sign3A_1574 : i32
      %sign3A_1576 = arith.extui %sign3A_1575 : i1 to i32
      %sign3A_1577 = arith.constant 0 : i32
      %sign3A_1578 = arith.cmpi slt, %jit3A_1565, %sign3A_1577 : i32
      %sign3A_1579 = arith.extui %sign3A_1578 : i1 to i32
      %sign3A_1580 = arith.subi %sign3A_1576, %sign3A_1579 : i32
      %ne3A_1581 = arith.cmpi ne, %sign3A_1573, %sign3A_1580 : i32
      %rem3A_1582 = arith.remsi %add3A_1548, %jit3A_1565 : i32
      %ne3A_1583 = arith.constant 0 : i32
      %ne3A_1584 = arith.cmpi ne, %rem3A_1582, %ne3A_1583 : i32
      %and3A_1585 = arith.andi %ne3A_1581, %ne3A_1584 : i1
      %sub3A_1586 = arith.constant 1 : i32
      %sub3A_1587 = arith.subi %div3A_1566, %sub3A_1586 : i32
      %select_n3A_1588 = arith.select %and3A_1585, %sub3A_1587, %div3A_1566 : i32
      %dma_start3A_1589 = arith.constant 0 : i32
      %dma_start3A_1590 = arith.constant 0 : i32
      %dma_start3A_1591 = arith.constant 0 : i32
      %dma_start3A_1592 = tpu.memref_slice %arg6[%dma_start3A_1589, %dma_start3A_1590, %dma_start3A_1591] : memref<10x64x128xf32, #tpu.memory_space<vmem>> -> memref<1x64x128xf32, #tpu.memory_space<vmem>>
      %dma_start3A_1593 = tpu.memref_squeeze %dma_start3A_1592 : memref<1x64x128xf32, #tpu.memory_space<vmem>> -> memref<64x128xf32, #tpu.memory_space<vmem>>
      %dma_start3A_1594 = arith.constant 0 : i32
      %dma_start3A_1595 = tpu.memref_slice %arg5[%select_n3A_1588, %dma_start3A_1594] : memref<50x128xi32, #tpu.memory_space<vmem>> -> memref<1x64xi32, #tpu.memory_space<vmem>>
      %dma_start3A_1596 = tpu.memref_squeeze %dma_start3A_1595 : memref<1x64xi32, #tpu.memory_space<vmem>> -> memref<64xi32, #tpu.memory_space<vmem>>
      %dma_start3A_1597 = arith.constant 0 : i32
      %dma_start3A_1598 = arith.constant 0 : i32
      %dma_start3A_1599 = tpu.memref_slice %arg2[%dma_start3A_1597, %dma_start3A_1598] : memref<100000x128xf32, #tpu.memory_space<hbm>> -> memref<100000x128xf32, #tpu.memory_space<hbm>>
      tpu.enqueue_indirect_dma source(%dma_start3A_1599 : memref<100000x128xf32, #tpu.memory_space<hbm>>) target(%dma_start3A_1593 : memref<64x128xf32, #tpu.memory_space<vmem>>) offsets(%dma_start3A_1596 : memref<64xi32, #tpu.memory_space<vmem>>) semaphore(%arg7 : memref<!tpu.dma_semaphore, #tpu.memory_space<semaphore_mem>>)
      %mul3A_1600 = arith.constant 10 : i32
      %mul3A_1601 = arith.muli %scan3A_1167, %mul3A_1600 : i32
      %add3A_1602 = arith.constant 4 : i32
      %add3A_1603 = arith.addi %mul3A_1601, %add3A_1602 : i32
      %dma_wait3A_1604 = arith.constant 0 : i32
      %dma_wait3A_1605 = arith.constant 4 : i32
      %dma_wait3A_1606 = arith.constant 0 : i32
      %dma_wait3A_1607 = arith.constant 0 : i32
      %dma_wait3A_1608 = tpu.memref_slice %arg6[%dma_wait3A_1605, %dma_wait3A_1606, %dma_wait3A_1607] : memref<10x64x128xf32, #tpu.memory_space<vmem>> -> memref<1x64x128xf32, #tpu.memory_space<vmem>>
      %dma_wait3A_1609 = tpu.memref_squeeze %dma_wait3A_1608 : memref<1x64x128xf32, #tpu.memory_space<vmem>> -> memref<64x128xf32, #tpu.memory_space<vmem>>
      %dma_wait3A_1610 = arith.constant 0 : i32
      %dma_wait3A_1611 = tpu.memref_slice %arg5[%dma_wait3A_1604, %dma_wait3A_1610] : memref<50x128xi32, #tpu.memory_space<vmem>> -> memref<1x64xi32, #tpu.memory_space<vmem>>
      %dma_wait3A_1612 = tpu.memref_squeeze %dma_wait3A_1611 : memref<1x64xi32, #tpu.memory_space<vmem>> -> memref<64xi32, #tpu.memory_space<vmem>>
      %dma_wait3A_1613 = arith.constant 0 : i32
      %dma_wait3A_1614 = arith.constant 0 : i32
      %dma_wait3A_1615 = tpu.memref_slice %arg2[%dma_wait3A_1613, %dma_wait3A_1614] : memref<100000x128xf32, #tpu.memory_space<hbm>> -> memref<100000x128xf32, #tpu.memory_space<hbm>>
      tpu.wait_indirect_dma semaphore(%arg11 : memref<!tpu.dma_semaphore, #tpu.memory_space<semaphore_mem>>) src(%dma_wait3A_1615 : memref<100000x128xf32, #tpu.memory_space<hbm>>) dst(%dma_wait3A_1609 : memref<64x128xf32, #tpu.memory_space<vmem>>)
      %jit3A_1616 = arith.constant 2 : i32
      %div3A_1617 = arith.divsi %add3A_1603, %jit3A_1616 : i32
      %sign3A_1618 = arith.constant 0 : i32
      %sign3A_1619 = arith.cmpi sgt, %add3A_1603, %sign3A_1618 : i32
      %sign3A_1620 = arith.extui %sign3A_1619 : i1 to i32
      %sign3A_1621 = arith.constant 0 : i32
      %sign3A_1622 = arith.cmpi slt, %add3A_1603, %sign3A_1621 : i32
      %sign3A_1623 = arith.extui %sign3A_1622 : i1 to i32
      %sign3A_1624 = arith.subi %sign3A_1620, %sign3A_1623 : i32
      %sign3A_1625 = arith.constant 0 : i32
      %sign3A_1626 = arith.cmpi sgt, %jit3A_1616, %sign3A_1625 : i32
      %sign3A_1627 = arith.extui %sign3A_1626 : i1 to i32
      %sign3A_1628 = arith.constant 0 : i32
      %sign3A_1629 = arith.cmpi slt, %jit3A_1616, %sign3A_1628 : i32
      %sign3A_1630 = arith.extui %sign3A_1629 : i1 to i32
      %sign3A_1631 = arith.subi %sign3A_1627, %sign3A_1630 : i32
      %ne3A_1632 = arith.cmpi ne, %sign3A_1624, %sign3A_1631 : i32
      %rem3A_1633 = arith.remsi %add3A_1603, %jit3A_1616 : i32
      %ne3A_1634 = arith.constant 0 : i32
      %ne3A_1635 = arith.cmpi ne, %rem3A_1633, %ne3A_1634 : i32
      %and3A_1636 = arith.andi %ne3A_1632, %ne3A_1635 : i1
      %sub3A_1637 = arith.constant 1 : i32
      %sub3A_1638 = arith.subi %div3A_1617, %sub3A_1637 : i32
      %select_n3A_1639 = arith.select %and3A_1636, %sub3A_1638, %div3A_1617 : i32
      %add3A_1640 = arith.constant 0 : i32
      %add3A_1641 = arith.addi %mul3A_4, %add3A_1640 : i32
      %dma_start3A_1642 = arith.constant 4 : i32
      %dma_start3A_1643 = arith.constant 0 : i32
      %dma_start3A_1644 = arith.constant 0 : i32
      %dma_start3A_1645 = tpu.memref_slice %arg6[%dma_start3A_1642, %dma_start3A_1643, %dma_start3A_1644] : memref<10x64x128xf32, #tpu.memory_space<vmem>> -> memref<1x64x128xf32, #tpu.memory_space<vmem>>
      %dma_start3A_1646 = tpu.memref_squeeze %dma_start3A_1645 : memref<1x64x128xf32, #tpu.memory_space<vmem>> -> memref<64x128xf32, #tpu.memory_space<vmem>>
      %dma_start3A_1647 = arith.constant 0 : i32
      %dma_start3A_1648 = tpu.memref_slice %arg4[%select_n3A_1639, %add3A_1641, %dma_start3A_1647] : memref<50x4096x128xf32, #tpu.memory_space<hbm>> -> memref<1x64x128xf32, #tpu.memory_space<hbm>>
      %dma_start3A_1649 = tpu.memref_squeeze %dma_start3A_1648 : memref<1x64x128xf32, #tpu.memory_space<hbm>> -> memref<64x128xf32, #tpu.memory_space<hbm>>
      %dma_start3A_1650 = arith.constant 0 : i32
      %dma_start3A_1651 = tpu.memref_slice %arg4[%select_n3A_1639, %add3A_1641, %dma_start3A_1650] : memref<50x4096x128xf32, #tpu.memory_space<hbm>> -> memref<1x64x128xf32, #tpu.memory_space<hbm>>
      %dma_start3A_1652 = tpu.memref_squeeze %dma_start3A_1651 : memref<1x64x128xf32, #tpu.memory_space<hbm>> -> memref<64x128xf32, #tpu.memory_space<hbm>>
      %dma_start3A_1653 = arith.constant 0 : i32
      %dma_start3A_1654 = arith.constant 0 : i32
      %dma_start3A_1655 = tpu.memref_slice %arg6[%dma_start3A_1642, %dma_start3A_1653, %dma_start3A_1654] : memref<10x64x128xf32, #tpu.memory_space<vmem>> -> memref<1x64x128xf32, #tpu.memory_space<vmem>>
      %dma_start3A_1656 = tpu.memref_squeeze %dma_start3A_1655 : memref<1x64x128xf32, #tpu.memory_space<vmem>> -> memref<64x128xf32, #tpu.memory_space<vmem>>
      tpu.enqueue_dma source(%dma_start3A_1656 : memref<64x128xf32, #tpu.memory_space<vmem>>) target(%dma_start3A_1652 : memref<64x128xf32, #tpu.memory_space<hbm>>) target_semaphore(%arg21 : memref<!tpu.dma_semaphore, #tpu.memory_space<semaphore_mem>>)
      %add3A_1657 = arith.constant 7 : i32
      %add3A_1658 = arith.addi %add3A_1603, %add3A_1657 : i32
      %dma_wait3A_1659 = arith.constant 1 : i32
      %dma_wait3A_1660 = arith.constant 0 : i32
      %dma_wait3A_1661 = arith.constant 0 : i32
      %dma_wait3A_1662 = arith.constant 0 : i32
      %dma_wait3A_1663 = tpu.memref_slice %arg6[%dma_wait3A_1659, %dma_wait3A_1661, %dma_wait3A_1662] : memref<10x64x128xf32, #tpu.memory_space<vmem>> -> memref<1x64x128xf32, #tpu.memory_space<vmem>>
      %dma_wait3A_1664 = tpu.memref_squeeze %dma_wait3A_1663 : memref<1x64x128xf32, #tpu.memory_space<vmem>> -> memref<64x128xf32, #tpu.memory_space<vmem>>
      %dma_wait3A_1665 = arith.constant 0 : i32
      %dma_wait3A_1666 = tpu.memref_slice %arg4[%dma_wait3A_1660, %mul3A_4, %dma_wait3A_1665] : memref<50x4096x128xf32, #tpu.memory_space<hbm>> -> memref<1x64x128xf32, #tpu.memory_space<hbm>>
      %dma_wait3A_1667 = tpu.memref_squeeze %dma_wait3A_1666 : memref<1x64x128xf32, #tpu.memory_space<hbm>> -> memref<64x128xf32, #tpu.memory_space<hbm>>
      %dma_wait3A_1668 = arith.constant 0 : i32
      %dma_wait3A_1669 = tpu.memref_slice %arg4[%dma_wait3A_1660, %mul3A_4, %dma_wait3A_1668] : memref<50x4096x128xf32, #tpu.memory_space<hbm>> -> memref<1x64x128xf32, #tpu.memory_space<hbm>>
      %dma_wait3A_1670 = tpu.memref_squeeze %dma_wait3A_1669 : memref<1x64x128xf32, #tpu.memory_space<hbm>> -> memref<64x128xf32, #tpu.memory_space<hbm>>
      %dma_wait3A_1671 = arith.constant 0 : i32
      %dma_wait3A_1672 = arith.constant 0 : i32
      %dma_wait3A_1673 = tpu.memref_slice %arg6[%dma_wait3A_1659, %dma_wait3A_1671, %dma_wait3A_1672] : memref<10x64x128xf32, #tpu.memory_space<vmem>> -> memref<1x64x128xf32, #tpu.memory_space<vmem>>
      %dma_wait3A_1674 = tpu.memref_squeeze %dma_wait3A_1673 : memref<1x64x128xf32, #tpu.memory_space<vmem>> -> memref<64x128xf32, #tpu.memory_space<vmem>>
      tpu.wait_dma2 semaphore(%arg18 : memref<!tpu.dma_semaphore, #tpu.memory_space<semaphore_mem>>) src(%dma_wait3A_1674 : memref<64x128xf32, #tpu.memory_space<vmem>>) dst(%dma_wait3A_1670 : memref<64x128xf32, #tpu.memory_space<hbm>>)
      %jit3A_1675 = arith.constant 2 : i32
      %div3A_1676 = arith.divsi %add3A_1658, %jit3A_1675 : i32
      %sign3A_1677 = arith.constant 0 : i32
      %sign3A_1678 = arith.cmpi sgt, %add3A_1658, %sign3A_1677 : i32
      %sign3A_1679 = arith.extui %sign3A_1678 : i1 to i32
      %sign3A_1680 = arith.constant 0 : i32
      %sign3A_1681 = arith.cmpi slt, %add3A_1658, %sign3A_1680 : i32
      %sign3A_1682 = arith.extui %sign3A_1681 : i1 to i32
      %sign3A_1683 = arith.subi %sign3A_1679, %sign3A_1682 : i32
      %sign3A_1684 = arith.constant 0 : i32
      %sign3A_1685 = arith.cmpi sgt, %jit3A_1675, %sign3A_1684 : i32
      %sign3A_1686 = arith.extui %sign3A_1685 : i1 to i32
      %sign3A_1687 = arith.constant 0 : i32
      %sign3A_1688 = arith.cmpi slt, %jit3A_1675, %sign3A_1687 : i32
      %sign3A_1689 = arith.extui %sign3A_1688 : i1 to i32
      %sign3A_1690 = arith.subi %sign3A_1686, %sign3A_1689 : i32
      %ne3A_1691 = arith.cmpi ne, %sign3A_1683, %sign3A_1690 : i32
      %rem3A_1692 = arith.remsi %add3A_1658, %jit3A_1675 : i32
      %ne3A_1693 = arith.constant 0 : i32
      %ne3A_1694 = arith.cmpi ne, %rem3A_1692, %ne3A_1693 : i32
      %and3A_1695 = arith.andi %ne3A_1691, %ne3A_1694 : i1
      %sub3A_1696 = arith.constant 1 : i32
      %sub3A_1697 = arith.subi %div3A_1676, %sub3A_1696 : i32
      %select_n3A_1698 = arith.select %and3A_1695, %sub3A_1697, %div3A_1676 : i32
      %dma_start3A_1699 = arith.constant 1 : i32
      %dma_start3A_1700 = arith.constant 0 : i32
      %dma_start3A_1701 = arith.constant 0 : i32
      %dma_start3A_1702 = tpu.memref_slice %arg6[%dma_start3A_1699, %dma_start3A_1700, %dma_start3A_1701] : memref<10x64x128xf32, #tpu.memory_space<vmem>> -> memref<1x64x128xf32, #tpu.memory_space<vmem>>
      %dma_start3A_1703 = tpu.memref_squeeze %dma_start3A_1702 : memref<1x64x128xf32, #tpu.memory_space<vmem>> -> memref<64x128xf32, #tpu.memory_space<vmem>>
      %dma_start3A_1704 = arith.constant 64 : i32
      %dma_start3A_1705 = tpu.memref_slice %arg5[%select_n3A_1698, %dma_start3A_1704] : memref<50x128xi32, #tpu.memory_space<vmem>> -> memref<1x64xi32, #tpu.memory_space<vmem>>
      %dma_start3A_1706 = tpu.memref_squeeze %dma_start3A_1705 : memref<1x64xi32, #tpu.memory_space<vmem>> -> memref<64xi32, #tpu.memory_space<vmem>>
      %dma_start3A_1707 = arith.constant 0 : i32
      %dma_start3A_1708 = arith.constant 0 : i32
      %dma_start3A_1709 = tpu.memref_slice %arg2[%dma_start3A_1707, %dma_start3A_1708] : memref<100000x128xf32, #tpu.memory_space<hbm>> -> memref<100000x128xf32, #tpu.memory_space<hbm>>
      tpu.enqueue_indirect_dma source(%dma_start3A_1709 : memref<100000x128xf32, #tpu.memory_space<hbm>>) target(%dma_start3A_1703 : memref<64x128xf32, #tpu.memory_space<vmem>>) offsets(%dma_start3A_1706 : memref<64xi32, #tpu.memory_space<vmem>>) semaphore(%arg8 : memref<!tpu.dma_semaphore, #tpu.memory_space<semaphore_mem>>)
      %mul3A_1710 = arith.constant 10 : i32
      %mul3A_1711 = arith.muli %scan3A_1167, %mul3A_1710 : i32
      %add3A_1712 = arith.constant 5 : i32
      %add3A_1713 = arith.addi %mul3A_1711, %add3A_1712 : i32
      %dma_wait3A_1714 = arith.constant 0 : i32
      %dma_wait3A_1715 = arith.constant 5 : i32
      %dma_wait3A_1716 = arith.constant 0 : i32
      %dma_wait3A_1717 = arith.constant 0 : i32
      %dma_wait3A_1718 = tpu.memref_slice %arg6[%dma_wait3A_1715, %dma_wait3A_1716, %dma_wait3A_1717] : memref<10x64x128xf32, #tpu.memory_space<vmem>> -> memref<1x64x128xf32, #tpu.memory_space<vmem>>
      %dma_wait3A_1719 = tpu.memref_squeeze %dma_wait3A_1718 : memref<1x64x128xf32, #tpu.memory_space<vmem>> -> memref<64x128xf32, #tpu.memory_space<vmem>>
      %dma_wait3A_1720 = arith.constant 0 : i32
      %dma_wait3A_1721 = tpu.memref_slice %arg5[%dma_wait3A_1714, %dma_wait3A_1720] : memref<50x128xi32, #tpu.memory_space<vmem>> -> memref<1x64xi32, #tpu.memory_space<vmem>>
      %dma_wait3A_1722 = tpu.memref_squeeze %dma_wait3A_1721 : memref<1x64xi32, #tpu.memory_space<vmem>> -> memref<64xi32, #tpu.memory_space<vmem>>
      %dma_wait3A_1723 = arith.constant 0 : i32
      %dma_wait3A_1724 = arith.constant 0 : i32
      %dma_wait3A_1725 = tpu.memref_slice %arg2[%dma_wait3A_1723, %dma_wait3A_1724] : memref<100000x128xf32, #tpu.memory_space<hbm>> -> memref<100000x128xf32, #tpu.memory_space<hbm>>
      tpu.wait_indirect_dma semaphore(%arg12 : memref<!tpu.dma_semaphore, #tpu.memory_space<semaphore_mem>>) src(%dma_wait3A_1725 : memref<100000x128xf32, #tpu.memory_space<hbm>>) dst(%dma_wait3A_1719 : memref<64x128xf32, #tpu.memory_space<vmem>>)
      %jit3A_1726 = arith.constant 2 : i32
      %div3A_1727 = arith.divsi %add3A_1713, %jit3A_1726 : i32
      %sign3A_1728 = arith.constant 0 : i32
      %sign3A_1729 = arith.cmpi sgt, %add3A_1713, %sign3A_1728 : i32
      %sign3A_1730 = arith.extui %sign3A_1729 : i1 to i32
      %sign3A_1731 = arith.constant 0 : i32
      %sign3A_1732 = arith.cmpi slt, %add3A_1713, %sign3A_1731 : i32
      %sign3A_1733 = arith.extui %sign3A_1732 : i1 to i32
      %sign3A_1734 = arith.subi %sign3A_1730, %sign3A_1733 : i32
      %sign3A_1735 = arith.constant 0 : i32
      %sign3A_1736 = arith.cmpi sgt, %jit3A_1726, %sign3A_1735 : i32
      %sign3A_1737 = arith.extui %sign3A_1736 : i1 to i32
      %sign3A_1738 = arith.constant 0 : i32
      %sign3A_1739 = arith.cmpi slt, %jit3A_1726, %sign3A_1738 : i32
      %sign3A_1740 = arith.extui %sign3A_1739 : i1 to i32
      %sign3A_1741 = arith.subi %sign3A_1737, %sign3A_1740 : i32
      %ne3A_1742 = arith.cmpi ne, %sign3A_1734, %sign3A_1741 : i32
      %rem3A_1743 = arith.remsi %add3A_1713, %jit3A_1726 : i32
      %ne3A_1744 = arith.constant 0 : i32
      %ne3A_1745 = arith.cmpi ne, %rem3A_1743, %ne3A_1744 : i32
      %and3A_1746 = arith.andi %ne3A_1742, %ne3A_1745 : i1
      %sub3A_1747 = arith.constant 1 : i32
      %sub3A_1748 = arith.subi %div3A_1727, %sub3A_1747 : i32
      %select_n3A_1749 = arith.select %and3A_1746, %sub3A_1748, %div3A_1727 : i32
      %add3A_1750 = arith.constant 64 : i32
      %add3A_1751 = arith.addi %mul3A_4, %add3A_1750 : i32
      %dma_start3A_1752 = arith.constant 5 : i32
      %dma_start3A_1753 = arith.constant 0 : i32
      %dma_start3A_1754 = arith.constant 0 : i32
      %dma_start3A_1755 = tpu.memref_slice %arg6[%dma_start3A_1752, %dma_start3A_1753, %dma_start3A_1754] : memref<10x64x128xf32, #tpu.memory_space<vmem>> -> memref<1x64x128xf32, #tpu.memory_space<vmem>>
      %dma_start3A_1756 = tpu.memref_squeeze %dma_start3A_1755 : memref<1x64x128xf32, #tpu.memory_space<vmem>> -> memref<64x128xf32, #tpu.memory_space<vmem>>
      %dma_start3A_1757 = arith.constant 0 : i32
      %dma_start3A_1758 = tpu.memref_slice %arg4[%select_n3A_1749, %add3A_1751, %dma_start3A_1757] : memref<50x4096x128xf32, #tpu.memory_space<hbm>> -> memref<1x64x128xf32, #tpu.memory_space<hbm>>
      %dma_start3A_1759 = tpu.memref_squeeze %dma_start3A_1758 : memref<1x64x128xf32, #tpu.memory_space<hbm>> -> memref<64x128xf32, #tpu.memory_space<hbm>>
      %dma_start3A_1760 = arith.constant 0 : i32
      %dma_start3A_1761 = tpu.memref_slice %arg4[%select_n3A_1749, %add3A_1751, %dma_start3A_1760] : memref<50x4096x128xf32, #tpu.memory_space<hbm>> -> memref<1x64x128xf32, #tpu.memory_space<hbm>>
      %dma_start3A_1762 = tpu.memref_squeeze %dma_start3A_1761 : memref<1x64x128xf32, #tpu.memory_space<hbm>> -> memref<64x128xf32, #tpu.memory_space<hbm>>
      %dma_start3A_1763 = arith.constant 0 : i32
      %dma_start3A_1764 = arith.constant 0 : i32
      %dma_start3A_1765 = tpu.memref_slice %arg6[%dma_start3A_1752, %dma_start3A_1763, %dma_start3A_1764] : memref<10x64x128xf32, #tpu.memory_space<vmem>> -> memref<1x64x128xf32, #tpu.memory_space<vmem>>
      %dma_start3A_1766 = tpu.memref_squeeze %dma_start3A_1765 : memref<1x64x128xf32, #tpu.memory_space<vmem>> -> memref<64x128xf32, #tpu.memory_space<vmem>>
      tpu.enqueue_dma source(%dma_start3A_1766 : memref<64x128xf32, #tpu.memory_space<vmem>>) target(%dma_start3A_1762 : memref<64x128xf32, #tpu.memory_space<hbm>>) target_semaphore(%arg22 : memref<!tpu.dma_semaphore, #tpu.memory_space<semaphore_mem>>)
      %add3A_1767 = arith.constant 7 : i32
      %add3A_1768 = arith.addi %add3A_1713, %add3A_1767 : i32
      %dma_wait3A_1769 = arith.constant 2 : i32
      %dma_wait3A_1770 = arith.constant 0 : i32
      %dma_wait3A_1771 = arith.constant 0 : i32
      %dma_wait3A_1772 = arith.constant 0 : i32
      %dma_wait3A_1773 = tpu.memref_slice %arg6[%dma_wait3A_1769, %dma_wait3A_1771, %dma_wait3A_1772] : memref<10x64x128xf32, #tpu.memory_space<vmem>> -> memref<1x64x128xf32, #tpu.memory_space<vmem>>
      %dma_wait3A_1774 = tpu.memref_squeeze %dma_wait3A_1773 : memref<1x64x128xf32, #tpu.memory_space<vmem>> -> memref<64x128xf32, #tpu.memory_space<vmem>>
      %dma_wait3A_1775 = arith.constant 0 : i32
      %dma_wait3A_1776 = tpu.memref_slice %arg4[%dma_wait3A_1770, %mul3A_4, %dma_wait3A_1775] : memref<50x4096x128xf32, #tpu.memory_space<hbm>> -> memref<1x64x128xf32, #tpu.memory_space<hbm>>
      %dma_wait3A_1777 = tpu.memref_squeeze %dma_wait3A_1776 : memref<1x64x128xf32, #tpu.memory_space<hbm>> -> memref<64x128xf32, #tpu.memory_space<hbm>>
      %dma_wait3A_1778 = arith.constant 0 : i32
      %dma_wait3A_1779 = tpu.memref_slice %arg4[%dma_wait3A_1770, %mul3A_4, %dma_wait3A_1778] : memref<50x4096x128xf32, #tpu.memory_space<hbm>> -> memref<1x64x128xf32, #tpu.memory_space<hbm>>
      %dma_wait3A_1780 = tpu.memref_squeeze %dma_wait3A_1779 : memref<1x64x128xf32, #tpu.memory_space<hbm>> -> memref<64x128xf32, #tpu.memory_space<hbm>>
      %dma_wait3A_1781 = arith.constant 0 : i32
      %dma_wait3A_1782 = arith.constant 0 : i32
      %dma_wait3A_1783 = tpu.memref_slice %arg6[%dma_wait3A_1769, %dma_wait3A_1781, %dma_wait3A_1782] : memref<10x64x128xf32, #tpu.memory_space<vmem>> -> memref<1x64x128xf32, #tpu.memory_space<vmem>>
      %dma_wait3A_1784 = tpu.memref_squeeze %dma_wait3A_1783 : memref<1x64x128xf32, #tpu.memory_space<vmem>> -> memref<64x128xf32, #tpu.memory_space<vmem>>
      tpu.wait_dma2 semaphore(%arg19 : memref<!tpu.dma_semaphore, #tpu.memory_space<semaphore_mem>>) src(%dma_wait3A_1784 : memref<64x128xf32, #tpu.memory_space<vmem>>) dst(%dma_wait3A_1780 : memref<64x128xf32, #tpu.memory_space<hbm>>)
      %jit3A_1785 = arith.constant 2 : i32
      %div3A_1786 = arith.divsi %add3A_1768, %jit3A_1785 : i32
      %sign3A_1787 = arith.constant 0 : i32
      %sign3A_1788 = arith.cmpi sgt, %add3A_1768, %sign3A_1787 : i32
      %sign3A_1789 = arith.extui %sign3A_1788 : i1 to i32
      %sign3A_1790 = arith.constant 0 : i32
      %sign3A_1791 = arith.cmpi slt, %add3A_1768, %sign3A_1790 : i32
      %sign3A_1792 = arith.extui %sign3A_1791 : i1 to i32
      %sign3A_1793 = arith.subi %sign3A_1789, %sign3A_1792 : i32
      %sign3A_1794 = arith.constant 0 : i32
      %sign3A_1795 = arith.cmpi sgt, %jit3A_1785, %sign3A_1794 : i32
      %sign3A_1796 = arith.extui %sign3A_1795 : i1 to i32
      %sign3A_1797 = arith.constant 0 : i32
      %sign3A_1798 = arith.cmpi slt, %jit3A_1785, %sign3A_1797 : i32
      %sign3A_1799 = arith.extui %sign3A_1798 : i1 to i32
      %sign3A_1800 = arith.subi %sign3A_1796, %sign3A_1799 : i32
      %ne3A_1801 = arith.cmpi ne, %sign3A_1793, %sign3A_1800 : i32
      %rem3A_1802 = arith.remsi %add3A_1768, %jit3A_1785 : i32
      %ne3A_1803 = arith.constant 0 : i32
      %ne3A_1804 = arith.cmpi ne, %rem3A_1802, %ne3A_1803 : i32
      %and3A_1805 = arith.andi %ne3A_1801, %ne3A_1804 : i1
      %sub3A_1806 = arith.constant 1 : i32
      %sub3A_1807 = arith.subi %div3A_1786, %sub3A_1806 : i32
      %select_n3A_1808 = arith.select %and3A_1805, %sub3A_1807, %div3A_1786 : i32
      %dma_start3A_1809 = arith.constant 2 : i32
      %dma_start3A_1810 = arith.constant 0 : i32
      %dma_start3A_1811 = arith.constant 0 : i32
      %dma_start3A_1812 = tpu.memref_slice %arg6[%dma_start3A_1809, %dma_start3A_1810, %dma_start3A_1811] : memref<10x64x128xf32, #tpu.memory_space<vmem>> -> memref<1x64x128xf32, #tpu.memory_space<vmem>>
      %dma_start3A_1813 = tpu.memref_squeeze %dma_start3A_1812 : memref<1x64x128xf32, #tpu.memory_space<vmem>> -> memref<64x128xf32, #tpu.memory_space<vmem>>
      %dma_start3A_1814 = arith.constant 0 : i32
      %dma_start3A_1815 = tpu.memref_slice %arg5[%select_n3A_1808, %dma_start3A_1814] : memref<50x128xi32, #tpu.memory_space<vmem>> -> memref<1x64xi32, #tpu.memory_space<vmem>>
      %dma_start3A_1816 = tpu.memref_squeeze %dma_start3A_1815 : memref<1x64xi32, #tpu.memory_space<vmem>> -> memref<64xi32, #tpu.memory_space<vmem>>
      %dma_start3A_1817 = arith.constant 0 : i32
      %dma_start3A_1818 = arith.constant 0 : i32
      %dma_start3A_1819 = tpu.memref_slice %arg2[%dma_start3A_1817, %dma_start3A_1818] : memref<100000x128xf32, #tpu.memory_space<hbm>> -> memref<100000x128xf32, #tpu.memory_space<hbm>>
      tpu.enqueue_indirect_dma source(%dma_start3A_1819 : memref<100000x128xf32, #tpu.memory_space<hbm>>) target(%dma_start3A_1813 : memref<64x128xf32, #tpu.memory_space<vmem>>) offsets(%dma_start3A_1816 : memref<64xi32, #tpu.memory_space<vmem>>) semaphore(%arg9 : memref<!tpu.dma_semaphore, #tpu.memory_space<semaphore_mem>>)
      %mul3A_1820 = arith.constant 10 : i32
      %mul3A_1821 = arith.muli %scan3A_1167, %mul3A_1820 : i32
      %add3A_1822 = arith.constant 6 : i32
      %add3A_1823 = arith.addi %mul3A_1821, %add3A_1822 : i32
      %dma_wait3A_1824 = arith.constant 0 : i32
      %dma_wait3A_1825 = arith.constant 6 : i32
      %dma_wait3A_1826 = arith.constant 0 : i32
      %dma_wait3A_1827 = arith.constant 0 : i32
      %dma_wait3A_1828 = tpu.memref_slice %arg6[%dma_wait3A_1825, %dma_wait3A_1826, %dma_wait3A_1827] : memref<10x64x128xf32, #tpu.memory_space<vmem>> -> memref<1x64x128xf32, #tpu.memory_space<vmem>>
      %dma_wait3A_1829 = tpu.memref_squeeze %dma_wait3A_1828 : memref<1x64x128xf32, #tpu.memory_space<vmem>> -> memref<64x128xf32, #tpu.memory_space<vmem>>
      %dma_wait3A_1830 = arith.constant 0 : i32
      %dma_wait3A_1831 = tpu.memref_slice %arg5[%dma_wait3A_1824, %dma_wait3A_1830] : memref<50x128xi32, #tpu.memory_space<vmem>> -> memref<1x64xi32, #tpu.memory_space<vmem>>
      %dma_wait3A_1832 = tpu.memref_squeeze %dma_wait3A_1831 : memref<1x64xi32, #tpu.memory_space<vmem>> -> memref<64xi32, #tpu.memory_space<vmem>>
      %dma_wait3A_1833 = arith.constant 0 : i32
      %dma_wait3A_1834 = arith.constant 0 : i32
      %dma_wait3A_1835 = tpu.memref_slice %arg2[%dma_wait3A_1833, %dma_wait3A_1834] : memref<100000x128xf32, #tpu.memory_space<hbm>> -> memref<100000x128xf32, #tpu.memory_space<hbm>>
      tpu.wait_indirect_dma semaphore(%arg13 : memref<!tpu.dma_semaphore, #tpu.memory_space<semaphore_mem>>) src(%dma_wait3A_1835 : memref<100000x128xf32, #tpu.memory_space<hbm>>) dst(%dma_wait3A_1829 : memref<64x128xf32, #tpu.memory_space<vmem>>)
      %jit3A_1836 = arith.constant 2 : i32
      %div3A_1837 = arith.divsi %add3A_1823, %jit3A_1836 : i32
      %sign3A_1838 = arith.constant 0 : i32
      %sign3A_1839 = arith.cmpi sgt, %add3A_1823, %sign3A_1838 : i32
      %sign3A_1840 = arith.extui %sign3A_1839 : i1 to i32
      %sign3A_1841 = arith.constant 0 : i32
      %sign3A_1842 = arith.cmpi slt, %add3A_1823, %sign3A_1841 : i32
      %sign3A_1843 = arith.extui %sign3A_1842 : i1 to i32
      %sign3A_1844 = arith.subi %sign3A_1840, %sign3A_1843 : i32
      %sign3A_1845 = arith.constant 0 : i32
      %sign3A_1846 = arith.cmpi sgt, %jit3A_1836, %sign3A_1845 : i32
      %sign3A_1847 = arith.extui %sign3A_1846 : i1 to i32
      %sign3A_1848 = arith.constant 0 : i32
      %sign3A_1849 = arith.cmpi slt, %jit3A_1836, %sign3A_1848 : i32
      %sign3A_1850 = arith.extui %sign3A_1849 : i1 to i32
      %sign3A_1851 = arith.subi %sign3A_1847, %sign3A_1850 : i32
      %ne3A_1852 = arith.cmpi ne, %sign3A_1844, %sign3A_1851 : i32
      %rem3A_1853 = arith.remsi %add3A_1823, %jit3A_1836 : i32
      %ne3A_1854 = arith.constant 0 : i32
      %ne3A_1855 = arith.cmpi ne, %rem3A_1853, %ne3A_1854 : i32
      %and3A_1856 = arith.andi %ne3A_1852, %ne3A_1855 : i1
      %sub3A_1857 = arith.constant 1 : i32
      %sub3A_1858 = arith.subi %div3A_1837, %sub3A_1857 : i32
      %select_n3A_1859 = arith.select %and3A_1856, %sub3A_1858, %div3A_1837 : i32
      %add3A_1860 = arith.constant 0 : i32
      %add3A_1861 = arith.addi %mul3A_4, %add3A_1860 : i32
      %dma_start3A_1862 = arith.constant 6 : i32
      %dma_start3A_1863 = arith.constant 0 : i32
      %dma_start3A_1864 = arith.constant 0 : i32
      %dma_start3A_1865 = tpu.memref_slice %arg6[%dma_start3A_1862, %dma_start3A_1863, %dma_start3A_1864] : memref<10x64x128xf32, #tpu.memory_space<vmem>> -> memref<1x64x128xf32, #tpu.memory_space<vmem>>
      %dma_start3A_1866 = tpu.memref_squeeze %dma_start3A_1865 : memref<1x64x128xf32, #tpu.memory_space<vmem>> -> memref<64x128xf32, #tpu.memory_space<vmem>>
      %dma_start3A_1867 = arith.constant 0 : i32
      %dma_start3A_1868 = tpu.memref_slice %arg4[%select_n3A_1859, %add3A_1861, %dma_start3A_1867] : memref<50x4096x128xf32, #tpu.memory_space<hbm>> -> memref<1x64x128xf32, #tpu.memory_space<hbm>>
      %dma_start3A_1869 = tpu.memref_squeeze %dma_start3A_1868 : memref<1x64x128xf32, #tpu.memory_space<hbm>> -> memref<64x128xf32, #tpu.memory_space<hbm>>
      %dma_start3A_1870 = arith.constant 0 : i32
      %dma_start3A_1871 = tpu.memref_slice %arg4[%select_n3A_1859, %add3A_1861, %dma_start3A_1870] : memref<50x4096x128xf32, #tpu.memory_space<hbm>> -> memref<1x64x128xf32, #tpu.memory_space<hbm>>
      %dma_start3A_1872 = tpu.memref_squeeze %dma_start3A_1871 : memref<1x64x128xf32, #tpu.memory_space<hbm>> -> memref<64x128xf32, #tpu.memory_space<hbm>>
      %dma_start3A_1873 = arith.constant 0 : i32
      %dma_start3A_1874 = arith.constant 0 : i32
      %dma_start3A_1875 = tpu.memref_slice %arg6[%dma_start3A_1862, %dma_start3A_1873, %dma_start3A_1874] : memref<10x64x128xf32, #tpu.memory_space<vmem>> -> memref<1x64x128xf32, #tpu.memory_space<vmem>>
      %dma_start3A_1876 = tpu.memref_squeeze %dma_start3A_1875 : memref<1x64x128xf32, #tpu.memory_space<vmem>> -> memref<64x128xf32, #tpu.memory_space<vmem>>
      tpu.enqueue_dma source(%dma_start3A_1876 : memref<64x128xf32, #tpu.memory_space<vmem>>) target(%dma_start3A_1872 : memref<64x128xf32, #tpu.memory_space<hbm>>) target_semaphore(%arg23 : memref<!tpu.dma_semaphore, #tpu.memory_space<semaphore_mem>>)
      %add3A_1877 = arith.constant 7 : i32
      %add3A_1878 = arith.addi %add3A_1823, %add3A_1877 : i32
      %dma_wait3A_1879 = arith.constant 3 : i32
      %dma_wait3A_1880 = arith.constant 0 : i32
      %dma_wait3A_1881 = arith.constant 0 : i32
      %dma_wait3A_1882 = arith.constant 0 : i32
      %dma_wait3A_1883 = tpu.memref_slice %arg6[%dma_wait3A_1879, %dma_wait3A_1881, %dma_wait3A_1882] : memref<10x64x128xf32, #tpu.memory_space<vmem>> -> memref<1x64x128xf32, #tpu.memory_space<vmem>>
      %dma_wait3A_1884 = tpu.memref_squeeze %dma_wait3A_1883 : memref<1x64x128xf32, #tpu.memory_space<vmem>> -> memref<64x128xf32, #tpu.memory_space<vmem>>
      %dma_wait3A_1885 = arith.constant 0 : i32
      %dma_wait3A_1886 = tpu.memref_slice %arg4[%dma_wait3A_1880, %mul3A_4, %dma_wait3A_1885] : memref<50x4096x128xf32, #tpu.memory_space<hbm>> -> memref<1x64x128xf32, #tpu.memory_space<hbm>>
      %dma_wait3A_1887 = tpu.memref_squeeze %dma_wait3A_1886 : memref<1x64x128xf32, #tpu.memory_space<hbm>> -> memref<64x128xf32, #tpu.memory_space<hbm>>
      %dma_wait3A_1888 = arith.constant 0 : i32
      %dma_wait3A_1889 = tpu.memref_slice %arg4[%dma_wait3A_1880, %mul3A_4, %dma_wait3A_1888] : memref<50x4096x128xf32, #tpu.memory_space<hbm>> -> memref<1x64x128xf32, #tpu.memory_space<hbm>>
      %dma_wait3A_1890 = tpu.memref_squeeze %dma_wait3A_1889 : memref<1x64x128xf32, #tpu.memory_space<hbm>> -> memref<64x128xf32, #tpu.memory_space<hbm>>
      %dma_wait3A_1891 = arith.constant 0 : i32
      %dma_wait3A_1892 = arith.constant 0 : i32
      %dma_wait3A_1893 = tpu.memref_slice %arg6[%dma_wait3A_1879, %dma_wait3A_1891, %dma_wait3A_1892] : memref<10x64x128xf32, #tpu.memory_space<vmem>> -> memref<1x64x128xf32, #tpu.memory_space<vmem>>
      %dma_wait3A_1894 = tpu.memref_squeeze %dma_wait3A_1893 : memref<1x64x128xf32, #tpu.memory_space<vmem>> -> memref<64x128xf32, #tpu.memory_space<vmem>>
      tpu.wait_dma2 semaphore(%arg20 : memref<!tpu.dma_semaphore, #tpu.memory_space<semaphore_mem>>) src(%dma_wait3A_1894 : memref<64x128xf32, #tpu.memory_space<vmem>>) dst(%dma_wait3A_1890 : memref<64x128xf32, #tpu.memory_space<hbm>>)
      %jit3A_1895 = arith.constant 2 : i32
      %div3A_1896 = arith.divsi %add3A_1878, %jit3A_1895 : i32
      %sign3A_1897 = arith.constant 0 : i32
      %sign3A_1898 = arith.cmpi sgt, %add3A_1878, %sign3A_1897 : i32
      %sign3A_1899 = arith.extui %sign3A_1898 : i1 to i32
      %sign3A_1900 = arith.constant 0 : i32
      %sign3A_1901 = arith.cmpi slt, %add3A_1878, %sign3A_1900 : i32
      %sign3A_1902 = arith.extui %sign3A_1901 : i1 to i32
      %sign3A_1903 = arith.subi %sign3A_1899, %sign3A_1902 : i32
      %sign3A_1904 = arith.constant 0 : i32
      %sign3A_1905 = arith.cmpi sgt, %jit3A_1895, %sign3A_1904 : i32
      %sign3A_1906 = arith.extui %sign3A_1905 : i1 to i32
      %sign3A_1907 = arith.constant 0 : i32
      %sign3A_1908 = arith.cmpi slt, %jit3A_1895, %sign3A_1907 : i32
      %sign3A_1909 = arith.extui %sign3A_1908 : i1 to i32
      %sign3A_1910 = arith.subi %sign3A_1906, %sign3A_1909 : i32
      %ne3A_1911 = arith.cmpi ne, %sign3A_1903, %sign3A_1910 : i32
      %rem3A_1912 = arith.remsi %add3A_1878, %jit3A_1895 : i32
      %ne3A_1913 = arith.constant 0 : i32
      %ne3A_1914 = arith.cmpi ne, %rem3A_1912, %ne3A_1913 : i32
      %and3A_1915 = arith.andi %ne3A_1911, %ne3A_1914 : i1
      %sub3A_1916 = arith.constant 1 : i32
      %sub3A_1917 = arith.subi %div3A_1896, %sub3A_1916 : i32
      %select_n3A_1918 = arith.select %and3A_1915, %sub3A_1917, %div3A_1896 : i32
      %dma_start3A_1919 = arith.constant 3 : i32
      %dma_start3A_1920 = arith.constant 0 : i32
      %dma_start3A_1921 = arith.constant 0 : i32
      %dma_start3A_1922 = tpu.memref_slice %arg6[%dma_start3A_1919, %dma_start3A_1920, %dma_start3A_1921] : memref<10x64x128xf32, #tpu.memory_space<vmem>> -> memref<1x64x128xf32, #tpu.memory_space<vmem>>
      %dma_start3A_1923 = tpu.memref_squeeze %dma_start3A_1922 : memref<1x64x128xf32, #tpu.memory_space<vmem>> -> memref<64x128xf32, #tpu.memory_space<vmem>>
      %dma_start3A_1924 = arith.constant 64 : i32
      %dma_start3A_1925 = tpu.memref_slice %arg5[%select_n3A_1918, %dma_start3A_1924] : memref<50x128xi32, #tpu.memory_space<vmem>> -> memref<1x64xi32, #tpu.memory_space<vmem>>
      %dma_start3A_1926 = tpu.memref_squeeze %dma_start3A_1925 : memref<1x64xi32, #tpu.memory_space<vmem>> -> memref<64xi32, #tpu.memory_space<vmem>>
      %dma_start3A_1927 = arith.constant 0 : i32
      %dma_start3A_1928 = arith.constant 0 : i32
      %dma_start3A_1929 = tpu.memref_slice %arg2[%dma_start3A_1927, %dma_start3A_1928] : memref<100000x128xf32, #tpu.memory_space<hbm>> -> memref<100000x128xf32, #tpu.memory_space<hbm>>
      tpu.enqueue_indirect_dma source(%dma_start3A_1929 : memref<100000x128xf32, #tpu.memory_space<hbm>>) target(%dma_start3A_1923 : memref<64x128xf32, #tpu.memory_space<vmem>>) offsets(%dma_start3A_1926 : memref<64xi32, #tpu.memory_space<vmem>>) semaphore(%arg10 : memref<!tpu.dma_semaphore, #tpu.memory_space<semaphore_mem>>)
      %mul3A_1930 = arith.constant 10 : i32
      %mul3A_1931 = arith.muli %scan3A_1167, %mul3A_1930 : i32
      %add3A_1932 = arith.constant 7 : i32
      %add3A_1933 = arith.addi %mul3A_1931, %add3A_1932 : i32
      %dma_wait3A_1934 = arith.constant 0 : i32
      %dma_wait3A_1935 = arith.constant 7 : i32
      %dma_wait3A_1936 = arith.constant 0 : i32
      %dma_wait3A_1937 = arith.constant 0 : i32
      %dma_wait3A_1938 = tpu.memref_slice %arg6[%dma_wait3A_1935, %dma_wait3A_1936, %dma_wait3A_1937] : memref<10x64x128xf32, #tpu.memory_space<vmem>> -> memref<1x64x128xf32, #tpu.memory_space<vmem>>
      %dma_wait3A_1939 = tpu.memref_squeeze %dma_wait3A_1938 : memref<1x64x128xf32, #tpu.memory_space<vmem>> -> memref<64x128xf32, #tpu.memory_space<vmem>>
      %dma_wait3A_1940 = arith.constant 0 : i32
      %dma_wait3A_1941 = tpu.memref_slice %arg5[%dma_wait3A_1934, %dma_wait3A_1940] : memref<50x128xi32, #tpu.memory_space<vmem>> -> memref<1x64xi32, #tpu.memory_space<vmem>>
      %dma_wait3A_1942 = tpu.memref_squeeze %dma_wait3A_1941 : memref<1x64xi32, #tpu.memory_space<vmem>> -> memref<64xi32, #tpu.memory_space<vmem>>
      %dma_wait3A_1943 = arith.constant 0 : i32
      %dma_wait3A_1944 = arith.constant 0 : i32
      %dma_wait3A_1945 = tpu.memref_slice %arg2[%dma_wait3A_1943, %dma_wait3A_1944] : memref<100000x128xf32, #tpu.memory_space<hbm>> -> memref<100000x128xf32, #tpu.memory_space<hbm>>
      tpu.wait_indirect_dma semaphore(%arg14 : memref<!tpu.dma_semaphore, #tpu.memory_space<semaphore_mem>>) src(%dma_wait3A_1945 : memref<100000x128xf32, #tpu.memory_space<hbm>>) dst(%dma_wait3A_1939 : memref<64x128xf32, #tpu.memory_space<vmem>>)
      %jit3A_1946 = arith.constant 2 : i32
      %div3A_1947 = arith.divsi %add3A_1933, %jit3A_1946 : i32
      %sign3A_1948 = arith.constant 0 : i32
      %sign3A_1949 = arith.cmpi sgt, %add3A_1933, %sign3A_1948 : i32
      %sign3A_1950 = arith.extui %sign3A_1949 : i1 to i32
      %sign3A_1951 = arith.constant 0 : i32
      %sign3A_1952 = arith.cmpi slt, %add3A_1933, %sign3A_1951 : i32
      %sign3A_1953 = arith.extui %sign3A_1952 : i1 to i32
      %sign3A_1954 = arith.subi %sign3A_1950, %sign3A_1953 : i32
      %sign3A_1955 = arith.constant 0 : i32
      %sign3A_1956 = arith.cmpi sgt, %jit3A_1946, %sign3A_1955 : i32
      %sign3A_1957 = arith.extui %sign3A_1956 : i1 to i32
      %sign3A_1958 = arith.constant 0 : i32
      %sign3A_1959 = arith.cmpi slt, %jit3A_1946, %sign3A_1958 : i32
      %sign3A_1960 = arith.extui %sign3A_1959 : i1 to i32
      %sign3A_1961 = arith.subi %sign3A_1957, %sign3A_1960 : i32
      %ne3A_1962 = arith.cmpi ne, %sign3A_1954, %sign3A_1961 : i32
      %rem3A_1963 = arith.remsi %add3A_1933, %jit3A_1946 : i32
      %ne3A_1964 = arith.constant 0 : i32
      %ne3A_1965 = arith.cmpi ne, %rem3A_1963, %ne3A_1964 : i32
      %and3A_1966 = arith.andi %ne3A_1962, %ne3A_1965 : i1
      %sub3A_1967 = arith.constant 1 : i32
      %sub3A_1968 = arith.subi %div3A_1947, %sub3A_1967 : i32
      %select_n3A_1969 = arith.select %and3A_1966, %sub3A_1968, %div3A_1947 : i32
      %add3A_1970 = arith.constant 64 : i32
      %add3A_1971 = arith.addi %mul3A_4, %add3A_1970 : i32
      %dma_start3A_1972 = arith.constant 7 : i32
      %dma_start3A_1973 = arith.constant 0 : i32
      %dma_start3A_1974 = arith.constant 0 : i32
      %dma_start3A_1975 = tpu.memref_slice %arg6[%dma_start3A_1972, %dma_start3A_1973, %dma_start3A_1974] : memref<10x64x128xf32, #tpu.memory_space<vmem>> -> memref<1x64x128xf32, #tpu.memory_space<vmem>>
      %dma_start3A_1976 = tpu.memref_squeeze %dma_start3A_1975 : memref<1x64x128xf32, #tpu.memory_space<vmem>> -> memref<64x128xf32, #tpu.memory_space<vmem>>
      %dma_start3A_1977 = arith.constant 0 : i32
      %dma_start3A_1978 = tpu.memref_slice %arg4[%select_n3A_1969, %add3A_1971, %dma_start3A_1977] : memref<50x4096x128xf32, #tpu.memory_space<hbm>> -> memref<1x64x128xf32, #tpu.memory_space<hbm>>
      %dma_start3A_1979 = tpu.memref_squeeze %dma_start3A_1978 : memref<1x64x128xf32, #tpu.memory_space<hbm>> -> memref<64x128xf32, #tpu.memory_space<hbm>>
      %dma_start3A_1980 = arith.constant 0 : i32
      %dma_start3A_1981 = tpu.memref_slice %arg4[%select_n3A_1969, %add3A_1971, %dma_start3A_1980] : memref<50x4096x128xf32, #tpu.memory_space<hbm>> -> memref<1x64x128xf32, #tpu.memory_space<hbm>>
      %dma_start3A_1982 = tpu.memref_squeeze %dma_start3A_1981 : memref<1x64x128xf32, #tpu.memory_space<hbm>> -> memref<64x128xf32, #tpu.memory_space<hbm>>
      %dma_start3A_1983 = arith.constant 0 : i32
      %dma_start3A_1984 = arith.constant 0 : i32
      %dma_start3A_1985 = tpu.memref_slice %arg6[%dma_start3A_1972, %dma_start3A_1983, %dma_start3A_1984] : memref<10x64x128xf32, #tpu.memory_space<vmem>> -> memref<1x64x128xf32, #tpu.memory_space<vmem>>
      %dma_start3A_1986 = tpu.memref_squeeze %dma_start3A_1985 : memref<1x64x128xf32, #tpu.memory_space<vmem>> -> memref<64x128xf32, #tpu.memory_space<vmem>>
      tpu.enqueue_dma source(%dma_start3A_1986 : memref<64x128xf32, #tpu.memory_space<vmem>>) target(%dma_start3A_1982 : memref<64x128xf32, #tpu.memory_space<hbm>>) target_semaphore(%arg24 : memref<!tpu.dma_semaphore, #tpu.memory_space<semaphore_mem>>)
      %add3A_1987 = arith.constant 7 : i32
      %add3A_1988 = arith.addi %add3A_1933, %add3A_1987 : i32
      %dma_wait3A_1989 = arith.constant 4 : i32
      %dma_wait3A_1990 = arith.constant 0 : i32
      %dma_wait3A_1991 = arith.constant 0 : i32
      %dma_wait3A_1992 = arith.constant 0 : i32
      %dma_wait3A_1993 = tpu.memref_slice %arg6[%dma_wait3A_1989, %dma_wait3A_1991, %dma_wait3A_1992] : memref<10x64x128xf32, #tpu.memory_space<vmem>> -> memref<1x64x128xf32, #tpu.memory_space<vmem>>
      %dma_wait3A_1994 = tpu.memref_squeeze %dma_wait3A_1993 : memref<1x64x128xf32, #tpu.memory_space<vmem>> -> memref<64x128xf32, #tpu.memory_space<vmem>>
      %dma_wait3A_1995 = arith.constant 0 : i32
      %dma_wait3A_1996 = tpu.memref_slice %arg4[%dma_wait3A_1990, %mul3A_4, %dma_wait3A_1995] : memref<50x4096x128xf32, #tpu.memory_space<hbm>> -> memref<1x64x128xf32, #tpu.memory_space<hbm>>
      %dma_wait3A_1997 = tpu.memref_squeeze %dma_wait3A_1996 : memref<1x64x128xf32, #tpu.memory_space<hbm>> -> memref<64x128xf32, #tpu.memory_space<hbm>>
      %dma_wait3A_1998 = arith.constant 0 : i32
      %dma_wait3A_1999 = tpu.memref_slice %arg4[%dma_wait3A_1990, %mul3A_4, %dma_wait3A_1998] : memref<50x4096x128xf32, #tpu.memory_space<hbm>> -> memref<1x64x128xf32, #tpu.memory_space<hbm>>
      %dma_wait3A_2000 = tpu.memref_squeeze %dma_wait3A_1999 : memref<1x64x128xf32, #tpu.memory_space<hbm>> -> memref<64x128xf32, #tpu.memory_space<hbm>>
      %dma_wait3A_2001 = arith.constant 0 : i32
      %dma_wait3A_2002 = arith.constant 0 : i32
      %dma_wait3A_2003 = tpu.memref_slice %arg6[%dma_wait3A_1989, %dma_wait3A_2001, %dma_wait3A_2002] : memref<10x64x128xf32, #tpu.memory_space<vmem>> -> memref<1x64x128xf32, #tpu.memory_space<vmem>>
      %dma_wait3A_2004 = tpu.memref_squeeze %dma_wait3A_2003 : memref<1x64x128xf32, #tpu.memory_space<vmem>> -> memref<64x128xf32, #tpu.memory_space<vmem>>
      tpu.wait_dma2 semaphore(%arg21 : memref<!tpu.dma_semaphore, #tpu.memory_space<semaphore_mem>>) src(%dma_wait3A_2004 : memref<64x128xf32, #tpu.memory_space<vmem>>) dst(%dma_wait3A_2000 : memref<64x128xf32, #tpu.memory_space<hbm>>)
      %jit3A_2005 = arith.constant 2 : i32
      %div3A_2006 = arith.divsi %add3A_1988, %jit3A_2005 : i32
      %sign3A_2007 = arith.constant 0 : i32
      %sign3A_2008 = arith.cmpi sgt, %add3A_1988, %sign3A_2007 : i32
      %sign3A_2009 = arith.extui %sign3A_2008 : i1 to i32
      %sign3A_2010 = arith.constant 0 : i32
      %sign3A_2011 = arith.cmpi slt, %add3A_1988, %sign3A_2010 : i32
      %sign3A_2012 = arith.extui %sign3A_2011 : i1 to i32
      %sign3A_2013 = arith.subi %sign3A_2009, %sign3A_2012 : i32
      %sign3A_2014 = arith.constant 0 : i32
      %sign3A_2015 = arith.cmpi sgt, %jit3A_2005, %sign3A_2014 : i32
      %sign3A_2016 = arith.extui %sign3A_2015 : i1 to i32
      %sign3A_2017 = arith.constant 0 : i32
      %sign3A_2018 = arith.cmpi slt, %jit3A_2005, %sign3A_2017 : i32
      %sign3A_2019 = arith.extui %sign3A_2018 : i1 to i32
      %sign3A_2020 = arith.subi %sign3A_2016, %sign3A_2019 : i32
      %ne3A_2021 = arith.cmpi ne, %sign3A_2013, %sign3A_2020 : i32
      %rem3A_2022 = arith.remsi %add3A_1988, %jit3A_2005 : i32
      %ne3A_2023 = arith.constant 0 : i32
      %ne3A_2024 = arith.cmpi ne, %rem3A_2022, %ne3A_2023 : i32
      %and3A_2025 = arith.andi %ne3A_2021, %ne3A_2024 : i1
      %sub3A_2026 = arith.constant 1 : i32
      %sub3A_2027 = arith.subi %div3A_2006, %sub3A_2026 : i32
      %select_n3A_2028 = arith.select %and3A_2025, %sub3A_2027, %div3A_2006 : i32
      %dma_start3A_2029 = arith.constant 4 : i32
      %dma_start3A_2030 = arith.constant 0 : i32
      %dma_start3A_2031 = arith.constant 0 : i32
      %dma_start3A_2032 = tpu.memref_slice %arg6[%dma_start3A_2029, %dma_start3A_2030, %dma_start3A_2031] : memref<10x64x128xf32, #tpu.memory_space<vmem>> -> memref<1x64x128xf32, #tpu.memory_space<vmem>>
      %dma_start3A_2033 = tpu.memref_squeeze %dma_start3A_2032 : memref<1x64x128xf32, #tpu.memory_space<vmem>> -> memref<64x128xf32, #tpu.memory_space<vmem>>
      %dma_start3A_2034 = arith.constant 0 : i32
      %dma_start3A_2035 = tpu.memref_slice %arg5[%select_n3A_2028, %dma_start3A_2034] : memref<50x128xi32, #tpu.memory_space<vmem>> -> memref<1x64xi32, #tpu.memory_space<vmem>>
      %dma_start3A_2036 = tpu.memref_squeeze %dma_start3A_2035 : memref<1x64xi32, #tpu.memory_space<vmem>> -> memref<64xi32, #tpu.memory_space<vmem>>
      %dma_start3A_2037 = arith.constant 0 : i32
      %dma_start3A_2038 = arith.constant 0 : i32
      %dma_start3A_2039 = tpu.memref_slice %arg2[%dma_start3A_2037, %dma_start3A_2038] : memref<100000x128xf32, #tpu.memory_space<hbm>> -> memref<100000x128xf32, #tpu.memory_space<hbm>>
      tpu.enqueue_indirect_dma source(%dma_start3A_2039 : memref<100000x128xf32, #tpu.memory_space<hbm>>) target(%dma_start3A_2033 : memref<64x128xf32, #tpu.memory_space<vmem>>) offsets(%dma_start3A_2036 : memref<64xi32, #tpu.memory_space<vmem>>) semaphore(%arg11 : memref<!tpu.dma_semaphore, #tpu.memory_space<semaphore_mem>>)
      %mul3A_2040 = arith.constant 10 : i32
      %mul3A_2041 = arith.muli %scan3A_1167, %mul3A_2040 : i32
      %add3A_2042 = arith.constant 8 : i32
      %add3A_2043 = arith.addi %mul3A_2041, %add3A_2042 : i32
      %dma_wait3A_2044 = arith.constant 0 : i32
      %dma_wait3A_2045 = arith.constant 8 : i32
      %dma_wait3A_2046 = arith.constant 0 : i32
      %dma_wait3A_2047 = arith.constant 0 : i32
      %dma_wait3A_2048 = tpu.memref_slice %arg6[%dma_wait3A_2045, %dma_wait3A_2046, %dma_wait3A_2047] : memref<10x64x128xf32, #tpu.memory_space<vmem>> -> memref<1x64x128xf32, #tpu.memory_space<vmem>>
      %dma_wait3A_2049 = tpu.memref_squeeze %dma_wait3A_2048 : memref<1x64x128xf32, #tpu.memory_space<vmem>> -> memref<64x128xf32, #tpu.memory_space<vmem>>
      %dma_wait3A_2050 = arith.constant 0 : i32
      %dma_wait3A_2051 = tpu.memref_slice %arg5[%dma_wait3A_2044, %dma_wait3A_2050] : memref<50x128xi32, #tpu.memory_space<vmem>> -> memref<1x64xi32, #tpu.memory_space<vmem>>
      %dma_wait3A_2052 = tpu.memref_squeeze %dma_wait3A_2051 : memref<1x64xi32, #tpu.memory_space<vmem>> -> memref<64xi32, #tpu.memory_space<vmem>>
      %dma_wait3A_2053 = arith.constant 0 : i32
      %dma_wait3A_2054 = arith.constant 0 : i32
      %dma_wait3A_2055 = tpu.memref_slice %arg2[%dma_wait3A_2053, %dma_wait3A_2054] : memref<100000x128xf32, #tpu.memory_space<hbm>> -> memref<100000x128xf32, #tpu.memory_space<hbm>>
      tpu.wait_indirect_dma semaphore(%arg15 : memref<!tpu.dma_semaphore, #tpu.memory_space<semaphore_mem>>) src(%dma_wait3A_2055 : memref<100000x128xf32, #tpu.memory_space<hbm>>) dst(%dma_wait3A_2049 : memref<64x128xf32, #tpu.memory_space<vmem>>)
      %jit3A_2056 = arith.constant 2 : i32
      %div3A_2057 = arith.divsi %add3A_2043, %jit3A_2056 : i32
      %sign3A_2058 = arith.constant 0 : i32
      %sign3A_2059 = arith.cmpi sgt, %add3A_2043, %sign3A_2058 : i32
      %sign3A_2060 = arith.extui %sign3A_2059 : i1 to i32
      %sign3A_2061 = arith.constant 0 : i32
      %sign3A_2062 = arith.cmpi slt, %add3A_2043, %sign3A_2061 : i32
      %sign3A_2063 = arith.extui %sign3A_2062 : i1 to i32
      %sign3A_2064 = arith.subi %sign3A_2060, %sign3A_2063 : i32
      %sign3A_2065 = arith.constant 0 : i32
      %sign3A_2066 = arith.cmpi sgt, %jit3A_2056, %sign3A_2065 : i32
      %sign3A_2067 = arith.extui %sign3A_2066 : i1 to i32
      %sign3A_2068 = arith.constant 0 : i32
      %sign3A_2069 = arith.cmpi slt, %jit3A_2056, %sign3A_2068 : i32
      %sign3A_2070 = arith.extui %sign3A_2069 : i1 to i32
      %sign3A_2071 = arith.subi %sign3A_2067, %sign3A_2070 : i32
      %ne3A_2072 = arith.cmpi ne, %sign3A_2064, %sign3A_2071 : i32
      %rem3A_2073 = arith.remsi %add3A_2043, %jit3A_2056 : i32
      %ne3A_2074 = arith.constant 0 : i32
      %ne3A_2075 = arith.cmpi ne, %rem3A_2073, %ne3A_2074 : i32
      %and3A_2076 = arith.andi %ne3A_2072, %ne3A_2075 : i1
      %sub3A_2077 = arith.constant 1 : i32
      %sub3A_2078 = arith.subi %div3A_2057, %sub3A_2077 : i32
      %select_n3A_2079 = arith.select %and3A_2076, %sub3A_2078, %div3A_2057 : i32
      %add3A_2080 = arith.constant 0 : i32
      %add3A_2081 = arith.addi %mul3A_4, %add3A_2080 : i32
      %dma_start3A_2082 = arith.constant 8 : i32
      %dma_start3A_2083 = arith.constant 0 : i32
      %dma_start3A_2084 = arith.constant 0 : i32
      %dma_start3A_2085 = tpu.memref_slice %arg6[%dma_start3A_2082, %dma_start3A_2083, %dma_start3A_2084] : memref<10x64x128xf32, #tpu.memory_space<vmem>> -> memref<1x64x128xf32, #tpu.memory_space<vmem>>
      %dma_start3A_2086 = tpu.memref_squeeze %dma_start3A_2085 : memref<1x64x128xf32, #tpu.memory_space<vmem>> -> memref<64x128xf32, #tpu.memory_space<vmem>>
      %dma_start3A_2087 = arith.constant 0 : i32
      %dma_start3A_2088 = tpu.memref_slice %arg4[%select_n3A_2079, %add3A_2081, %dma_start3A_2087] : memref<50x4096x128xf32, #tpu.memory_space<hbm>> -> memref<1x64x128xf32, #tpu.memory_space<hbm>>
      %dma_start3A_2089 = tpu.memref_squeeze %dma_start3A_2088 : memref<1x64x128xf32, #tpu.memory_space<hbm>> -> memref<64x128xf32, #tpu.memory_space<hbm>>
      %dma_start3A_2090 = arith.constant 0 : i32
      %dma_start3A_2091 = tpu.memref_slice %arg4[%select_n3A_2079, %add3A_2081, %dma_start3A_2090] : memref<50x4096x128xf32, #tpu.memory_space<hbm>> -> memref<1x64x128xf32, #tpu.memory_space<hbm>>
      %dma_start3A_2092 = tpu.memref_squeeze %dma_start3A_2091 : memref<1x64x128xf32, #tpu.memory_space<hbm>> -> memref<64x128xf32, #tpu.memory_space<hbm>>
      %dma_start3A_2093 = arith.constant 0 : i32
      %dma_start3A_2094 = arith.constant 0 : i32
      %dma_start3A_2095 = tpu.memref_slice %arg6[%dma_start3A_2082, %dma_start3A_2093, %dma_start3A_2094] : memref<10x64x128xf32, #tpu.memory_space<vmem>> -> memref<1x64x128xf32, #tpu.memory_space<vmem>>
      %dma_start3A_2096 = tpu.memref_squeeze %dma_start3A_2095 : memref<1x64x128xf32, #tpu.memory_space<vmem>> -> memref<64x128xf32, #tpu.memory_space<vmem>>
      tpu.enqueue_dma source(%dma_start3A_2096 : memref<64x128xf32, #tpu.memory_space<vmem>>) target(%dma_start3A_2092 : memref<64x128xf32, #tpu.memory_space<hbm>>) target_semaphore(%arg25 : memref<!tpu.dma_semaphore, #tpu.memory_space<semaphore_mem>>)
      %add3A_2097 = arith.constant 7 : i32
      %add3A_2098 = arith.addi %add3A_2043, %add3A_2097 : i32
      %dma_wait3A_2099 = arith.constant 5 : i32
      %dma_wait3A_2100 = arith.constant 0 : i32
      %dma_wait3A_2101 = arith.constant 0 : i32
      %dma_wait3A_2102 = arith.constant 0 : i32
      %dma_wait3A_2103 = tpu.memref_slice %arg6[%dma_wait3A_2099, %dma_wait3A_2101, %dma_wait3A_2102] : memref<10x64x128xf32, #tpu.memory_space<vmem>> -> memref<1x64x128xf32, #tpu.memory_space<vmem>>
      %dma_wait3A_2104 = tpu.memref_squeeze %dma_wait3A_2103 : memref<1x64x128xf32, #tpu.memory_space<vmem>> -> memref<64x128xf32, #tpu.memory_space<vmem>>
      %dma_wait3A_2105 = arith.constant 0 : i32
      %dma_wait3A_2106 = tpu.memref_slice %arg4[%dma_wait3A_2100, %mul3A_4, %dma_wait3A_2105] : memref<50x4096x128xf32, #tpu.memory_space<hbm>> -> memref<1x64x128xf32, #tpu.memory_space<hbm>>
      %dma_wait3A_2107 = tpu.memref_squeeze %dma_wait3A_2106 : memref<1x64x128xf32, #tpu.memory_space<hbm>> -> memref<64x128xf32, #tpu.memory_space<hbm>>
      %dma_wait3A_2108 = arith.constant 0 : i32
      %dma_wait3A_2109 = tpu.memref_slice %arg4[%dma_wait3A_2100, %mul3A_4, %dma_wait3A_2108] : memref<50x4096x128xf32, #tpu.memory_space<hbm>> -> memref<1x64x128xf32, #tpu.memory_space<hbm>>
      %dma_wait3A_2110 = tpu.memref_squeeze %dma_wait3A_2109 : memref<1x64x128xf32, #tpu.memory_space<hbm>> -> memref<64x128xf32, #tpu.memory_space<hbm>>
      %dma_wait3A_2111 = arith.constant 0 : i32
      %dma_wait3A_2112 = arith.constant 0 : i32
      %dma_wait3A_2113 = tpu.memref_slice %arg6[%dma_wait3A_2099, %dma_wait3A_2111, %dma_wait3A_2112] : memref<10x64x128xf32, #tpu.memory_space<vmem>> -> memref<1x64x128xf32, #tpu.memory_space<vmem>>
      %dma_wait3A_2114 = tpu.memref_squeeze %dma_wait3A_2113 : memref<1x64x128xf32, #tpu.memory_space<vmem>> -> memref<64x128xf32, #tpu.memory_space<vmem>>
      tpu.wait_dma2 semaphore(%arg22 : memref<!tpu.dma_semaphore, #tpu.memory_space<semaphore_mem>>) src(%dma_wait3A_2114 : memref<64x128xf32, #tpu.memory_space<vmem>>) dst(%dma_wait3A_2110 : memref<64x128xf32, #tpu.memory_space<hbm>>)
      %jit3A_2115 = arith.constant 2 : i32
      %div3A_2116 = arith.divsi %add3A_2098, %jit3A_2115 : i32
      %sign3A_2117 = arith.constant 0 : i32
      %sign3A_2118 = arith.cmpi sgt, %add3A_2098, %sign3A_2117 : i32
      %sign3A_2119 = arith.extui %sign3A_2118 : i1 to i32
      %sign3A_2120 = arith.constant 0 : i32
      %sign3A_2121 = arith.cmpi slt, %add3A_2098, %sign3A_2120 : i32
      %sign3A_2122 = arith.extui %sign3A_2121 : i1 to i32
      %sign3A_2123 = arith.subi %sign3A_2119, %sign3A_2122 : i32
      %sign3A_2124 = arith.constant 0 : i32
      %sign3A_2125 = arith.cmpi sgt, %jit3A_2115, %sign3A_2124 : i32
      %sign3A_2126 = arith.extui %sign3A_2125 : i1 to i32
      %sign3A_2127 = arith.constant 0 : i32
      %sign3A_2128 = arith.cmpi slt, %jit3A_2115, %sign3A_2127 : i32
      %sign3A_2129 = arith.extui %sign3A_2128 : i1 to i32
      %sign3A_2130 = arith.subi %sign3A_2126, %sign3A_2129 : i32
      %ne3A_2131 = arith.cmpi ne, %sign3A_2123, %sign3A_2130 : i32
      %rem3A_2132 = arith.remsi %add3A_2098, %jit3A_2115 : i32
      %ne3A_2133 = arith.constant 0 : i32
      %ne3A_2134 = arith.cmpi ne, %rem3A_2132, %ne3A_2133 : i32
      %and3A_2135 = arith.andi %ne3A_2131, %ne3A_2134 : i1
      %sub3A_2136 = arith.constant 1 : i32
      %sub3A_2137 = arith.subi %div3A_2116, %sub3A_2136 : i32
      %select_n3A_2138 = arith.select %and3A_2135, %sub3A_2137, %div3A_2116 : i32
      %dma_start3A_2139 = arith.constant 5 : i32
      %dma_start3A_2140 = arith.constant 0 : i32
      %dma_start3A_2141 = arith.constant 0 : i32
      %dma_start3A_2142 = tpu.memref_slice %arg6[%dma_start3A_2139, %dma_start3A_2140, %dma_start3A_2141] : memref<10x64x128xf32, #tpu.memory_space<vmem>> -> memref<1x64x128xf32, #tpu.memory_space<vmem>>
      %dma_start3A_2143 = tpu.memref_squeeze %dma_start3A_2142 : memref<1x64x128xf32, #tpu.memory_space<vmem>> -> memref<64x128xf32, #tpu.memory_space<vmem>>
      %dma_start3A_2144 = arith.constant 64 : i32
      %dma_start3A_2145 = tpu.memref_slice %arg5[%select_n3A_2138, %dma_start3A_2144] : memref<50x128xi32, #tpu.memory_space<vmem>> -> memref<1x64xi32, #tpu.memory_space<vmem>>
      %dma_start3A_2146 = tpu.memref_squeeze %dma_start3A_2145 : memref<1x64xi32, #tpu.memory_space<vmem>> -> memref<64xi32, #tpu.memory_space<vmem>>
      %dma_start3A_2147 = arith.constant 0 : i32
      %dma_start3A_2148 = arith.constant 0 : i32
      %dma_start3A_2149 = tpu.memref_slice %arg2[%dma_start3A_2147, %dma_start3A_2148] : memref<100000x128xf32, #tpu.memory_space<hbm>> -> memref<100000x128xf32, #tpu.memory_space<hbm>>
      tpu.enqueue_indirect_dma source(%dma_start3A_2149 : memref<100000x128xf32, #tpu.memory_space<hbm>>) target(%dma_start3A_2143 : memref<64x128xf32, #tpu.memory_space<vmem>>) offsets(%dma_start3A_2146 : memref<64xi32, #tpu.memory_space<vmem>>) semaphore(%arg12 : memref<!tpu.dma_semaphore, #tpu.memory_space<semaphore_mem>>)
      %mul3A_2150 = arith.constant 10 : i32
      %mul3A_2151 = arith.muli %scan3A_1167, %mul3A_2150 : i32
      %add3A_2152 = arith.constant 9 : i32
      %add3A_2153 = arith.addi %mul3A_2151, %add3A_2152 : i32
      %dma_wait3A_2154 = arith.constant 0 : i32
      %dma_wait3A_2155 = arith.constant 9 : i32
      %dma_wait3A_2156 = arith.constant 0 : i32
      %dma_wait3A_2157 = arith.constant 0 : i32
      %dma_wait3A_2158 = tpu.memref_slice %arg6[%dma_wait3A_2155, %dma_wait3A_2156, %dma_wait3A_2157] : memref<10x64x128xf32, #tpu.memory_space<vmem>> -> memref<1x64x128xf32, #tpu.memory_space<vmem>>
      %dma_wait3A_2159 = tpu.memref_squeeze %dma_wait3A_2158 : memref<1x64x128xf32, #tpu.memory_space<vmem>> -> memref<64x128xf32, #tpu.memory_space<vmem>>
      %dma_wait3A_2160 = arith.constant 0 : i32
      %dma_wait3A_2161 = tpu.memref_slice %arg5[%dma_wait3A_2154, %dma_wait3A_2160] : memref<50x128xi32, #tpu.memory_space<vmem>> -> memref<1x64xi32, #tpu.memory_space<vmem>>
      %dma_wait3A_2162 = tpu.memref_squeeze %dma_wait3A_2161 : memref<1x64xi32, #tpu.memory_space<vmem>> -> memref<64xi32, #tpu.memory_space<vmem>>
      %dma_wait3A_2163 = arith.constant 0 : i32
      %dma_wait3A_2164 = arith.constant 0 : i32
      %dma_wait3A_2165 = tpu.memref_slice %arg2[%dma_wait3A_2163, %dma_wait3A_2164] : memref<100000x128xf32, #tpu.memory_space<hbm>> -> memref<100000x128xf32, #tpu.memory_space<hbm>>
      tpu.wait_indirect_dma semaphore(%arg16 : memref<!tpu.dma_semaphore, #tpu.memory_space<semaphore_mem>>) src(%dma_wait3A_2165 : memref<100000x128xf32, #tpu.memory_space<hbm>>) dst(%dma_wait3A_2159 : memref<64x128xf32, #tpu.memory_space<vmem>>)
      %jit3A_2166 = arith.constant 2 : i32
      %div3A_2167 = arith.divsi %add3A_2153, %jit3A_2166 : i32
      %sign3A_2168 = arith.constant 0 : i32
      %sign3A_2169 = arith.cmpi sgt, %add3A_2153, %sign3A_2168 : i32
      %sign3A_2170 = arith.extui %sign3A_2169 : i1 to i32
      %sign3A_2171 = arith.constant 0 : i32
      %sign3A_2172 = arith.cmpi slt, %add3A_2153, %sign3A_2171 : i32
      %sign3A_2173 = arith.extui %sign3A_2172 : i1 to i32
      %sign3A_2174 = arith.subi %sign3A_2170, %sign3A_2173 : i32
      %sign3A_2175 = arith.constant 0 : i32
      %sign3A_2176 = arith.cmpi sgt, %jit3A_2166, %sign3A_2175 : i32
      %sign3A_2177 = arith.extui %sign3A_2176 : i1 to i32
      %sign3A_2178 = arith.constant 0 : i32
      %sign3A_2179 = arith.cmpi slt, %jit3A_2166, %sign3A_2178 : i32
      %sign3A_2180 = arith.extui %sign3A_2179 : i1 to i32
      %sign3A_2181 = arith.subi %sign3A_2177, %sign3A_2180 : i32
      %ne3A_2182 = arith.cmpi ne, %sign3A_2174, %sign3A_2181 : i32
      %rem3A_2183 = arith.remsi %add3A_2153, %jit3A_2166 : i32
      %ne3A_2184 = arith.constant 0 : i32
      %ne3A_2185 = arith.cmpi ne, %rem3A_2183, %ne3A_2184 : i32
      %and3A_2186 = arith.andi %ne3A_2182, %ne3A_2185 : i1
      %sub3A_2187 = arith.constant 1 : i32
      %sub3A_2188 = arith.subi %div3A_2167, %sub3A_2187 : i32
      %select_n3A_2189 = arith.select %and3A_2186, %sub3A_2188, %div3A_2167 : i32
      %add3A_2190 = arith.constant 64 : i32
      %add3A_2191 = arith.addi %mul3A_4, %add3A_2190 : i32
      %dma_start3A_2192 = arith.constant 9 : i32
      %dma_start3A_2193 = arith.constant 0 : i32
      %dma_start3A_2194 = arith.constant 0 : i32
      %dma_start3A_2195 = tpu.memref_slice %arg6[%dma_start3A_2192, %dma_start3A_2193, %dma_start3A_2194] : memref<10x64x128xf32, #tpu.memory_space<vmem>> -> memref<1x64x128xf32, #tpu.memory_space<vmem>>
      %dma_start3A_2196 = tpu.memref_squeeze %dma_start3A_2195 : memref<1x64x128xf32, #tpu.memory_space<vmem>> -> memref<64x128xf32, #tpu.memory_space<vmem>>
      %dma_start3A_2197 = arith.constant 0 : i32
      %dma_start3A_2198 = tpu.memref_slice %arg4[%select_n3A_2189, %add3A_2191, %dma_start3A_2197] : memref<50x4096x128xf32, #tpu.memory_space<hbm>> -> memref<1x64x128xf32, #tpu.memory_space<hbm>>
      %dma_start3A_2199 = tpu.memref_squeeze %dma_start3A_2198 : memref<1x64x128xf32, #tpu.memory_space<hbm>> -> memref<64x128xf32, #tpu.memory_space<hbm>>
      %dma_start3A_2200 = arith.constant 0 : i32
      %dma_start3A_2201 = tpu.memref_slice %arg4[%select_n3A_2189, %add3A_2191, %dma_start3A_2200] : memref<50x4096x128xf32, #tpu.memory_space<hbm>> -> memref<1x64x128xf32, #tpu.memory_space<hbm>>
      %dma_start3A_2202 = tpu.memref_squeeze %dma_start3A_2201 : memref<1x64x128xf32, #tpu.memory_space<hbm>> -> memref<64x128xf32, #tpu.memory_space<hbm>>
      %dma_start3A_2203 = arith.constant 0 : i32
      %dma_start3A_2204 = arith.constant 0 : i32
      %dma_start3A_2205 = tpu.memref_slice %arg6[%dma_start3A_2192, %dma_start3A_2203, %dma_start3A_2204] : memref<10x64x128xf32, #tpu.memory_space<vmem>> -> memref<1x64x128xf32, #tpu.memory_space<vmem>>
      %dma_start3A_2206 = tpu.memref_squeeze %dma_start3A_2205 : memref<1x64x128xf32, #tpu.memory_space<vmem>> -> memref<64x128xf32, #tpu.memory_space<vmem>>
      tpu.enqueue_dma source(%dma_start3A_2206 : memref<64x128xf32, #tpu.memory_space<vmem>>) target(%dma_start3A_2202 : memref<64x128xf32, #tpu.memory_space<hbm>>) target_semaphore(%arg26 : memref<!tpu.dma_semaphore, #tpu.memory_space<semaphore_mem>>)
      %add3A_2207 = arith.constant 7 : i32
      %add3A_2208 = arith.addi %add3A_2153, %add3A_2207 : i32
      %dma_wait3A_2209 = arith.constant 6 : i32
      %dma_wait3A_2210 = arith.constant 0 : i32
      %dma_wait3A_2211 = arith.constant 0 : i32
      %dma_wait3A_2212 = arith.constant 0 : i32
      %dma_wait3A_2213 = tpu.memref_slice %arg6[%dma_wait3A_2209, %dma_wait3A_2211, %dma_wait3A_2212] : memref<10x64x128xf32, #tpu.memory_space<vmem>> -> memref<1x64x128xf32, #tpu.memory_space<vmem>>
      %dma_wait3A_2214 = tpu.memref_squeeze %dma_wait3A_2213 : memref<1x64x128xf32, #tpu.memory_space<vmem>> -> memref<64x128xf32, #tpu.memory_space<vmem>>
      %dma_wait3A_2215 = arith.constant 0 : i32
      %dma_wait3A_2216 = tpu.memref_slice %arg4[%dma_wait3A_2210, %mul3A_4, %dma_wait3A_2215] : memref<50x4096x128xf32, #tpu.memory_space<hbm>> -> memref<1x64x128xf32, #tpu.memory_space<hbm>>
      %dma_wait3A_2217 = tpu.memref_squeeze %dma_wait3A_2216 : memref<1x64x128xf32, #tpu.memory_space<hbm>> -> memref<64x128xf32, #tpu.memory_space<hbm>>
      %dma_wait3A_2218 = arith.constant 0 : i32
      %dma_wait3A_2219 = tpu.memref_slice %arg4[%dma_wait3A_2210, %mul3A_4, %dma_wait3A_2218] : memref<50x4096x128xf32, #tpu.memory_space<hbm>> -> memref<1x64x128xf32, #tpu.memory_space<hbm>>
      %dma_wait3A_2220 = tpu.memref_squeeze %dma_wait3A_2219 : memref<1x64x128xf32, #tpu.memory_space<hbm>> -> memref<64x128xf32, #tpu.memory_space<hbm>>
      %dma_wait3A_2221 = arith.constant 0 : i32
      %dma_wait3A_2222 = arith.constant 0 : i32
      %dma_wait3A_2223 = tpu.memref_slice %arg6[%dma_wait3A_2209, %dma_wait3A_2221, %dma_wait3A_2222] : memref<10x64x128xf32, #tpu.memory_space<vmem>> -> memref<1x64x128xf32, #tpu.memory_space<vmem>>
      %dma_wait3A_2224 = tpu.memref_squeeze %dma_wait3A_2223 : memref<1x64x128xf32, #tpu.memory_space<vmem>> -> memref<64x128xf32, #tpu.memory_space<vmem>>
      tpu.wait_dma2 semaphore(%arg23 : memref<!tpu.dma_semaphore, #tpu.memory_space<semaphore_mem>>) src(%dma_wait3A_2224 : memref<64x128xf32, #tpu.memory_space<vmem>>) dst(%dma_wait3A_2220 : memref<64x128xf32, #tpu.memory_space<hbm>>)
      %jit3A_2225 = arith.constant 2 : i32
      %div3A_2226 = arith.divsi %add3A_2208, %jit3A_2225 : i32
      %sign3A_2227 = arith.constant 0 : i32
      %sign3A_2228 = arith.cmpi sgt, %add3A_2208, %sign3A_2227 : i32
      %sign3A_2229 = arith.extui %sign3A_2228 : i1 to i32
      %sign3A_2230 = arith.constant 0 : i32
      %sign3A_2231 = arith.cmpi slt, %add3A_2208, %sign3A_2230 : i32
      %sign3A_2232 = arith.extui %sign3A_2231 : i1 to i32
      %sign3A_2233 = arith.subi %sign3A_2229, %sign3A_2232 : i32
      %sign3A_2234 = arith.constant 0 : i32
      %sign3A_2235 = arith.cmpi sgt, %jit3A_2225, %sign3A_2234 : i32
      %sign3A_2236 = arith.extui %sign3A_2235 : i1 to i32
      %sign3A_2237 = arith.constant 0 : i32
      %sign3A_2238 = arith.cmpi slt, %jit3A_2225, %sign3A_2237 : i32
      %sign3A_2239 = arith.extui %sign3A_2238 : i1 to i32
      %sign3A_2240 = arith.subi %sign3A_2236, %sign3A_2239 : i32
      %ne3A_2241 = arith.cmpi ne, %sign3A_2233, %sign3A_2240 : i32
      %rem3A_2242 = arith.remsi %add3A_2208, %jit3A_2225 : i32
      %ne3A_2243 = arith.constant 0 : i32
      %ne3A_2244 = arith.cmpi ne, %rem3A_2242, %ne3A_2243 : i32
      %and3A_2245 = arith.andi %ne3A_2241, %ne3A_2244 : i1
      %sub3A_2246 = arith.constant 1 : i32
      %sub3A_2247 = arith.subi %div3A_2226, %sub3A_2246 : i32
      %select_n3A_2248 = arith.select %and3A_2245, %sub3A_2247, %div3A_2226 : i32
      %dma_start3A_2249 = arith.constant 6 : i32
      %dma_start3A_2250 = arith.constant 0 : i32
      %dma_start3A_2251 = arith.constant 0 : i32
      %dma_start3A_2252 = tpu.memref_slice %arg6[%dma_start3A_2249, %dma_start3A_2250, %dma_start3A_2251] : memref<10x64x128xf32, #tpu.memory_space<vmem>> -> memref<1x64x128xf32, #tpu.memory_space<vmem>>
      %dma_start3A_2253 = tpu.memref_squeeze %dma_start3A_2252 : memref<1x64x128xf32, #tpu.memory_space<vmem>> -> memref<64x128xf32, #tpu.memory_space<vmem>>
      %dma_start3A_2254 = arith.constant 0 : i32
      %dma_start3A_2255 = tpu.memref_slice %arg5[%select_n3A_2248, %dma_start3A_2254] : memref<50x128xi32, #tpu.memory_space<vmem>> -> memref<1x64xi32, #tpu.memory_space<vmem>>
      %dma_start3A_2256 = tpu.memref_squeeze %dma_start3A_2255 : memref<1x64xi32, #tpu.memory_space<vmem>> -> memref<64xi32, #tpu.memory_space<vmem>>
      %dma_start3A_2257 = arith.constant 0 : i32
      %dma_start3A_2258 = arith.constant 0 : i32
      %dma_start3A_2259 = tpu.memref_slice %arg2[%dma_start3A_2257, %dma_start3A_2258] : memref<100000x128xf32, #tpu.memory_space<hbm>> -> memref<100000x128xf32, #tpu.memory_space<hbm>>
      tpu.enqueue_indirect_dma source(%dma_start3A_2259 : memref<100000x128xf32, #tpu.memory_space<hbm>>) target(%dma_start3A_2253 : memref<64x128xf32, #tpu.memory_space<vmem>>) offsets(%dma_start3A_2256 : memref<64xi32, #tpu.memory_space<vmem>>) semaphore(%arg13 : memref<!tpu.dma_semaphore, #tpu.memory_space<semaphore_mem>>)
    }
    %scan3A_622 = arith.constant 8 : i32
    %dma_wait3A_623 = arith.constant 0 : i32
    %dma_wait3A_624 = arith.constant 0 : i32
    %dma_wait3A_625 = arith.constant 0 : i32
    %dma_wait3A_626 = arith.constant 0 : i32
    %dma_wait3A_627 = tpu.memref_slice %arg6[%dma_wait3A_624, %dma_wait3A_625, %dma_wait3A_626] : memref<10x64x128xf32, #tpu.memory_space<vmem>> -> memref<1x64x128xf32, #tpu.memory_space<vmem>>
    %dma_wait3A_628 = tpu.memref_squeeze %dma_wait3A_627 : memref<1x64x128xf32, #tpu.memory_space<vmem>> -> memref<64x128xf32, #tpu.memory_space<vmem>>
    %dma_wait3A_629 = arith.constant 0 : i32
    %dma_wait3A_630 = tpu.memref_slice %arg5[%dma_wait3A_623, %dma_wait3A_629] : memref<50x128xi32, #tpu.memory_space<vmem>> -> memref<1x64xi32, #tpu.memory_space<vmem>>
    %dma_wait3A_631 = tpu.memref_squeeze %dma_wait3A_630 : memref<1x64xi32, #tpu.memory_space<vmem>> -> memref<64xi32, #tpu.memory_space<vmem>>
    %dma_wait3A_632 = arith.constant 0 : i32
    %dma_wait3A_633 = arith.constant 0 : i32
    %dma_wait3A_634 = tpu.memref_slice %arg2[%dma_wait3A_632, %dma_wait3A_633] : memref<100000x128xf32, #tpu.memory_space<hbm>> -> memref<100000x128xf32, #tpu.memory_space<hbm>>
    tpu.wait_indirect_dma semaphore(%arg7 : memref<!tpu.dma_semaphore, #tpu.memory_space<semaphore_mem>>) src(%dma_wait3A_634 : memref<100000x128xf32, #tpu.memory_space<hbm>>) dst(%dma_wait3A_628 : memref<64x128xf32, #tpu.memory_space<vmem>>)
    %add3A_635 = arith.constant 0 : i32
    %add3A_636 = arith.addi %mul3A_4, %add3A_635 : i32
    %dma_start3A_637 = arith.constant 0 : i32
    %dma_start3A_638 = arith.constant 45 : i32
    %dma_start3A_639 = arith.constant 0 : i32
    %dma_start3A_640 = arith.constant 0 : i32
    %dma_start3A_641 = tpu.memref_slice %arg6[%dma_start3A_637, %dma_start3A_639, %dma_start3A_640] : memref<10x64x128xf32, #tpu.memory_space<vmem>> -> memref<1x64x128xf32, #tpu.memory_space<vmem>>
    %dma_start3A_642 = tpu.memref_squeeze %dma_start3A_641 : memref<1x64x128xf32, #tpu.memory_space<vmem>> -> memref<64x128xf32, #tpu.memory_space<vmem>>
    %dma_start3A_643 = arith.constant 0 : i32
    %dma_start3A_644 = tpu.memref_slice %arg4[%dma_start3A_638, %add3A_636, %dma_start3A_643] : memref<50x4096x128xf32, #tpu.memory_space<hbm>> -> memref<1x64x128xf32, #tpu.memory_space<hbm>>
    %dma_start3A_645 = tpu.memref_squeeze %dma_start3A_644 : memref<1x64x128xf32, #tpu.memory_space<hbm>> -> memref<64x128xf32, #tpu.memory_space<hbm>>
    %dma_start3A_646 = arith.constant 0 : i32
    %dma_start3A_647 = tpu.memref_slice %arg4[%dma_start3A_638, %add3A_636, %dma_start3A_646] : memref<50x4096x128xf32, #tpu.memory_space<hbm>> -> memref<1x64x128xf32, #tpu.memory_space<hbm>>
    %dma_start3A_648 = tpu.memref_squeeze %dma_start3A_647 : memref<1x64x128xf32, #tpu.memory_space<hbm>> -> memref<64x128xf32, #tpu.memory_space<hbm>>
    %dma_start3A_649 = arith.constant 0 : i32
    %dma_start3A_650 = arith.constant 0 : i32
    %dma_start3A_651 = tpu.memref_slice %arg6[%dma_start3A_637, %dma_start3A_649, %dma_start3A_650] : memref<10x64x128xf32, #tpu.memory_space<vmem>> -> memref<1x64x128xf32, #tpu.memory_space<vmem>>
    %dma_start3A_652 = tpu.memref_squeeze %dma_start3A_651 : memref<1x64x128xf32, #tpu.memory_space<vmem>> -> memref<64x128xf32, #tpu.memory_space<vmem>>
    tpu.enqueue_dma source(%dma_start3A_652 : memref<64x128xf32, #tpu.memory_space<vmem>>) target(%dma_start3A_648 : memref<64x128xf32, #tpu.memory_space<hbm>>) target_semaphore(%arg17 : memref<!tpu.dma_semaphore, #tpu.memory_space<semaphore_mem>>)
    %dma_wait3A_653 = arith.constant 7 : i32
    %dma_wait3A_654 = arith.constant 0 : i32
    %dma_wait3A_655 = arith.constant 0 : i32
    %dma_wait3A_656 = arith.constant 0 : i32
    %dma_wait3A_657 = tpu.memref_slice %arg6[%dma_wait3A_653, %dma_wait3A_655, %dma_wait3A_656] : memref<10x64x128xf32, #tpu.memory_space<vmem>> -> memref<1x64x128xf32, #tpu.memory_space<vmem>>
    %dma_wait3A_658 = tpu.memref_squeeze %dma_wait3A_657 : memref<1x64x128xf32, #tpu.memory_space<vmem>> -> memref<64x128xf32, #tpu.memory_space<vmem>>
    %dma_wait3A_659 = arith.constant 0 : i32
    %dma_wait3A_660 = tpu.memref_slice %arg4[%dma_wait3A_654, %mul3A_4, %dma_wait3A_659] : memref<50x4096x128xf32, #tpu.memory_space<hbm>> -> memref<1x64x128xf32, #tpu.memory_space<hbm>>
    %dma_wait3A_661 = tpu.memref_squeeze %dma_wait3A_660 : memref<1x64x128xf32, #tpu.memory_space<hbm>> -> memref<64x128xf32, #tpu.memory_space<hbm>>
    %dma_wait3A_662 = arith.constant 0 : i32
    %dma_wait3A_663 = tpu.memref_slice %arg4[%dma_wait3A_654, %mul3A_4, %dma_wait3A_662] : memref<50x4096x128xf32, #tpu.memory_space<hbm>> -> memref<1x64x128xf32, #tpu.memory_space<hbm>>
    %dma_wait3A_664 = tpu.memref_squeeze %dma_wait3A_663 : memref<1x64x128xf32, #tpu.memory_space<hbm>> -> memref<64x128xf32, #tpu.memory_space<hbm>>
    %dma_wait3A_665 = arith.constant 0 : i32
    %dma_wait3A_666 = arith.constant 0 : i32
    %dma_wait3A_667 = tpu.memref_slice %arg6[%dma_wait3A_653, %dma_wait3A_665, %dma_wait3A_666] : memref<10x64x128xf32, #tpu.memory_space<vmem>> -> memref<1x64x128xf32, #tpu.memory_space<vmem>>
    %dma_wait3A_668 = tpu.memref_squeeze %dma_wait3A_667 : memref<1x64x128xf32, #tpu.memory_space<vmem>> -> memref<64x128xf32, #tpu.memory_space<vmem>>
    tpu.wait_dma2 semaphore(%arg24 : memref<!tpu.dma_semaphore, #tpu.memory_space<semaphore_mem>>) src(%dma_wait3A_668 : memref<64x128xf32, #tpu.memory_space<vmem>>) dst(%dma_wait3A_664 : memref<64x128xf32, #tpu.memory_space<hbm>>)
    %dma_start3A_669 = arith.constant 48 : i32
    %dma_start3A_670 = arith.constant 7 : i32
    %dma_start3A_671 = arith.constant 0 : i32
    %dma_start3A_672 = arith.constant 0 : i32
    %dma_start3A_673 = tpu.memref_slice %arg6[%dma_start3A_670, %dma_start3A_671, %dma_start3A_672] : memref<10x64x128xf32, #tpu.memory_space<vmem>> -> memref<1x64x128xf32, #tpu.memory_space<vmem>>
    %dma_start3A_674 = tpu.memref_squeeze %dma_start3A_673 : memref<1x64x128xf32, #tpu.memory_space<vmem>> -> memref<64x128xf32, #tpu.memory_space<vmem>>
    %dma_start3A_675 = arith.constant 64 : i32
    %dma_start3A_676 = tpu.memref_slice %arg5[%dma_start3A_669, %dma_start3A_675] : memref<50x128xi32, #tpu.memory_space<vmem>> -> memref<1x64xi32, #tpu.memory_space<vmem>>
    %dma_start3A_677 = tpu.memref_squeeze %dma_start3A_676 : memref<1x64xi32, #tpu.memory_space<vmem>> -> memref<64xi32, #tpu.memory_space<vmem>>
    %dma_start3A_678 = arith.constant 0 : i32
    %dma_start3A_679 = arith.constant 0 : i32
    %dma_start3A_680 = tpu.memref_slice %arg2[%dma_start3A_678, %dma_start3A_679] : memref<100000x128xf32, #tpu.memory_space<hbm>> -> memref<100000x128xf32, #tpu.memory_space<hbm>>
    tpu.enqueue_indirect_dma source(%dma_start3A_680 : memref<100000x128xf32, #tpu.memory_space<hbm>>) target(%dma_start3A_674 : memref<64x128xf32, #tpu.memory_space<vmem>>) offsets(%dma_start3A_677 : memref<64xi32, #tpu.memory_space<vmem>>) semaphore(%arg14 : memref<!tpu.dma_semaphore, #tpu.memory_space<semaphore_mem>>)
    %dma_wait3A_681 = arith.constant 0 : i32
    %dma_wait3A_682 = arith.constant 1 : i32
    %dma_wait3A_683 = arith.constant 0 : i32
    %dma_wait3A_684 = arith.constant 0 : i32
    %dma_wait3A_685 = tpu.memref_slice %arg6[%dma_wait3A_682, %dma_wait3A_683, %dma_wait3A_684] : memref<10x64x128xf32, #tpu.memory_space<vmem>> -> memref<1x64x128xf32, #tpu.memory_space<vmem>>
    %dma_wait3A_686 = tpu.memref_squeeze %dma_wait3A_685 : memref<1x64x128xf32, #tpu.memory_space<vmem>> -> memref<64x128xf32, #tpu.memory_space<vmem>>
    %dma_wait3A_687 = arith.constant 0 : i32
    %dma_wait3A_688 = tpu.memref_slice %arg5[%dma_wait3A_681, %dma_wait3A_687] : memref<50x128xi32, #tpu.memory_space<vmem>> -> memref<1x64xi32, #tpu.memory_space<vmem>>
    %dma_wait3A_689 = tpu.memref_squeeze %dma_wait3A_688 : memref<1x64xi32, #tpu.memory_space<vmem>> -> memref<64xi32, #tpu.memory_space<vmem>>
    %dma_wait3A_690 = arith.constant 0 : i32
    %dma_wait3A_691 = arith.constant 0 : i32
    %dma_wait3A_692 = tpu.memref_slice %arg2[%dma_wait3A_690, %dma_wait3A_691] : memref<100000x128xf32, #tpu.memory_space<hbm>> -> memref<100000x128xf32, #tpu.memory_space<hbm>>
    tpu.wait_indirect_dma semaphore(%arg8 : memref<!tpu.dma_semaphore, #tpu.memory_space<semaphore_mem>>) src(%dma_wait3A_692 : memref<100000x128xf32, #tpu.memory_space<hbm>>) dst(%dma_wait3A_686 : memref<64x128xf32, #tpu.memory_space<vmem>>)
    %add3A_693 = arith.constant 64 : i32
    %add3A_694 = arith.addi %mul3A_4, %add3A_693 : i32
    %dma_start3A_695 = arith.constant 1 : i32
    %dma_start3A_696 = arith.constant 45 : i32
    %dma_start3A_697 = arith.constant 0 : i32
    %dma_start3A_698 = arith.constant 0 : i32
    %dma_start3A_699 = tpu.memref_slice %arg6[%dma_start3A_695, %dma_start3A_697, %dma_start3A_698] : memref<10x64x128xf32, #tpu.memory_space<vmem>> -> memref<1x64x128xf32, #tpu.memory_space<vmem>>
    %dma_start3A_700 = tpu.memref_squeeze %dma_start3A_699 : memref<1x64x128xf32, #tpu.memory_space<vmem>> -> memref<64x128xf32, #tpu.memory_space<vmem>>
    %dma_start3A_701 = arith.constant 0 : i32
    %dma_start3A_702 = tpu.memref_slice %arg4[%dma_start3A_696, %add3A_694, %dma_start3A_701] : memref<50x4096x128xf32, #tpu.memory_space<hbm>> -> memref<1x64x128xf32, #tpu.memory_space<hbm>>
    %dma_start3A_703 = tpu.memref_squeeze %dma_start3A_702 : memref<1x64x128xf32, #tpu.memory_space<hbm>> -> memref<64x128xf32, #tpu.memory_space<hbm>>
    %dma_start3A_704 = arith.constant 0 : i32
    %dma_start3A_705 = tpu.memref_slice %arg4[%dma_start3A_696, %add3A_694, %dma_start3A_704] : memref<50x4096x128xf32, #tpu.memory_space<hbm>> -> memref<1x64x128xf32, #tpu.memory_space<hbm>>
    %dma_start3A_706 = tpu.memref_squeeze %dma_start3A_705 : memref<1x64x128xf32, #tpu.memory_space<hbm>> -> memref<64x128xf32, #tpu.memory_space<hbm>>
    %dma_start3A_707 = arith.constant 0 : i32
    %dma_start3A_708 = arith.constant 0 : i32
    %dma_start3A_709 = tpu.memref_slice %arg6[%dma_start3A_695, %dma_start3A_707, %dma_start3A_708] : memref<10x64x128xf32, #tpu.memory_space<vmem>> -> memref<1x64x128xf32, #tpu.memory_space<vmem>>
    %dma_start3A_710 = tpu.memref_squeeze %dma_start3A_709 : memref<1x64x128xf32, #tpu.memory_space<vmem>> -> memref<64x128xf32, #tpu.memory_space<vmem>>
    tpu.enqueue_dma source(%dma_start3A_710 : memref<64x128xf32, #tpu.memory_space<vmem>>) target(%dma_start3A_706 : memref<64x128xf32, #tpu.memory_space<hbm>>) target_semaphore(%arg18 : memref<!tpu.dma_semaphore, #tpu.memory_space<semaphore_mem>>)
    %dma_wait3A_711 = arith.constant 8 : i32
    %dma_wait3A_712 = arith.constant 0 : i32
    %dma_wait3A_713 = arith.constant 0 : i32
    %dma_wait3A_714 = arith.constant 0 : i32
    %dma_wait3A_715 = tpu.memref_slice %arg6[%dma_wait3A_711, %dma_wait3A_713, %dma_wait3A_714] : memref<10x64x128xf32, #tpu.memory_space<vmem>> -> memref<1x64x128xf32, #tpu.memory_space<vmem>>
    %dma_wait3A_716 = tpu.memref_squeeze %dma_wait3A_715 : memref<1x64x128xf32, #tpu.memory_space<vmem>> -> memref<64x128xf32, #tpu.memory_space<vmem>>
    %dma_wait3A_717 = arith.constant 0 : i32
    %dma_wait3A_718 = tpu.memref_slice %arg4[%dma_wait3A_712, %mul3A_4, %dma_wait3A_717] : memref<50x4096x128xf32, #tpu.memory_space<hbm>> -> memref<1x64x128xf32, #tpu.memory_space<hbm>>
    %dma_wait3A_719 = tpu.memref_squeeze %dma_wait3A_718 : memref<1x64x128xf32, #tpu.memory_space<hbm>> -> memref<64x128xf32, #tpu.memory_space<hbm>>
    %dma_wait3A_720 = arith.constant 0 : i32
    %dma_wait3A_721 = tpu.memref_slice %arg4[%dma_wait3A_712, %mul3A_4, %dma_wait3A_720] : memref<50x4096x128xf32, #tpu.memory_space<hbm>> -> memref<1x64x128xf32, #tpu.memory_space<hbm>>
    %dma_wait3A_722 = tpu.memref_squeeze %dma_wait3A_721 : memref<1x64x128xf32, #tpu.memory_space<hbm>> -> memref<64x128xf32, #tpu.memory_space<hbm>>
    %dma_wait3A_723 = arith.constant 0 : i32
    %dma_wait3A_724 = arith.constant 0 : i32
    %dma_wait3A_725 = tpu.memref_slice %arg6[%dma_wait3A_711, %dma_wait3A_723, %dma_wait3A_724] : memref<10x64x128xf32, #tpu.memory_space<vmem>> -> memref<1x64x128xf32, #tpu.memory_space<vmem>>
    %dma_wait3A_726 = tpu.memref_squeeze %dma_wait3A_725 : memref<1x64x128xf32, #tpu.memory_space<vmem>> -> memref<64x128xf32, #tpu.memory_space<vmem>>
    tpu.wait_dma2 semaphore(%arg25 : memref<!tpu.dma_semaphore, #tpu.memory_space<semaphore_mem>>) src(%dma_wait3A_726 : memref<64x128xf32, #tpu.memory_space<vmem>>) dst(%dma_wait3A_722 : memref<64x128xf32, #tpu.memory_space<hbm>>)
    %dma_start3A_727 = arith.constant 49 : i32
    %dma_start3A_728 = arith.constant 8 : i32
    %dma_start3A_729 = arith.constant 0 : i32
    %dma_start3A_730 = arith.constant 0 : i32
    %dma_start3A_731 = tpu.memref_slice %arg6[%dma_start3A_728, %dma_start3A_729, %dma_start3A_730] : memref<10x64x128xf32, #tpu.memory_space<vmem>> -> memref<1x64x128xf32, #tpu.memory_space<vmem>>
    %dma_start3A_732 = tpu.memref_squeeze %dma_start3A_731 : memref<1x64x128xf32, #tpu.memory_space<vmem>> -> memref<64x128xf32, #tpu.memory_space<vmem>>
    %dma_start3A_733 = arith.constant 0 : i32
    %dma_start3A_734 = tpu.memref_slice %arg5[%dma_start3A_727, %dma_start3A_733] : memref<50x128xi32, #tpu.memory_space<vmem>> -> memref<1x64xi32, #tpu.memory_space<vmem>>
    %dma_start3A_735 = tpu.memref_squeeze %dma_start3A_734 : memref<1x64xi32, #tpu.memory_space<vmem>> -> memref<64xi32, #tpu.memory_space<vmem>>
    %dma_start3A_736 = arith.constant 0 : i32
    %dma_start3A_737 = arith.constant 0 : i32
    %dma_start3A_738 = tpu.memref_slice %arg2[%dma_start3A_736, %dma_start3A_737] : memref<100000x128xf32, #tpu.memory_space<hbm>> -> memref<100000x128xf32, #tpu.memory_space<hbm>>
    tpu.enqueue_indirect_dma source(%dma_start3A_738 : memref<100000x128xf32, #tpu.memory_space<hbm>>) target(%dma_start3A_732 : memref<64x128xf32, #tpu.memory_space<vmem>>) offsets(%dma_start3A_735 : memref<64xi32, #tpu.memory_space<vmem>>) semaphore(%arg15 : memref<!tpu.dma_semaphore, #tpu.memory_space<semaphore_mem>>)
    %dma_wait3A_739 = arith.constant 0 : i32
    %dma_wait3A_740 = arith.constant 2 : i32
    %dma_wait3A_741 = arith.constant 0 : i32
    %dma_wait3A_742 = arith.constant 0 : i32
    %dma_wait3A_743 = tpu.memref_slice %arg6[%dma_wait3A_740, %dma_wait3A_741, %dma_wait3A_742] : memref<10x64x128xf32, #tpu.memory_space<vmem>> -> memref<1x64x128xf32, #tpu.memory_space<vmem>>
    %dma_wait3A_744 = tpu.memref_squeeze %dma_wait3A_743 : memref<1x64x128xf32, #tpu.memory_space<vmem>> -> memref<64x128xf32, #tpu.memory_space<vmem>>
    %dma_wait3A_745 = arith.constant 0 : i32
    %dma_wait3A_746 = tpu.memref_slice %arg5[%dma_wait3A_739, %dma_wait3A_745] : memref<50x128xi32, #tpu.memory_space<vmem>> -> memref<1x64xi32, #tpu.memory_space<vmem>>
    %dma_wait3A_747 = tpu.memref_squeeze %dma_wait3A_746 : memref<1x64xi32, #tpu.memory_space<vmem>> -> memref<64xi32, #tpu.memory_space<vmem>>
    %dma_wait3A_748 = arith.constant 0 : i32
    %dma_wait3A_749 = arith.constant 0 : i32
    %dma_wait3A_750 = tpu.memref_slice %arg2[%dma_wait3A_748, %dma_wait3A_749] : memref<100000x128xf32, #tpu.memory_space<hbm>> -> memref<100000x128xf32, #tpu.memory_space<hbm>>
    tpu.wait_indirect_dma semaphore(%arg9 : memref<!tpu.dma_semaphore, #tpu.memory_space<semaphore_mem>>) src(%dma_wait3A_750 : memref<100000x128xf32, #tpu.memory_space<hbm>>) dst(%dma_wait3A_744 : memref<64x128xf32, #tpu.memory_space<vmem>>)
    %add3A_751 = arith.constant 0 : i32
    %add3A_752 = arith.addi %mul3A_4, %add3A_751 : i32
    %dma_start3A_753 = arith.constant 2 : i32
    %dma_start3A_754 = arith.constant 46 : i32
    %dma_start3A_755 = arith.constant 0 : i32
    %dma_start3A_756 = arith.constant 0 : i32
    %dma_start3A_757 = tpu.memref_slice %arg6[%dma_start3A_753, %dma_start3A_755, %dma_start3A_756] : memref<10x64x128xf32, #tpu.memory_space<vmem>> -> memref<1x64x128xf32, #tpu.memory_space<vmem>>
    %dma_start3A_758 = tpu.memref_squeeze %dma_start3A_757 : memref<1x64x128xf32, #tpu.memory_space<vmem>> -> memref<64x128xf32, #tpu.memory_space<vmem>>
    %dma_start3A_759 = arith.constant 0 : i32
    %dma_start3A_760 = tpu.memref_slice %arg4[%dma_start3A_754, %add3A_752, %dma_start3A_759] : memref<50x4096x128xf32, #tpu.memory_space<hbm>> -> memref<1x64x128xf32, #tpu.memory_space<hbm>>
    %dma_start3A_761 = tpu.memref_squeeze %dma_start3A_760 : memref<1x64x128xf32, #tpu.memory_space<hbm>> -> memref<64x128xf32, #tpu.memory_space<hbm>>
    %dma_start3A_762 = arith.constant 0 : i32
    %dma_start3A_763 = tpu.memref_slice %arg4[%dma_start3A_754, %add3A_752, %dma_start3A_762] : memref<50x4096x128xf32, #tpu.memory_space<hbm>> -> memref<1x64x128xf32, #tpu.memory_space<hbm>>
    %dma_start3A_764 = tpu.memref_squeeze %dma_start3A_763 : memref<1x64x128xf32, #tpu.memory_space<hbm>> -> memref<64x128xf32, #tpu.memory_space<hbm>>
    %dma_start3A_765 = arith.constant 0 : i32
    %dma_start3A_766 = arith.constant 0 : i32
    %dma_start3A_767 = tpu.memref_slice %arg6[%dma_start3A_753, %dma_start3A_765, %dma_start3A_766] : memref<10x64x128xf32, #tpu.memory_space<vmem>> -> memref<1x64x128xf32, #tpu.memory_space<vmem>>
    %dma_start3A_768 = tpu.memref_squeeze %dma_start3A_767 : memref<1x64x128xf32, #tpu.memory_space<vmem>> -> memref<64x128xf32, #tpu.memory_space<vmem>>
    tpu.enqueue_dma source(%dma_start3A_768 : memref<64x128xf32, #tpu.memory_space<vmem>>) target(%dma_start3A_764 : memref<64x128xf32, #tpu.memory_space<hbm>>) target_semaphore(%arg19 : memref<!tpu.dma_semaphore, #tpu.memory_space<semaphore_mem>>)
    %dma_wait3A_769 = arith.constant 9 : i32
    %dma_wait3A_770 = arith.constant 0 : i32
    %dma_wait3A_771 = arith.constant 0 : i32
    %dma_wait3A_772 = arith.constant 0 : i32
    %dma_wait3A_773 = tpu.memref_slice %arg6[%dma_wait3A_769, %dma_wait3A_771, %dma_wait3A_772] : memref<10x64x128xf32, #tpu.memory_space<vmem>> -> memref<1x64x128xf32, #tpu.memory_space<vmem>>
    %dma_wait3A_774 = tpu.memref_squeeze %dma_wait3A_773 : memref<1x64x128xf32, #tpu.memory_space<vmem>> -> memref<64x128xf32, #tpu.memory_space<vmem>>
    %dma_wait3A_775 = arith.constant 0 : i32
    %dma_wait3A_776 = tpu.memref_slice %arg4[%dma_wait3A_770, %mul3A_4, %dma_wait3A_775] : memref<50x4096x128xf32, #tpu.memory_space<hbm>> -> memref<1x64x128xf32, #tpu.memory_space<hbm>>
    %dma_wait3A_777 = tpu.memref_squeeze %dma_wait3A_776 : memref<1x64x128xf32, #tpu.memory_space<hbm>> -> memref<64x128xf32, #tpu.memory_space<hbm>>
    %dma_wait3A_778 = arith.constant 0 : i32
    %dma_wait3A_779 = tpu.memref_slice %arg4[%dma_wait3A_770, %mul3A_4, %dma_wait3A_778] : memref<50x4096x128xf32, #tpu.memory_space<hbm>> -> memref<1x64x128xf32, #tpu.memory_space<hbm>>
    %dma_wait3A_780 = tpu.memref_squeeze %dma_wait3A_779 : memref<1x64x128xf32, #tpu.memory_space<hbm>> -> memref<64x128xf32, #tpu.memory_space<hbm>>
    %dma_wait3A_781 = arith.constant 0 : i32
    %dma_wait3A_782 = arith.constant 0 : i32
    %dma_wait3A_783 = tpu.memref_slice %arg6[%dma_wait3A_769, %dma_wait3A_781, %dma_wait3A_782] : memref<10x64x128xf32, #tpu.memory_space<vmem>> -> memref<1x64x128xf32, #tpu.memory_space<vmem>>
    %dma_wait3A_784 = tpu.memref_squeeze %dma_wait3A_783 : memref<1x64x128xf32, #tpu.memory_space<vmem>> -> memref<64x128xf32, #tpu.memory_space<vmem>>
    tpu.wait_dma2 semaphore(%arg26 : memref<!tpu.dma_semaphore, #tpu.memory_space<semaphore_mem>>) src(%dma_wait3A_784 : memref<64x128xf32, #tpu.memory_space<vmem>>) dst(%dma_wait3A_780 : memref<64x128xf32, #tpu.memory_space<hbm>>)
    %dma_start3A_785 = arith.constant 49 : i32
    %dma_start3A_786 = arith.constant 9 : i32
    %dma_start3A_787 = arith.constant 0 : i32
    %dma_start3A_788 = arith.constant 0 : i32
    %dma_start3A_789 = tpu.memref_slice %arg6[%dma_start3A_786, %dma_start3A_787, %dma_start3A_788] : memref<10x64x128xf32, #tpu.memory_space<vmem>> -> memref<1x64x128xf32, #tpu.memory_space<vmem>>
    %dma_start3A_790 = tpu.memref_squeeze %dma_start3A_789 : memref<1x64x128xf32, #tpu.memory_space<vmem>> -> memref<64x128xf32, #tpu.memory_space<vmem>>
    %dma_start3A_791 = arith.constant 64 : i32
    %dma_start3A_792 = tpu.memref_slice %arg5[%dma_start3A_785, %dma_start3A_791] : memref<50x128xi32, #tpu.memory_space<vmem>> -> memref<1x64xi32, #tpu.memory_space<vmem>>
    %dma_start3A_793 = tpu.memref_squeeze %dma_start3A_792 : memref<1x64xi32, #tpu.memory_space<vmem>> -> memref<64xi32, #tpu.memory_space<vmem>>
    %dma_start3A_794 = arith.constant 0 : i32
    %dma_start3A_795 = arith.constant 0 : i32
    %dma_start3A_796 = tpu.memref_slice %arg2[%dma_start3A_794, %dma_start3A_795] : memref<100000x128xf32, #tpu.memory_space<hbm>> -> memref<100000x128xf32, #tpu.memory_space<hbm>>
    tpu.enqueue_indirect_dma source(%dma_start3A_796 : memref<100000x128xf32, #tpu.memory_space<hbm>>) target(%dma_start3A_790 : memref<64x128xf32, #tpu.memory_space<vmem>>) offsets(%dma_start3A_793 : memref<64xi32, #tpu.memory_space<vmem>>) semaphore(%arg16 : memref<!tpu.dma_semaphore, #tpu.memory_space<semaphore_mem>>)
    %dma_wait3A_797 = arith.constant 0 : i32
    %dma_wait3A_798 = arith.constant 3 : i32
    %dma_wait3A_799 = arith.constant 0 : i32
    %dma_wait3A_800 = arith.constant 0 : i32
    %dma_wait3A_801 = tpu.memref_slice %arg6[%dma_wait3A_798, %dma_wait3A_799, %dma_wait3A_800] : memref<10x64x128xf32, #tpu.memory_space<vmem>> -> memref<1x64x128xf32, #tpu.memory_space<vmem>>
    %dma_wait3A_802 = tpu.memref_squeeze %dma_wait3A_801 : memref<1x64x128xf32, #tpu.memory_space<vmem>> -> memref<64x128xf32, #tpu.memory_space<vmem>>
    %dma_wait3A_803 = arith.constant 0 : i32
    %dma_wait3A_804 = tpu.memref_slice %arg5[%dma_wait3A_797, %dma_wait3A_803] : memref<50x128xi32, #tpu.memory_space<vmem>> -> memref<1x64xi32, #tpu.memory_space<vmem>>
    %dma_wait3A_805 = tpu.memref_squeeze %dma_wait3A_804 : memref<1x64xi32, #tpu.memory_space<vmem>> -> memref<64xi32, #tpu.memory_space<vmem>>
    %dma_wait3A_806 = arith.constant 0 : i32
    %dma_wait3A_807 = arith.constant 0 : i32
    %dma_wait3A_808 = tpu.memref_slice %arg2[%dma_wait3A_806, %dma_wait3A_807] : memref<100000x128xf32, #tpu.memory_space<hbm>> -> memref<100000x128xf32, #tpu.memory_space<hbm>>
    tpu.wait_indirect_dma semaphore(%arg10 : memref<!tpu.dma_semaphore, #tpu.memory_space<semaphore_mem>>) src(%dma_wait3A_808 : memref<100000x128xf32, #tpu.memory_space<hbm>>) dst(%dma_wait3A_802 : memref<64x128xf32, #tpu.memory_space<vmem>>)
    %add3A_809 = arith.constant 64 : i32
    %add3A_810 = arith.addi %mul3A_4, %add3A_809 : i32
    %dma_start3A_811 = arith.constant 3 : i32
    %dma_start3A_812 = arith.constant 46 : i32
    %dma_start3A_813 = arith.constant 0 : i32
    %dma_start3A_814 = arith.constant 0 : i32
    %dma_start3A_815 = tpu.memref_slice %arg6[%dma_start3A_811, %dma_start3A_813, %dma_start3A_814] : memref<10x64x128xf32, #tpu.memory_space<vmem>> -> memref<1x64x128xf32, #tpu.memory_space<vmem>>
    %dma_start3A_816 = tpu.memref_squeeze %dma_start3A_815 : memref<1x64x128xf32, #tpu.memory_space<vmem>> -> memref<64x128xf32, #tpu.memory_space<vmem>>
    %dma_start3A_817 = arith.constant 0 : i32
    %dma_start3A_818 = tpu.memref_slice %arg4[%dma_start3A_812, %add3A_810, %dma_start3A_817] : memref<50x4096x128xf32, #tpu.memory_space<hbm>> -> memref<1x64x128xf32, #tpu.memory_space<hbm>>
    %dma_start3A_819 = tpu.memref_squeeze %dma_start3A_818 : memref<1x64x128xf32, #tpu.memory_space<hbm>> -> memref<64x128xf32, #tpu.memory_space<hbm>>
    %dma_start3A_820 = arith.constant 0 : i32
    %dma_start3A_821 = tpu.memref_slice %arg4[%dma_start3A_812, %add3A_810, %dma_start3A_820] : memref<50x4096x128xf32, #tpu.memory_space<hbm>> -> memref<1x64x128xf32, #tpu.memory_space<hbm>>
    %dma_start3A_822 = tpu.memref_squeeze %dma_start3A_821 : memref<1x64x128xf32, #tpu.memory_space<hbm>> -> memref<64x128xf32, #tpu.memory_space<hbm>>
    %dma_start3A_823 = arith.constant 0 : i32
    %dma_start3A_824 = arith.constant 0 : i32
    %dma_start3A_825 = tpu.memref_slice %arg6[%dma_start3A_811, %dma_start3A_823, %dma_start3A_824] : memref<10x64x128xf32, #tpu.memory_space<vmem>> -> memref<1x64x128xf32, #tpu.memory_space<vmem>>
    %dma_start3A_826 = tpu.memref_squeeze %dma_start3A_825 : memref<1x64x128xf32, #tpu.memory_space<vmem>> -> memref<64x128xf32, #tpu.memory_space<vmem>>
    tpu.enqueue_dma source(%dma_start3A_826 : memref<64x128xf32, #tpu.memory_space<vmem>>) target(%dma_start3A_822 : memref<64x128xf32, #tpu.memory_space<hbm>>) target_semaphore(%arg20 : memref<!tpu.dma_semaphore, #tpu.memory_space<semaphore_mem>>)
    %dma_wait3A_827 = arith.constant 0 : i32
    %dma_wait3A_828 = arith.constant 4 : i32
    %dma_wait3A_829 = arith.constant 0 : i32
    %dma_wait3A_830 = arith.constant 0 : i32
    %dma_wait3A_831 = tpu.memref_slice %arg6[%dma_wait3A_828, %dma_wait3A_829, %dma_wait3A_830] : memref<10x64x128xf32, #tpu.memory_space<vmem>> -> memref<1x64x128xf32, #tpu.memory_space<vmem>>
    %dma_wait3A_832 = tpu.memref_squeeze %dma_wait3A_831 : memref<1x64x128xf32, #tpu.memory_space<vmem>> -> memref<64x128xf32, #tpu.memory_space<vmem>>
    %dma_wait3A_833 = arith.constant 0 : i32
    %dma_wait3A_834 = tpu.memref_slice %arg5[%dma_wait3A_827, %dma_wait3A_833] : memref<50x128xi32, #tpu.memory_space<vmem>> -> memref<1x64xi32, #tpu.memory_space<vmem>>
    %dma_wait3A_835 = tpu.memref_squeeze %dma_wait3A_834 : memref<1x64xi32, #tpu.memory_space<vmem>> -> memref<64xi32, #tpu.memory_space<vmem>>
    %dma_wait3A_836 = arith.constant 0 : i32
    %dma_wait3A_837 = arith.constant 0 : i32
    %dma_wait3A_838 = tpu.memref_slice %arg2[%dma_wait3A_836, %dma_wait3A_837] : memref<100000x128xf32, #tpu.memory_space<hbm>> -> memref<100000x128xf32, #tpu.memory_space<hbm>>
    tpu.wait_indirect_dma semaphore(%arg11 : memref<!tpu.dma_semaphore, #tpu.memory_space<semaphore_mem>>) src(%dma_wait3A_838 : memref<100000x128xf32, #tpu.memory_space<hbm>>) dst(%dma_wait3A_832 : memref<64x128xf32, #tpu.memory_space<vmem>>)
    %add3A_839 = arith.constant 0 : i32
    %add3A_840 = arith.addi %mul3A_4, %add3A_839 : i32
    %dma_start3A_841 = arith.constant 4 : i32
    %dma_start3A_842 = arith.constant 47 : i32
    %dma_start3A_843 = arith.constant 0 : i32
    %dma_start3A_844 = arith.constant 0 : i32
    %dma_start3A_845 = tpu.memref_slice %arg6[%dma_start3A_841, %dma_start3A_843, %dma_start3A_844] : memref<10x64x128xf32, #tpu.memory_space<vmem>> -> memref<1x64x128xf32, #tpu.memory_space<vmem>>
    %dma_start3A_846 = tpu.memref_squeeze %dma_start3A_845 : memref<1x64x128xf32, #tpu.memory_space<vmem>> -> memref<64x128xf32, #tpu.memory_space<vmem>>
    %dma_start3A_847 = arith.constant 0 : i32
    %dma_start3A_848 = tpu.memref_slice %arg4[%dma_start3A_842, %add3A_840, %dma_start3A_847] : memref<50x4096x128xf32, #tpu.memory_space<hbm>> -> memref<1x64x128xf32, #tpu.memory_space<hbm>>
    %dma_start3A_849 = tpu.memref_squeeze %dma_start3A_848 : memref<1x64x128xf32, #tpu.memory_space<hbm>> -> memref<64x128xf32, #tpu.memory_space<hbm>>
    %dma_start3A_850 = arith.constant 0 : i32
    %dma_start3A_851 = tpu.memref_slice %arg4[%dma_start3A_842, %add3A_840, %dma_start3A_850] : memref<50x4096x128xf32, #tpu.memory_space<hbm>> -> memref<1x64x128xf32, #tpu.memory_space<hbm>>
    %dma_start3A_852 = tpu.memref_squeeze %dma_start3A_851 : memref<1x64x128xf32, #tpu.memory_space<hbm>> -> memref<64x128xf32, #tpu.memory_space<hbm>>
    %dma_start3A_853 = arith.constant 0 : i32
    %dma_start3A_854 = arith.constant 0 : i32
    %dma_start3A_855 = tpu.memref_slice %arg6[%dma_start3A_841, %dma_start3A_853, %dma_start3A_854] : memref<10x64x128xf32, #tpu.memory_space<vmem>> -> memref<1x64x128xf32, #tpu.memory_space<vmem>>
    %dma_start3A_856 = tpu.memref_squeeze %dma_start3A_855 : memref<1x64x128xf32, #tpu.memory_space<vmem>> -> memref<64x128xf32, #tpu.memory_space<vmem>>
    tpu.enqueue_dma source(%dma_start3A_856 : memref<64x128xf32, #tpu.memory_space<vmem>>) target(%dma_start3A_852 : memref<64x128xf32, #tpu.memory_space<hbm>>) target_semaphore(%arg21 : memref<!tpu.dma_semaphore, #tpu.memory_space<semaphore_mem>>)
    %dma_wait3A_857 = arith.constant 0 : i32
    %dma_wait3A_858 = arith.constant 5 : i32
    %dma_wait3A_859 = arith.constant 0 : i32
    %dma_wait3A_860 = arith.constant 0 : i32
    %dma_wait3A_861 = tpu.memref_slice %arg6[%dma_wait3A_858, %dma_wait3A_859, %dma_wait3A_860] : memref<10x64x128xf32, #tpu.memory_space<vmem>> -> memref<1x64x128xf32, #tpu.memory_space<vmem>>
    %dma_wait3A_862 = tpu.memref_squeeze %dma_wait3A_861 : memref<1x64x128xf32, #tpu.memory_space<vmem>> -> memref<64x128xf32, #tpu.memory_space<vmem>>
    %dma_wait3A_863 = arith.constant 0 : i32
    %dma_wait3A_864 = tpu.memref_slice %arg5[%dma_wait3A_857, %dma_wait3A_863] : memref<50x128xi32, #tpu.memory_space<vmem>> -> memref<1x64xi32, #tpu.memory_space<vmem>>
    %dma_wait3A_865 = tpu.memref_squeeze %dma_wait3A_864 : memref<1x64xi32, #tpu.memory_space<vmem>> -> memref<64xi32, #tpu.memory_space<vmem>>
    %dma_wait3A_866 = arith.constant 0 : i32
    %dma_wait3A_867 = arith.constant 0 : i32
    %dma_wait3A_868 = tpu.memref_slice %arg2[%dma_wait3A_866, %dma_wait3A_867] : memref<100000x128xf32, #tpu.memory_space<hbm>> -> memref<100000x128xf32, #tpu.memory_space<hbm>>
    tpu.wait_indirect_dma semaphore(%arg12 : memref<!tpu.dma_semaphore, #tpu.memory_space<semaphore_mem>>) src(%dma_wait3A_868 : memref<100000x128xf32, #tpu.memory_space<hbm>>) dst(%dma_wait3A_862 : memref<64x128xf32, #tpu.memory_space<vmem>>)
    %add3A_869 = arith.constant 64 : i32
    %add3A_870 = arith.addi %mul3A_4, %add3A_869 : i32
    %dma_start3A_871 = arith.constant 5 : i32
    %dma_start3A_872 = arith.constant 47 : i32
    %dma_start3A_873 = arith.constant 0 : i32
    %dma_start3A_874 = arith.constant 0 : i32
    %dma_start3A_875 = tpu.memref_slice %arg6[%dma_start3A_871, %dma_start3A_873, %dma_start3A_874] : memref<10x64x128xf32, #tpu.memory_space<vmem>> -> memref<1x64x128xf32, #tpu.memory_space<vmem>>
    %dma_start3A_876 = tpu.memref_squeeze %dma_start3A_875 : memref<1x64x128xf32, #tpu.memory_space<vmem>> -> memref<64x128xf32, #tpu.memory_space<vmem>>
    %dma_start3A_877 = arith.constant 0 : i32
    %dma_start3A_878 = tpu.memref_slice %arg4[%dma_start3A_872, %add3A_870, %dma_start3A_877] : memref<50x4096x128xf32, #tpu.memory_space<hbm>> -> memref<1x64x128xf32, #tpu.memory_space<hbm>>
    %dma_start3A_879 = tpu.memref_squeeze %dma_start3A_878 : memref<1x64x128xf32, #tpu.memory_space<hbm>> -> memref<64x128xf32, #tpu.memory_space<hbm>>
    %dma_start3A_880 = arith.constant 0 : i32
    %dma_start3A_881 = tpu.memref_slice %arg4[%dma_start3A_872, %add3A_870, %dma_start3A_880] : memref<50x4096x128xf32, #tpu.memory_space<hbm>> -> memref<1x64x128xf32, #tpu.memory_space<hbm>>
    %dma_start3A_882 = tpu.memref_squeeze %dma_start3A_881 : memref<1x64x128xf32, #tpu.memory_space<hbm>> -> memref<64x128xf32, #tpu.memory_space<hbm>>
    %dma_start3A_883 = arith.constant 0 : i32
    %dma_start3A_884 = arith.constant 0 : i32
    %dma_start3A_885 = tpu.memref_slice %arg6[%dma_start3A_871, %dma_start3A_883, %dma_start3A_884] : memref<10x64x128xf32, #tpu.memory_space<vmem>> -> memref<1x64x128xf32, #tpu.memory_space<vmem>>
    %dma_start3A_886 = tpu.memref_squeeze %dma_start3A_885 : memref<1x64x128xf32, #tpu.memory_space<vmem>> -> memref<64x128xf32, #tpu.memory_space<vmem>>
    tpu.enqueue_dma source(%dma_start3A_886 : memref<64x128xf32, #tpu.memory_space<vmem>>) target(%dma_start3A_882 : memref<64x128xf32, #tpu.memory_space<hbm>>) target_semaphore(%arg22 : memref<!tpu.dma_semaphore, #tpu.memory_space<semaphore_mem>>)
    %dma_wait3A_887 = arith.constant 0 : i32
    %dma_wait3A_888 = arith.constant 6 : i32
    %dma_wait3A_889 = arith.constant 0 : i32
    %dma_wait3A_890 = arith.constant 0 : i32
    %dma_wait3A_891 = tpu.memref_slice %arg6[%dma_wait3A_888, %dma_wait3A_889, %dma_wait3A_890] : memref<10x64x128xf32, #tpu.memory_space<vmem>> -> memref<1x64x128xf32, #tpu.memory_space<vmem>>
    %dma_wait3A_892 = tpu.memref_squeeze %dma_wait3A_891 : memref<1x64x128xf32, #tpu.memory_space<vmem>> -> memref<64x128xf32, #tpu.memory_space<vmem>>
    %dma_wait3A_893 = arith.constant 0 : i32
    %dma_wait3A_894 = tpu.memref_slice %arg5[%dma_wait3A_887, %dma_wait3A_893] : memref<50x128xi32, #tpu.memory_space<vmem>> -> memref<1x64xi32, #tpu.memory_space<vmem>>
    %dma_wait3A_895 = tpu.memref_squeeze %dma_wait3A_894 : memref<1x64xi32, #tpu.memory_space<vmem>> -> memref<64xi32, #tpu.memory_space<vmem>>
    %dma_wait3A_896 = arith.constant 0 : i32
    %dma_wait3A_897 = arith.constant 0 : i32
    %dma_wait3A_898 = tpu.memref_slice %arg2[%dma_wait3A_896, %dma_wait3A_897] : memref<100000x128xf32, #tpu.memory_space<hbm>> -> memref<100000x128xf32, #tpu.memory_space<hbm>>
    tpu.wait_indirect_dma semaphore(%arg13 : memref<!tpu.dma_semaphore, #tpu.memory_space<semaphore_mem>>) src(%dma_wait3A_898 : memref<100000x128xf32, #tpu.memory_space<hbm>>) dst(%dma_wait3A_892 : memref<64x128xf32, #tpu.memory_space<vmem>>)
    %add3A_899 = arith.constant 0 : i32
    %add3A_900 = arith.addi %mul3A_4, %add3A_899 : i32
    %dma_start3A_901 = arith.constant 6 : i32
    %dma_start3A_902 = arith.constant 48 : i32
    %dma_start3A_903 = arith.constant 0 : i32
    %dma_start3A_904 = arith.constant 0 : i32
    %dma_start3A_905 = tpu.memref_slice %arg6[%dma_start3A_901, %dma_start3A_903, %dma_start3A_904] : memref<10x64x128xf32, #tpu.memory_space<vmem>> -> memref<1x64x128xf32, #tpu.memory_space<vmem>>
    %dma_start3A_906 = tpu.memref_squeeze %dma_start3A_905 : memref<1x64x128xf32, #tpu.memory_space<vmem>> -> memref<64x128xf32, #tpu.memory_space<vmem>>
    %dma_start3A_907 = arith.constant 0 : i32
    %dma_start3A_908 = tpu.memref_slice %arg4[%dma_start3A_902, %add3A_900, %dma_start3A_907] : memref<50x4096x128xf32, #tpu.memory_space<hbm>> -> memref<1x64x128xf32, #tpu.memory_space<hbm>>
    %dma_start3A_909 = tpu.memref_squeeze %dma_start3A_908 : memref<1x64x128xf32, #tpu.memory_space<hbm>> -> memref<64x128xf32, #tpu.memory_space<hbm>>
    %dma_start3A_910 = arith.constant 0 : i32
    %dma_start3A_911 = tpu.memref_slice %arg4[%dma_start3A_902, %add3A_900, %dma_start3A_910] : memref<50x4096x128xf32, #tpu.memory_space<hbm>> -> memref<1x64x128xf32, #tpu.memory_space<hbm>>
    %dma_start3A_912 = tpu.memref_squeeze %dma_start3A_911 : memref<1x64x128xf32, #tpu.memory_space<hbm>> -> memref<64x128xf32, #tpu.memory_space<hbm>>
    %dma_start3A_913 = arith.constant 0 : i32
    %dma_start3A_914 = arith.constant 0 : i32
    %dma_start3A_915 = tpu.memref_slice %arg6[%dma_start3A_901, %dma_start3A_913, %dma_start3A_914] : memref<10x64x128xf32, #tpu.memory_space<vmem>> -> memref<1x64x128xf32, #tpu.memory_space<vmem>>
    %dma_start3A_916 = tpu.memref_squeeze %dma_start3A_915 : memref<1x64x128xf32, #tpu.memory_space<vmem>> -> memref<64x128xf32, #tpu.memory_space<vmem>>
    tpu.enqueue_dma source(%dma_start3A_916 : memref<64x128xf32, #tpu.memory_space<vmem>>) target(%dma_start3A_912 : memref<64x128xf32, #tpu.memory_space<hbm>>) target_semaphore(%arg23 : memref<!tpu.dma_semaphore, #tpu.memory_space<semaphore_mem>>)
    %dma_wait3A_917 = arith.constant 0 : i32
    %dma_wait3A_918 = arith.constant 7 : i32
    %dma_wait3A_919 = arith.constant 0 : i32
    %dma_wait3A_920 = arith.constant 0 : i32
    %dma_wait3A_921 = tpu.memref_slice %arg6[%dma_wait3A_918, %dma_wait3A_919, %dma_wait3A_920] : memref<10x64x128xf32, #tpu.memory_space<vmem>> -> memref<1x64x128xf32, #tpu.memory_space<vmem>>
    %dma_wait3A_922 = tpu.memref_squeeze %dma_wait3A_921 : memref<1x64x128xf32, #tpu.memory_space<vmem>> -> memref<64x128xf32, #tpu.memory_space<vmem>>
    %dma_wait3A_923 = arith.constant 0 : i32
    %dma_wait3A_924 = tpu.memref_slice %arg5[%dma_wait3A_917, %dma_wait3A_923] : memref<50x128xi32, #tpu.memory_space<vmem>> -> memref<1x64xi32, #tpu.memory_space<vmem>>
    %dma_wait3A_925 = tpu.memref_squeeze %dma_wait3A_924 : memref<1x64xi32, #tpu.memory_space<vmem>> -> memref<64xi32, #tpu.memory_space<vmem>>
    %dma_wait3A_926 = arith.constant 0 : i32
    %dma_wait3A_927 = arith.constant 0 : i32
    %dma_wait3A_928 = tpu.memref_slice %arg2[%dma_wait3A_926, %dma_wait3A_927] : memref<100000x128xf32, #tpu.memory_space<hbm>> -> memref<100000x128xf32, #tpu.memory_space<hbm>>
    tpu.wait_indirect_dma semaphore(%arg14 : memref<!tpu.dma_semaphore, #tpu.memory_space<semaphore_mem>>) src(%dma_wait3A_928 : memref<100000x128xf32, #tpu.memory_space<hbm>>) dst(%dma_wait3A_922 : memref<64x128xf32, #tpu.memory_space<vmem>>)
    %add3A_929 = arith.constant 64 : i32
    %add3A_930 = arith.addi %mul3A_4, %add3A_929 : i32
    %dma_start3A_931 = arith.constant 7 : i32
    %dma_start3A_932 = arith.constant 48 : i32
    %dma_start3A_933 = arith.constant 0 : i32
    %dma_start3A_934 = arith.constant 0 : i32
    %dma_start3A_935 = tpu.memref_slice %arg6[%dma_start3A_931, %dma_start3A_933, %dma_start3A_934] : memref<10x64x128xf32, #tpu.memory_space<vmem>> -> memref<1x64x128xf32, #tpu.memory_space<vmem>>
    %dma_start3A_936 = tpu.memref_squeeze %dma_start3A_935 : memref<1x64x128xf32, #tpu.memory_space<vmem>> -> memref<64x128xf32, #tpu.memory_space<vmem>>
    %dma_start3A_937 = arith.constant 0 : i32
    %dma_start3A_938 = tpu.memref_slice %arg4[%dma_start3A_932, %add3A_930, %dma_start3A_937] : memref<50x4096x128xf32, #tpu.memory_space<hbm>> -> memref<1x64x128xf32, #tpu.memory_space<hbm>>
    %dma_start3A_939 = tpu.memref_squeeze %dma_start3A_938 : memref<1x64x128xf32, #tpu.memory_space<hbm>> -> memref<64x128xf32, #tpu.memory_space<hbm>>
    %dma_start3A_940 = arith.constant 0 : i32
    %dma_start3A_941 = tpu.memref_slice %arg4[%dma_start3A_932, %add3A_930, %dma_start3A_940] : memref<50x4096x128xf32, #tpu.memory_space<hbm>> -> memref<1x64x128xf32, #tpu.memory_space<hbm>>
    %dma_start3A_942 = tpu.memref_squeeze %dma_start3A_941 : memref<1x64x128xf32, #tpu.memory_space<hbm>> -> memref<64x128xf32, #tpu.memory_space<hbm>>
    %dma_start3A_943 = arith.constant 0 : i32
    %dma_start3A_944 = arith.constant 0 : i32
    %dma_start3A_945 = tpu.memref_slice %arg6[%dma_start3A_931, %dma_start3A_943, %dma_start3A_944] : memref<10x64x128xf32, #tpu.memory_space<vmem>> -> memref<1x64x128xf32, #tpu.memory_space<vmem>>
    %dma_start3A_946 = tpu.memref_squeeze %dma_start3A_945 : memref<1x64x128xf32, #tpu.memory_space<vmem>> -> memref<64x128xf32, #tpu.memory_space<vmem>>
    tpu.enqueue_dma source(%dma_start3A_946 : memref<64x128xf32, #tpu.memory_space<vmem>>) target(%dma_start3A_942 : memref<64x128xf32, #tpu.memory_space<hbm>>) target_semaphore(%arg24 : memref<!tpu.dma_semaphore, #tpu.memory_space<semaphore_mem>>)
    %dma_wait3A_947 = arith.constant 0 : i32
    %dma_wait3A_948 = arith.constant 8 : i32
    %dma_wait3A_949 = arith.constant 0 : i32
    %dma_wait3A_950 = arith.constant 0 : i32
    %dma_wait3A_951 = tpu.memref_slice %arg6[%dma_wait3A_948, %dma_wait3A_949, %dma_wait3A_950] : memref<10x64x128xf32, #tpu.memory_space<vmem>> -> memref<1x64x128xf32, #tpu.memory_space<vmem>>
    %dma_wait3A_952 = tpu.memref_squeeze %dma_wait3A_951 : memref<1x64x128xf32, #tpu.memory_space<vmem>> -> memref<64x128xf32, #tpu.memory_space<vmem>>
    %dma_wait3A_953 = arith.constant 0 : i32
    %dma_wait3A_954 = tpu.memref_slice %arg5[%dma_wait3A_947, %dma_wait3A_953] : memref<50x128xi32, #tpu.memory_space<vmem>> -> memref<1x64xi32, #tpu.memory_space<vmem>>
    %dma_wait3A_955 = tpu.memref_squeeze %dma_wait3A_954 : memref<1x64xi32, #tpu.memory_space<vmem>> -> memref<64xi32, #tpu.memory_space<vmem>>
    %dma_wait3A_956 = arith.constant 0 : i32
    %dma_wait3A_957 = arith.constant 0 : i32
    %dma_wait3A_958 = tpu.memref_slice %arg2[%dma_wait3A_956, %dma_wait3A_957] : memref<100000x128xf32, #tpu.memory_space<hbm>> -> memref<100000x128xf32, #tpu.memory_space<hbm>>
    tpu.wait_indirect_dma semaphore(%arg15 : memref<!tpu.dma_semaphore, #tpu.memory_space<semaphore_mem>>) src(%dma_wait3A_958 : memref<100000x128xf32, #tpu.memory_space<hbm>>) dst(%dma_wait3A_952 : memref<64x128xf32, #tpu.memory_space<vmem>>)
    %add3A_959 = arith.constant 0 : i32
    %add3A_960 = arith.addi %mul3A_4, %add3A_959 : i32
    %dma_start3A_961 = arith.constant 8 : i32
    %dma_start3A_962 = arith.constant 49 : i32
    %dma_start3A_963 = arith.constant 0 : i32
    %dma_start3A_964 = arith.constant 0 : i32
    %dma_start3A_965 = tpu.memref_slice %arg6[%dma_start3A_961, %dma_start3A_963, %dma_start3A_964] : memref<10x64x128xf32, #tpu.memory_space<vmem>> -> memref<1x64x128xf32, #tpu.memory_space<vmem>>
    %dma_start3A_966 = tpu.memref_squeeze %dma_start3A_965 : memref<1x64x128xf32, #tpu.memory_space<vmem>> -> memref<64x128xf32, #tpu.memory_space<vmem>>
    %dma_start3A_967 = arith.constant 0 : i32
    %dma_start3A_968 = tpu.memref_slice %arg4[%dma_start3A_962, %add3A_960, %dma_start3A_967] : memref<50x4096x128xf32, #tpu.memory_space<hbm>> -> memref<1x64x128xf32, #tpu.memory_space<hbm>>
    %dma_start3A_969 = tpu.memref_squeeze %dma_start3A_968 : memref<1x64x128xf32, #tpu.memory_space<hbm>> -> memref<64x128xf32, #tpu.memory_space<hbm>>
    %dma_start3A_970 = arith.constant 0 : i32
    %dma_start3A_971 = tpu.memref_slice %arg4[%dma_start3A_962, %add3A_960, %dma_start3A_970] : memref<50x4096x128xf32, #tpu.memory_space<hbm>> -> memref<1x64x128xf32, #tpu.memory_space<hbm>>
    %dma_start3A_972 = tpu.memref_squeeze %dma_start3A_971 : memref<1x64x128xf32, #tpu.memory_space<hbm>> -> memref<64x128xf32, #tpu.memory_space<hbm>>
    %dma_start3A_973 = arith.constant 0 : i32
    %dma_start3A_974 = arith.constant 0 : i32
    %dma_start3A_975 = tpu.memref_slice %arg6[%dma_start3A_961, %dma_start3A_973, %dma_start3A_974] : memref<10x64x128xf32, #tpu.memory_space<vmem>> -> memref<1x64x128xf32, #tpu.memory_space<vmem>>
    %dma_start3A_976 = tpu.memref_squeeze %dma_start3A_975 : memref<1x64x128xf32, #tpu.memory_space<vmem>> -> memref<64x128xf32, #tpu.memory_space<vmem>>
    tpu.enqueue_dma source(%dma_start3A_976 : memref<64x128xf32, #tpu.memory_space<vmem>>) target(%dma_start3A_972 : memref<64x128xf32, #tpu.memory_space<hbm>>) target_semaphore(%arg25 : memref<!tpu.dma_semaphore, #tpu.memory_space<semaphore_mem>>)
    %dma_wait3A_977 = arith.constant 0 : i32
    %dma_wait3A_978 = arith.constant 9 : i32
    %dma_wait3A_979 = arith.constant 0 : i32
    %dma_wait3A_980 = arith.constant 0 : i32
    %dma_wait3A_981 = tpu.memref_slice %arg6[%dma_wait3A_978, %dma_wait3A_979, %dma_wait3A_980] : memref<10x64x128xf32, #tpu.memory_space<vmem>> -> memref<1x64x128xf32, #tpu.memory_space<vmem>>
    %dma_wait3A_982 = tpu.memref_squeeze %dma_wait3A_981 : memref<1x64x128xf32, #tpu.memory_space<vmem>> -> memref<64x128xf32, #tpu.memory_space<vmem>>
    %dma_wait3A_983 = arith.constant 0 : i32
    %dma_wait3A_984 = tpu.memref_slice %arg5[%dma_wait3A_977, %dma_wait3A_983] : memref<50x128xi32, #tpu.memory_space<vmem>> -> memref<1x64xi32, #tpu.memory_space<vmem>>
    %dma_wait3A_985 = tpu.memref_squeeze %dma_wait3A_984 : memref<1x64xi32, #tpu.memory_space<vmem>> -> memref<64xi32, #tpu.memory_space<vmem>>
    %dma_wait3A_986 = arith.constant 0 : i32
    %dma_wait3A_987 = arith.constant 0 : i32
    %dma_wait3A_988 = tpu.memref_slice %arg2[%dma_wait3A_986, %dma_wait3A_987] : memref<100000x128xf32, #tpu.memory_space<hbm>> -> memref<100000x128xf32, #tpu.memory_space<hbm>>
    tpu.wait_indirect_dma semaphore(%arg16 : memref<!tpu.dma_semaphore, #tpu.memory_space<semaphore_mem>>) src(%dma_wait3A_988 : memref<100000x128xf32, #tpu.memory_space<hbm>>) dst(%dma_wait3A_982 : memref<64x128xf32, #tpu.memory_space<vmem>>)
    %add3A_989 = arith.constant 64 : i32
    %add3A_990 = arith.addi %mul3A_4, %add3A_989 : i32
    %dma_start3A_991 = arith.constant 9 : i32
    %dma_start3A_992 = arith.constant 49 : i32
    %dma_start3A_993 = arith.constant 0 : i32
    %dma_start3A_994 = arith.constant 0 : i32
    %dma_start3A_995 = tpu.memref_slice %arg6[%dma_start3A_991, %dma_start3A_993, %dma_start3A_994] : memref<10x64x128xf32, #tpu.memory_space<vmem>> -> memref<1x64x128xf32, #tpu.memory_space<vmem>>
    %dma_start3A_996 = tpu.memref_squeeze %dma_start3A_995 : memref<1x64x128xf32, #tpu.memory_space<vmem>> -> memref<64x128xf32, #tpu.memory_space<vmem>>
    %dma_start3A_997 = arith.constant 0 : i32
    %dma_start3A_998 = tpu.memref_slice %arg4[%dma_start3A_992, %add3A_990, %dma_start3A_997] : memref<50x4096x128xf32, #tpu.memory_space<hbm>> -> memref<1x64x128xf32, #tpu.memory_space<hbm>>
    %dma_start3A_999 = tpu.memref_squeeze %dma_start3A_998 : memref<1x64x128xf32, #tpu.memory_space<hbm>> -> memref<64x128xf32, #tpu.memory_space<hbm>>
    %dma_start3A_1000 = arith.constant 0 : i32
    %dma_start3A_1001 = tpu.memref_slice %arg4[%dma_start3A_992, %add3A_990, %dma_start3A_1000] : memref<50x4096x128xf32, #tpu.memory_space<hbm>> -> memref<1x64x128xf32, #tpu.memory_space<hbm>>
    %dma_start3A_1002 = tpu.memref_squeeze %dma_start3A_1001 : memref<1x64x128xf32, #tpu.memory_space<hbm>> -> memref<64x128xf32, #tpu.memory_space<hbm>>
    %dma_start3A_1003 = arith.constant 0 : i32
    %dma_start3A_1004 = arith.constant 0 : i32
    %dma_start3A_1005 = tpu.memref_slice %arg6[%dma_start3A_991, %dma_start3A_1003, %dma_start3A_1004] : memref<10x64x128xf32, #tpu.memory_space<vmem>> -> memref<1x64x128xf32, #tpu.memory_space<vmem>>
    %dma_start3A_1006 = tpu.memref_squeeze %dma_start3A_1005 : memref<1x64x128xf32, #tpu.memory_space<vmem>> -> memref<64x128xf32, #tpu.memory_space<vmem>>
    tpu.enqueue_dma source(%dma_start3A_1006 : memref<64x128xf32, #tpu.memory_space<vmem>>) target(%dma_start3A_1002 : memref<64x128xf32, #tpu.memory_space<hbm>>) target_semaphore(%arg26 : memref<!tpu.dma_semaphore, #tpu.memory_space<semaphore_mem>>)
    %dma_wait3A_1007 = arith.constant 0 : i32
    %dma_wait3A_1008 = arith.constant 0 : i32
    %dma_wait3A_1009 = arith.constant 0 : i32
    %dma_wait3A_1010 = arith.constant 0 : i32
    %dma_wait3A_1011 = tpu.memref_slice %arg6[%dma_wait3A_1007, %dma_wait3A_1009, %dma_wait3A_1010] : memref<10x64x128xf32, #tpu.memory_space<vmem>> -> memref<1x64x128xf32, #tpu.memory_space<vmem>>
    %dma_wait3A_1012 = tpu.memref_squeeze %dma_wait3A_1011 : memref<1x64x128xf32, #tpu.memory_space<vmem>> -> memref<64x128xf32, #tpu.memory_space<vmem>>
    %dma_wait3A_1013 = arith.constant 0 : i32
    %dma_wait3A_1014 = tpu.memref_slice %arg4[%dma_wait3A_1008, %mul3A_4, %dma_wait3A_1013] : memref<50x4096x128xf32, #tpu.memory_space<hbm>> -> memref<1x64x128xf32, #tpu.memory_space<hbm>>
    %dma_wait3A_1015 = tpu.memref_squeeze %dma_wait3A_1014 : memref<1x64x128xf32, #tpu.memory_space<hbm>> -> memref<64x128xf32, #tpu.memory_space<hbm>>
    %dma_wait3A_1016 = arith.constant 0 : i32
    %dma_wait3A_1017 = tpu.memref_slice %arg4[%dma_wait3A_1008, %mul3A_4, %dma_wait3A_1016] : memref<50x4096x128xf32, #tpu.memory_space<hbm>> -> memref<1x64x128xf32, #tpu.memory_space<hbm>>
    %dma_wait3A_1018 = tpu.memref_squeeze %dma_wait3A_1017 : memref<1x64x128xf32, #tpu.memory_space<hbm>> -> memref<64x128xf32, #tpu.memory_space<hbm>>
    %dma_wait3A_1019 = arith.constant 0 : i32
    %dma_wait3A_1020 = arith.constant 0 : i32
    %dma_wait3A_1021 = tpu.memref_slice %arg6[%dma_wait3A_1007, %dma_wait3A_1019, %dma_wait3A_1020] : memref<10x64x128xf32, #tpu.memory_space<vmem>> -> memref<1x64x128xf32, #tpu.memory_space<vmem>>
    %dma_wait3A_1022 = tpu.memref_squeeze %dma_wait3A_1021 : memref<1x64x128xf32, #tpu.memory_space<vmem>> -> memref<64x128xf32, #tpu.memory_space<vmem>>
    tpu.wait_dma2 semaphore(%arg17 : memref<!tpu.dma_semaphore, #tpu.memory_space<semaphore_mem>>) src(%dma_wait3A_1022 : memref<64x128xf32, #tpu.memory_space<vmem>>) dst(%dma_wait3A_1018 : memref<64x128xf32, #tpu.memory_space<hbm>>)
    %dma_wait3A_1023 = arith.constant 1 : i32
    %dma_wait3A_1024 = arith.constant 0 : i32
    %dma_wait3A_1025 = arith.constant 0 : i32
    %dma_wait3A_1026 = arith.constant 0 : i32
    %dma_wait3A_1027 = tpu.memref_slice %arg6[%dma_wait3A_1023, %dma_wait3A_1025, %dma_wait3A_1026] : memref<10x64x128xf32, #tpu.memory_space<vmem>> -> memref<1x64x128xf32, #tpu.memory_space<vmem>>
    %dma_wait3A_1028 = tpu.memref_squeeze %dma_wait3A_1027 : memref<1x64x128xf32, #tpu.memory_space<vmem>> -> memref<64x128xf32, #tpu.memory_space<vmem>>
    %dma_wait3A_1029 = arith.constant 0 : i32
    %dma_wait3A_1030 = tpu.memref_slice %arg4[%dma_wait3A_1024, %mul3A_4, %dma_wait3A_1029] : memref<50x4096x128xf32, #tpu.memory_space<hbm>> -> memref<1x64x128xf32, #tpu.memory_space<hbm>>
    %dma_wait3A_1031 = tpu.memref_squeeze %dma_wait3A_1030 : memref<1x64x128xf32, #tpu.memory_space<hbm>> -> memref<64x128xf32, #tpu.memory_space<hbm>>
    %dma_wait3A_1032 = arith.constant 0 : i32
    %dma_wait3A_1033 = tpu.memref_slice %arg4[%dma_wait3A_1024, %mul3A_4, %dma_wait3A_1032] : memref<50x4096x128xf32, #tpu.memory_space<hbm>> -> memref<1x64x128xf32, #tpu.memory_space<hbm>>
    %dma_wait3A_1034 = tpu.memref_squeeze %dma_wait3A_1033 : memref<1x64x128xf32, #tpu.memory_space<hbm>> -> memref<64x128xf32, #tpu.memory_space<hbm>>
    %dma_wait3A_1035 = arith.constant 0 : i32
    %dma_wait3A_1036 = arith.constant 0 : i32
    %dma_wait3A_1037 = tpu.memref_slice %arg6[%dma_wait3A_1023, %dma_wait3A_1035, %dma_wait3A_1036] : memref<10x64x128xf32, #tpu.memory_space<vmem>> -> memref<1x64x128xf32, #tpu.memory_space<vmem>>
    %dma_wait3A_1038 = tpu.memref_squeeze %dma_wait3A_1037 : memref<1x64x128xf32, #tpu.memory_space<vmem>> -> memref<64x128xf32, #tpu.memory_space<vmem>>
    tpu.wait_dma2 semaphore(%arg18 : memref<!tpu.dma_semaphore, #tpu.memory_space<semaphore_mem>>) src(%dma_wait3A_1038 : memref<64x128xf32, #tpu.memory_space<vmem>>) dst(%dma_wait3A_1034 : memref<64x128xf32, #tpu.memory_space<hbm>>)
    %dma_wait3A_1039 = arith.constant 2 : i32
    %dma_wait3A_1040 = arith.constant 0 : i32
    %dma_wait3A_1041 = arith.constant 0 : i32
    %dma_wait3A_1042 = arith.constant 0 : i32
    %dma_wait3A_1043 = tpu.memref_slice %arg6[%dma_wait3A_1039, %dma_wait3A_1041, %dma_wait3A_1042] : memref<10x64x128xf32, #tpu.memory_space<vmem>> -> memref<1x64x128xf32, #tpu.memory_space<vmem>>
    %dma_wait3A_1044 = tpu.memref_squeeze %dma_wait3A_1043 : memref<1x64x128xf32, #tpu.memory_space<vmem>> -> memref<64x128xf32, #tpu.memory_space<vmem>>
    %dma_wait3A_1045 = arith.constant 0 : i32
    %dma_wait3A_1046 = tpu.memref_slice %arg4[%dma_wait3A_1040, %mul3A_4, %dma_wait3A_1045] : memref<50x4096x128xf32, #tpu.memory_space<hbm>> -> memref<1x64x128xf32, #tpu.memory_space<hbm>>
    %dma_wait3A_1047 = tpu.memref_squeeze %dma_wait3A_1046 : memref<1x64x128xf32, #tpu.memory_space<hbm>> -> memref<64x128xf32, #tpu.memory_space<hbm>>
    %dma_wait3A_1048 = arith.constant 0 : i32
    %dma_wait3A_1049 = tpu.memref_slice %arg4[%dma_wait3A_1040, %mul3A_4, %dma_wait3A_1048] : memref<50x4096x128xf32, #tpu.memory_space<hbm>> -> memref<1x64x128xf32, #tpu.memory_space<hbm>>
    %dma_wait3A_1050 = tpu.memref_squeeze %dma_wait3A_1049 : memref<1x64x128xf32, #tpu.memory_space<hbm>> -> memref<64x128xf32, #tpu.memory_space<hbm>>
    %dma_wait3A_1051 = arith.constant 0 : i32
    %dma_wait3A_1052 = arith.constant 0 : i32
    %dma_wait3A_1053 = tpu.memref_slice %arg6[%dma_wait3A_1039, %dma_wait3A_1051, %dma_wait3A_1052] : memref<10x64x128xf32, #tpu.memory_space<vmem>> -> memref<1x64x128xf32, #tpu.memory_space<vmem>>
    %dma_wait3A_1054 = tpu.memref_squeeze %dma_wait3A_1053 : memref<1x64x128xf32, #tpu.memory_space<vmem>> -> memref<64x128xf32, #tpu.memory_space<vmem>>
    tpu.wait_dma2 semaphore(%arg19 : memref<!tpu.dma_semaphore, #tpu.memory_space<semaphore_mem>>) src(%dma_wait3A_1054 : memref<64x128xf32, #tpu.memory_space<vmem>>) dst(%dma_wait3A_1050 : memref<64x128xf32, #tpu.memory_space<hbm>>)
    %dma_wait3A_1055 = arith.constant 3 : i32
    %dma_wait3A_1056 = arith.constant 0 : i32
    %dma_wait3A_1057 = arith.constant 0 : i32
    %dma_wait3A_1058 = arith.constant 0 : i32
    %dma_wait3A_1059 = tpu.memref_slice %arg6[%dma_wait3A_1055, %dma_wait3A_1057, %dma_wait3A_1058] : memref<10x64x128xf32, #tpu.memory_space<vmem>> -> memref<1x64x128xf32, #tpu.memory_space<vmem>>
    %dma_wait3A_1060 = tpu.memref_squeeze %dma_wait3A_1059 : memref<1x64x128xf32, #tpu.memory_space<vmem>> -> memref<64x128xf32, #tpu.memory_space<vmem>>
    %dma_wait3A_1061 = arith.constant 0 : i32
    %dma_wait3A_1062 = tpu.memref_slice %arg4[%dma_wait3A_1056, %mul3A_4, %dma_wait3A_1061] : memref<50x4096x128xf32, #tpu.memory_space<hbm>> -> memref<1x64x128xf32, #tpu.memory_space<hbm>>
    %dma_wait3A_1063 = tpu.memref_squeeze %dma_wait3A_1062 : memref<1x64x128xf32, #tpu.memory_space<hbm>> -> memref<64x128xf32, #tpu.memory_space<hbm>>
    %dma_wait3A_1064 = arith.constant 0 : i32
    %dma_wait3A_1065 = tpu.memref_slice %arg4[%dma_wait3A_1056, %mul3A_4, %dma_wait3A_1064] : memref<50x4096x128xf32, #tpu.memory_space<hbm>> -> memref<1x64x128xf32, #tpu.memory_space<hbm>>
    %dma_wait3A_1066 = tpu.memref_squeeze %dma_wait3A_1065 : memref<1x64x128xf32, #tpu.memory_space<hbm>> -> memref<64x128xf32, #tpu.memory_space<hbm>>
    %dma_wait3A_1067 = arith.constant 0 : i32
    %dma_wait3A_1068 = arith.constant 0 : i32
    %dma_wait3A_1069 = tpu.memref_slice %arg6[%dma_wait3A_1055, %dma_wait3A_1067, %dma_wait3A_1068] : memref<10x64x128xf32, #tpu.memory_space<vmem>> -> memref<1x64x128xf32, #tpu.memory_space<vmem>>
    %dma_wait3A_1070 = tpu.memref_squeeze %dma_wait3A_1069 : memref<1x64x128xf32, #tpu.memory_space<vmem>> -> memref<64x128xf32, #tpu.memory_space<vmem>>
    tpu.wait_dma2 semaphore(%arg20 : memref<!tpu.dma_semaphore, #tpu.memory_space<semaphore_mem>>) src(%dma_wait3A_1070 : memref<64x128xf32, #tpu.memory_space<vmem>>) dst(%dma_wait3A_1066 : memref<64x128xf32, #tpu.memory_space<hbm>>)
    %dma_wait3A_1071 = arith.constant 4 : i32
    %dma_wait3A_1072 = arith.constant 0 : i32
    %dma_wait3A_1073 = arith.constant 0 : i32
    %dma_wait3A_1074 = arith.constant 0 : i32
    %dma_wait3A_1075 = tpu.memref_slice %arg6[%dma_wait3A_1071, %dma_wait3A_1073, %dma_wait3A_1074] : memref<10x64x128xf32, #tpu.memory_space<vmem>> -> memref<1x64x128xf32, #tpu.memory_space<vmem>>
    %dma_wait3A_1076 = tpu.memref_squeeze %dma_wait3A_1075 : memref<1x64x128xf32, #tpu.memory_space<vmem>> -> memref<64x128xf32, #tpu.memory_space<vmem>>
    %dma_wait3A_1077 = arith.constant 0 : i32
    %dma_wait3A_1078 = tpu.memref_slice %arg4[%dma_wait3A_1072, %mul3A_4, %dma_wait3A_1077] : memref<50x4096x128xf32, #tpu.memory_space<hbm>> -> memref<1x64x128xf32, #tpu.memory_space<hbm>>
    %dma_wait3A_1079 = tpu.memref_squeeze %dma_wait3A_1078 : memref<1x64x128xf32, #tpu.memory_space<hbm>> -> memref<64x128xf32, #tpu.memory_space<hbm>>
    %dma_wait3A_1080 = arith.constant 0 : i32
    %dma_wait3A_1081 = tpu.memref_slice %arg4[%dma_wait3A_1072, %mul3A_4, %dma_wait3A_1080] : memref<50x4096x128xf32, #tpu.memory_space<hbm>> -> memref<1x64x128xf32, #tpu.memory_space<hbm>>
    %dma_wait3A_1082 = tpu.memref_squeeze %dma_wait3A_1081 : memref<1x64x128xf32, #tpu.memory_space<hbm>> -> memref<64x128xf32, #tpu.memory_space<hbm>>
    %dma_wait3A_1083 = arith.constant 0 : i32
    %dma_wait3A_1084 = arith.constant 0 : i32
    %dma_wait3A_1085 = tpu.memref_slice %arg6[%dma_wait3A_1071, %dma_wait3A_1083, %dma_wait3A_1084] : memref<10x64x128xf32, #tpu.memory_space<vmem>> -> memref<1x64x128xf32, #tpu.memory_space<vmem>>
    %dma_wait3A_1086 = tpu.memref_squeeze %dma_wait3A_1085 : memref<1x64x128xf32, #tpu.memory_space<vmem>> -> memref<64x128xf32, #tpu.memory_space<vmem>>
    tpu.wait_dma2 semaphore(%arg21 : memref<!tpu.dma_semaphore, #tpu.memory_space<semaphore_mem>>) src(%dma_wait3A_1086 : memref<64x128xf32, #tpu.memory_space<vmem>>) dst(%dma_wait3A_1082 : memref<64x128xf32, #tpu.memory_space<hbm>>)
    %dma_wait3A_1087 = arith.constant 5 : i32
    %dma_wait3A_1088 = arith.constant 0 : i32
    %dma_wait3A_1089 = arith.constant 0 : i32
    %dma_wait3A_1090 = arith.constant 0 : i32
    %dma_wait3A_1091 = tpu.memref_slice %arg6[%dma_wait3A_1087, %dma_wait3A_1089, %dma_wait3A_1090] : memref<10x64x128xf32, #tpu.memory_space<vmem>> -> memref<1x64x128xf32, #tpu.memory_space<vmem>>
    %dma_wait3A_1092 = tpu.memref_squeeze %dma_wait3A_1091 : memref<1x64x128xf32, #tpu.memory_space<vmem>> -> memref<64x128xf32, #tpu.memory_space<vmem>>
    %dma_wait3A_1093 = arith.constant 0 : i32
    %dma_wait3A_1094 = tpu.memref_slice %arg4[%dma_wait3A_1088, %mul3A_4, %dma_wait3A_1093] : memref<50x4096x128xf32, #tpu.memory_space<hbm>> -> memref<1x64x128xf32, #tpu.memory_space<hbm>>
    %dma_wait3A_1095 = tpu.memref_squeeze %dma_wait3A_1094 : memref<1x64x128xf32, #tpu.memory_space<hbm>> -> memref<64x128xf32, #tpu.memory_space<hbm>>
    %dma_wait3A_1096 = arith.constant 0 : i32
    %dma_wait3A_1097 = tpu.memref_slice %arg4[%dma_wait3A_1088, %mul3A_4, %dma_wait3A_1096] : memref<50x4096x128xf32, #tpu.memory_space<hbm>> -> memref<1x64x128xf32, #tpu.memory_space<hbm>>
    %dma_wait3A_1098 = tpu.memref_squeeze %dma_wait3A_1097 : memref<1x64x128xf32, #tpu.memory_space<hbm>> -> memref<64x128xf32, #tpu.memory_space<hbm>>
    %dma_wait3A_1099 = arith.constant 0 : i32
    %dma_wait3A_1100 = arith.constant 0 : i32
    %dma_wait3A_1101 = tpu.memref_slice %arg6[%dma_wait3A_1087, %dma_wait3A_1099, %dma_wait3A_1100] : memref<10x64x128xf32, #tpu.memory_space<vmem>> -> memref<1x64x128xf32, #tpu.memory_space<vmem>>
    %dma_wait3A_1102 = tpu.memref_squeeze %dma_wait3A_1101 : memref<1x64x128xf32, #tpu.memory_space<vmem>> -> memref<64x128xf32, #tpu.memory_space<vmem>>
    tpu.wait_dma2 semaphore(%arg22 : memref<!tpu.dma_semaphore, #tpu.memory_space<semaphore_mem>>) src(%dma_wait3A_1102 : memref<64x128xf32, #tpu.memory_space<vmem>>) dst(%dma_wait3A_1098 : memref<64x128xf32, #tpu.memory_space<hbm>>)
    %dma_wait3A_1103 = arith.constant 6 : i32
    %dma_wait3A_1104 = arith.constant 0 : i32
    %dma_wait3A_1105 = arith.constant 0 : i32
    %dma_wait3A_1106 = arith.constant 0 : i32
    %dma_wait3A_1107 = tpu.memref_slice %arg6[%dma_wait3A_1103, %dma_wait3A_1105, %dma_wait3A_1106] : memref<10x64x128xf32, #tpu.memory_space<vmem>> -> memref<1x64x128xf32, #tpu.memory_space<vmem>>
    %dma_wait3A_1108 = tpu.memref_squeeze %dma_wait3A_1107 : memref<1x64x128xf32, #tpu.memory_space<vmem>> -> memref<64x128xf32, #tpu.memory_space<vmem>>
    %dma_wait3A_1109 = arith.constant 0 : i32
    %dma_wait3A_1110 = tpu.memref_slice %arg4[%dma_wait3A_1104, %mul3A_4, %dma_wait3A_1109] : memref<50x4096x128xf32, #tpu.memory_space<hbm>> -> memref<1x64x128xf32, #tpu.memory_space<hbm>>
    %dma_wait3A_1111 = tpu.memref_squeeze %dma_wait3A_1110 : memref<1x64x128xf32, #tpu.memory_space<hbm>> -> memref<64x128xf32, #tpu.memory_space<hbm>>
    %dma_wait3A_1112 = arith.constant 0 : i32
    %dma_wait3A_1113 = tpu.memref_slice %arg4[%dma_wait3A_1104, %mul3A_4, %dma_wait3A_1112] : memref<50x4096x128xf32, #tpu.memory_space<hbm>> -> memref<1x64x128xf32, #tpu.memory_space<hbm>>
    %dma_wait3A_1114 = tpu.memref_squeeze %dma_wait3A_1113 : memref<1x64x128xf32, #tpu.memory_space<hbm>> -> memref<64x128xf32, #tpu.memory_space<hbm>>
    %dma_wait3A_1115 = arith.constant 0 : i32
    %dma_wait3A_1116 = arith.constant 0 : i32
    %dma_wait3A_1117 = tpu.memref_slice %arg6[%dma_wait3A_1103, %dma_wait3A_1115, %dma_wait3A_1116] : memref<10x64x128xf32, #tpu.memory_space<vmem>> -> memref<1x64x128xf32, #tpu.memory_space<vmem>>
    %dma_wait3A_1118 = tpu.memref_squeeze %dma_wait3A_1117 : memref<1x64x128xf32, #tpu.memory_space<vmem>> -> memref<64x128xf32, #tpu.memory_space<vmem>>
    tpu.wait_dma2 semaphore(%arg23 : memref<!tpu.dma_semaphore, #tpu.memory_space<semaphore_mem>>) src(%dma_wait3A_1118 : memref<64x128xf32, #tpu.memory_space<vmem>>) dst(%dma_wait3A_1114 : memref<64x128xf32, #tpu.memory_space<hbm>>)
    %dma_wait3A_1119 = arith.constant 7 : i32
    %dma_wait3A_1120 = arith.constant 0 : i32
    %dma_wait3A_1121 = arith.constant 0 : i32
    %dma_wait3A_1122 = arith.constant 0 : i32
    %dma_wait3A_1123 = tpu.memref_slice %arg6[%dma_wait3A_1119, %dma_wait3A_1121, %dma_wait3A_1122] : memref<10x64x128xf32, #tpu.memory_space<vmem>> -> memref<1x64x128xf32, #tpu.memory_space<vmem>>
    %dma_wait3A_1124 = tpu.memref_squeeze %dma_wait3A_1123 : memref<1x64x128xf32, #tpu.memory_space<vmem>> -> memref<64x128xf32, #tpu.memory_space<vmem>>
    %dma_wait3A_1125 = arith.constant 0 : i32
    %dma_wait3A_1126 = tpu.memref_slice %arg4[%dma_wait3A_1120, %mul3A_4, %dma_wait3A_1125] : memref<50x4096x128xf32, #tpu.memory_space<hbm>> -> memref<1x64x128xf32, #tpu.memory_space<hbm>>
    %dma_wait3A_1127 = tpu.memref_squeeze %dma_wait3A_1126 : memref<1x64x128xf32, #tpu.memory_space<hbm>> -> memref<64x128xf32, #tpu.memory_space<hbm>>
    %dma_wait3A_1128 = arith.constant 0 : i32
    %dma_wait3A_1129 = tpu.memref_slice %arg4[%dma_wait3A_1120, %mul3A_4, %dma_wait3A_1128] : memref<50x4096x128xf32, #tpu.memory_space<hbm>> -> memref<1x64x128xf32, #tpu.memory_space<hbm>>
    %dma_wait3A_1130 = tpu.memref_squeeze %dma_wait3A_1129 : memref<1x64x128xf32, #tpu.memory_space<hbm>> -> memref<64x128xf32, #tpu.memory_space<hbm>>
    %dma_wait3A_1131 = arith.constant 0 : i32
    %dma_wait3A_1132 = arith.constant 0 : i32
    %dma_wait3A_1133 = tpu.memref_slice %arg6[%dma_wait3A_1119, %dma_wait3A_1131, %dma_wait3A_1132] : memref<10x64x128xf32, #tpu.memory_space<vmem>> -> memref<1x64x128xf32, #tpu.memory_space<vmem>>
    %dma_wait3A_1134 = tpu.memref_squeeze %dma_wait3A_1133 : memref<1x64x128xf32, #tpu.memory_space<vmem>> -> memref<64x128xf32, #tpu.memory_space<vmem>>
    tpu.wait_dma2 semaphore(%arg24 : memref<!tpu.dma_semaphore, #tpu.memory_space<semaphore_mem>>) src(%dma_wait3A_1134 : memref<64x128xf32, #tpu.memory_space<vmem>>) dst(%dma_wait3A_1130 : memref<64x128xf32, #tpu.memory_space<hbm>>)
    %dma_wait3A_1135 = arith.constant 8 : i32
    %dma_wait3A_1136 = arith.constant 0 : i32
    %dma_wait3A_1137 = arith.constant 0 : i32
    %dma_wait3A_1138 = arith.constant 0 : i32
    %dma_wait3A_1139 = tpu.memref_slice %arg6[%dma_wait3A_1135, %dma_wait3A_1137, %dma_wait3A_1138] : memref<10x64x128xf32, #tpu.memory_space<vmem>> -> memref<1x64x128xf32, #tpu.memory_space<vmem>>
    %dma_wait3A_1140 = tpu.memref_squeeze %dma_wait3A_1139 : memref<1x64x128xf32, #tpu.memory_space<vmem>> -> memref<64x128xf32, #tpu.memory_space<vmem>>
    %dma_wait3A_1141 = arith.constant 0 : i32
    %dma_wait3A_1142 = tpu.memref_slice %arg4[%dma_wait3A_1136, %mul3A_4, %dma_wait3A_1141] : memref<50x4096x128xf32, #tpu.memory_space<hbm>> -> memref<1x64x128xf32, #tpu.memory_space<hbm>>
    %dma_wait3A_1143 = tpu.memref_squeeze %dma_wait3A_1142 : memref<1x64x128xf32, #tpu.memory_space<hbm>> -> memref<64x128xf32, #tpu.memory_space<hbm>>
    %dma_wait3A_1144 = arith.constant 0 : i32
    %dma_wait3A_1145 = tpu.memref_slice %arg4[%dma_wait3A_1136, %mul3A_4, %dma_wait3A_1144] : memref<50x4096x128xf32, #tpu.memory_space<hbm>> -> memref<1x64x128xf32, #tpu.memory_space<hbm>>
    %dma_wait3A_1146 = tpu.memref_squeeze %dma_wait3A_1145 : memref<1x64x128xf32, #tpu.memory_space<hbm>> -> memref<64x128xf32, #tpu.memory_space<hbm>>
    %dma_wait3A_1147 = arith.constant 0 : i32
    %dma_wait3A_1148 = arith.constant 0 : i32
    %dma_wait3A_1149 = tpu.memref_slice %arg6[%dma_wait3A_1135, %dma_wait3A_1147, %dma_wait3A_1148] : memref<10x64x128xf32, #tpu.memory_space<vmem>> -> memref<1x64x128xf32, #tpu.memory_space<vmem>>
    %dma_wait3A_1150 = tpu.memref_squeeze %dma_wait3A_1149 : memref<1x64x128xf32, #tpu.memory_space<vmem>> -> memref<64x128xf32, #tpu.memory_space<vmem>>
    tpu.wait_dma2 semaphore(%arg25 : memref<!tpu.dma_semaphore, #tpu.memory_space<semaphore_mem>>) src(%dma_wait3A_1150 : memref<64x128xf32, #tpu.memory_space<vmem>>) dst(%dma_wait3A_1146 : memref<64x128xf32, #tpu.memory_space<hbm>>)
    %dma_wait3A_1151 = arith.constant 9 : i32
    %dma_wait3A_1152 = arith.constant 0 : i32
    %dma_wait3A_1153 = arith.constant 0 : i32
    %dma_wait3A_1154 = arith.constant 0 : i32
    %dma_wait3A_1155 = tpu.memref_slice %arg6[%dma_wait3A_1151, %dma_wait3A_1153, %dma_wait3A_1154] : memref<10x64x128xf32, #tpu.memory_space<vmem>> -> memref<1x64x128xf32, #tpu.memory_space<vmem>>
    %dma_wait3A_1156 = tpu.memref_squeeze %dma_wait3A_1155 : memref<1x64x128xf32, #tpu.memory_space<vmem>> -> memref<64x128xf32, #tpu.memory_space<vmem>>
    %dma_wait3A_1157 = arith.constant 0 : i32
    %dma_wait3A_1158 = tpu.memref_slice %arg4[%dma_wait3A_1152, %mul3A_4, %dma_wait3A_1157] : memref<50x4096x128xf32, #tpu.memory_space<hbm>> -> memref<1x64x128xf32, #tpu.memory_space<hbm>>
    %dma_wait3A_1159 = tpu.memref_squeeze %dma_wait3A_1158 : memref<1x64x128xf32, #tpu.memory_space<hbm>> -> memref<64x128xf32, #tpu.memory_space<hbm>>
    %dma_wait3A_1160 = arith.constant 0 : i32
    %dma_wait3A_1161 = tpu.memref_slice %arg4[%dma_wait3A_1152, %mul3A_4, %dma_wait3A_1160] : memref<50x4096x128xf32, #tpu.memory_space<hbm>> -> memref<1x64x128xf32, #tpu.memory_space<hbm>>
    %dma_wait3A_1162 = tpu.memref_squeeze %dma_wait3A_1161 : memref<1x64x128xf32, #tpu.memory_space<hbm>> -> memref<64x128xf32, #tpu.memory_space<hbm>>
    %dma_wait3A_1163 = arith.constant 0 : i32
    %dma_wait3A_1164 = arith.constant 0 : i32
    %dma_wait3A_1165 = tpu.memref_slice %arg6[%dma_wait3A_1151, %dma_wait3A_1163, %dma_wait3A_1164] : memref<10x64x128xf32, #tpu.memory_space<vmem>> -> memref<1x64x128xf32, #tpu.memory_space<vmem>>
    %dma_wait3A_1166 = tpu.memref_squeeze %dma_wait3A_1165 : memref<1x64x128xf32, #tpu.memory_space<vmem>> -> memref<64x128xf32, #tpu.memory_space<vmem>>
    tpu.wait_dma2 semaphore(%arg26 : memref<!tpu.dma_semaphore, #tpu.memory_space<semaphore_mem>>) src(%dma_wait3A_1166 : memref<64x128xf32, #tpu.memory_space<vmem>>) dst(%dma_wait3A_1162 : memref<64x128xf32, #tpu.memory_space<hbm>>)
    return
  }
}

</mosaic_0001>

<sc_bundles>
// kernel: kernel.3.cloned.1.call-start
scs
__scs_entry_jumppad:
0x0: {  	(pc) =	sbr.rel $0x88, $3  }
0x1: {  	(tag) =	ssettag $0x0;
	lr =	simm.s32 $0x1  }
0x2: {  	[smem:$0x3F9F] =	sst lr;
	_ =	strace $0xD0000000  }
0x3: {  	_ = 	snop  }
0x4: {  	_ = 	snop  }
0x5: {  	_ = 	snop  }
0x6: {  	_ = 	snop  }
0x7: {  	_ = 	snop  }
__scs_overlays_trampoline_lowered:
0x8: {  	[smem:$0x3FAE] =	sst s0  }
0x9: {  	[smem:$0x3FAF] =	sst s1  }
0xa: {  	[smem:$0x3FB0] =	sst s2  }
0xb: {  	[smem:$0x3FB1] =	sst s3  }
0xc: {  	[smem:$0x3FB2] =	sst s4  }
0xd: {  	[smem:$0x3FB3] =	sst s5  }
0xe: {  	[smem:$0x3FB4] =	sst s6  }
0xf: {  	[smem:$0x3FB5] =	sst s7  }
0x10: {  	[smem:$0x3FB6] =	sst s8  }
0x11: {  	[smem:$0x3FB7] =	sst s9;
	s0 =	simm.s32 @!p0 $0x0  }
0x12: {  	s1 =	sld [smem:$0x3F9D];
	s0 =	simm.s32 @p0 $0x1  }
0x13: {  	[smem:$0x3FB8] =	sst s0;
	s0 =	simm.s32 @!p1 $0x0  }
0x14: {  	s2 =	sld [smem:$0x3F9C];
	s0 =	simm.s32 @p1 $0x1  }
0x15: {  	[smem:$0x3FB9] =	sst s0;
	s0 =	simm.s32 @!p2 $0x0  }
0x16: {  	s3 =	sld [smem:$0x3FDB];
	s0 =	simm.s32 @p2 $0x1  }
0x17: {  	s4 =	simm.s32 $0x1BF5;
	[smem:$0x3FBB] =	sst s0  }
0x18: {  	s0 =	sld [smem:$0x3F9E];
	_ =	swait.ge [sflag:s4], $0x0  }
0x19: {  	s7 =	sld [smem:$0x3F9F]  }
0x1a: {  	s8 =	sadd.s32 $0xFFFFE003, lr  }
0x1b: {  	s9 =	sadd.s32 $0xFFFFFEF7, lr;
	s5 =	simm.s32 $0xFFFFFFFF;
	p2 =	slt.u32 s8, $0xFFFFF086  }
0x1c: {  	p1 =	slt.u32 s9, $0xF7A;
	s5 =	simm.s32 @!p2 $0x0  }
0x1d: {  	s5 =	simm.s32 @p1 $0x1;
	p0 =	seq.s32 s7, s2  }
0x1e: {  	s7 =	smul.u32 @!p0 $0xF7A, s2;
	p2 =	seq.s32 @!p0 s5, $0x0  }
0x1f: {  	s9 =	smul.u32 $0xF7A, s1;
	s8 =	simm.s32 @!p0 $0x1BF5;
	p2 =	por !p2, p0  }
0x20: {  	[sflag:s8] =	ssyncset.s32 @!p0 $0xFFFFF086;
	s6 =	sadd.s32 @!p0 s3, s7;
	s7 =	simm.s32 @!p0 $0x108  }
0x21: {  	s3 =	sadd.s32 s3, s9;
	s6 =	sadd.s32 @!p0 $0x88, s6;
	s7 =	simm.s32 @p2 $0x1082  }
0x22: {  	[simem:s7], [sflag:s8] =	dma.local @!p0 [hbm:s6], $0xF7A  }
0x23: {  	s9 =	sor.u32 $0xD0000000, s2;
	s6 =	simm.s32 $0x108;
	_ =	swait.ge @!p0 [sflag:s8], $0x0  }
0x24: {  	s3 =	sadd.s32 $0x88, s3;
	s6 =	simm.s32 @!p1 $0x1082;
	[sflag:s4] =	ssyncset.s32 $0xFFFFF086  }
0x25: {  	[simem:s6], [sflag:s4] =	dma.local [hbm:s3], $0xF7A  }
0x26: {  	[smem:$0x3F9F] =	sst s1;
	(tag) =	ssettag s2;
	_ =	strace s9  }
0x27: {  	s1 =	sld [smem:$0x3FAF]  }
0x28: {  	s2 =	sld [smem:$0x3FB0]  }
0x29: {  	s4 =	sld [smem:$0x3FB2]  }
0x2a: {  	p0 =	seq.s32 s5, $0x0;
	s5 =	sld [smem:$0x3FB3]  }
0x2b: {  	s6 =	sld [smem:$0x3FB4]  }
0x2c: {  	s7 =	sld [smem:$0x3FB5]  }
0x2d: {  	s3 =	simm.s32 $0x108;
	s8 =	sld [smem:$0x3FB6]  }
0x2e: {  	s3 =	simm.s32 @!p0 $0x1082;
	s9 =	sld [smem:$0x3FB7]  }
0x2f: {  	lr =	sadd.s32 s0, s3;
	s0 =	sld [smem:$0x3FAE]  }
0x30: {  	s3 =	sld [smem:$0x3FB1]  }
0x31: {  	[smem:$0x3FBA] =	sst s10  }
0x32: {  	s10 =	sld [smem:$0x3FB8];
	_ =	sdelay $0x3  }
0x33: {  	p0 =	seq.s32 s10, $0x1;
	s10 =	sld [smem:$0x3FBA];
	_ =	sdelay $0x3  }
0x34: {  	[smem:$0x3FBA] =	sst s10  }
0x35: {  	s10 =	sld [smem:$0x3FB9];
	_ =	sdelay $0x3  }
0x36: {  	p1 =	seq.s32 s10, $0x1;
	s10 =	sld [smem:$0x3FBA];
	_ =	sdelay $0x3  }
0x37: {  	[smem:$0x3FBA] =	sst s10  }
0x38: {  	s10 =	sld [smem:$0x3FBB]  }
0x39: {  	_ = 	snop;
	(pc) =	sbr.ind lr, $3  }
0x3a: {  	_ = 	snop  }
0x3b: {  	_ = 	snop  }
0x3c: {  	p2 =	seq.s32 s10, $0x1;
	s10 =	sld [smem:$0x3FBA]  }
0x3d: {  	_ =	shalt  }
0x3e: {  	_ =	shalt  }
0x3f: {  	_ =	shalt  }
0x40: {  	_ =	shalt  }
0x41: {  	_ =	shalt  }
0x42: {  	_ =	shalt  }
0x43: {  	_ =	shalt  }
0x44: {  	_ =	shalt  }
0x45: {  	_ =	shalt  }
0x46: {  	_ =	shalt  }
0x47: {  	_ =	shalt  }
0x48: {  	_ =	shalt  }
0x49: {  	_ =	shalt  }
0x4a: {  	_ =	shalt  }
0x4b: {  	_ =	shalt  }
0x4c: {  	_ =	shalt  }
0x4d: {  	_ =	shalt  }
0x4e: {  	_ =	shalt  }
0x4f: {  	_ =	shalt  }
0x50: {  	_ =	shalt  }
0x51: {  	_ =	shalt  }
0x52: {  	_ =	shalt  }
0x53: {  	_ =	shalt  }
0x54: {  	_ =	shalt  }
0x55: {  	_ =	shalt  }
0x56: {  	_ =	shalt  }
0x57: {  	_ =	shalt  }
0x58: {  	_ =	shalt  }
0x59: {  	_ =	shalt  }
0x5a: {  	_ =	shalt  }
0x5b: {  	_ =	shalt  }
0x5c: {  	_ =	shalt  }
0x5d: {  	_ =	shalt  }
0x5e: {  	_ =	shalt  }
0x5f: {  	_ =	shalt  }
0x60: {  	_ =	shalt  }
0x61: {  	_ =	shalt  }
0x62: {  	_ =	shalt  }
0x63: {  	_ =	shalt  }
0x64: {  	_ =	shalt  }
0x65: {  	_ =	shalt  }
0x66: {  	_ =	shalt  }
0x67: {  	_ =	shalt  }
0x68: {  	_ =	shalt  }
0x69: {  	_ =	shalt  }
0x6a: {  	_ =	shalt  }
0x6b: {  	_ =	shalt  }
0x6c: {  	_ =	shalt  }
0x6d: {  	_ =	shalt  }
0x6e: {  	_ =	shalt  }
0x6f: {  	_ =	shalt  }
0x70: {  	_ =	shalt  }
0x71: {  	_ =	shalt  }
0x72: {  	_ =	shalt  }
0x73: {  	_ =	shalt  }
0x74: {  	_ =	shalt  }
0x75: {  	_ =	shalt  }
0x76: {  	_ =	shalt  }
0x77: {  	_ =	shalt  }
0x78: {  	_ =	shalt  }
0x79: {  	_ =	shalt  }
0x7a: {  	_ =	shalt  }
0x7b: {  	_ =	shalt  }
0x7c: {  	_ =	shalt  }
0x7d: {  	_ =	shalt  }
0x7e: {  	_ =	shalt  }
0x7f: {  	_ =	shalt  }
0x80: {  	_ =	shalt  }
0x81: {  	_ =	shalt  }
0x82: {  	_ =	shalt  }
0x83: {  	_ =	shalt  }
0x84: {  	_ =	shalt  }
0x85: {  	_ =	shalt  }
0x86: {  	_ =	shalt  }
0x87: {  	_ =	shalt  }
.Lfunc_end0:
.L_simem_size_0:
called_computation_lowered:
.L_overlay_start_0:
0x88: {  	s2 =	sld [smem:$0x3FD9]  }
0x89: {  	s3 =	sld [smem:$0x3FFE];
	_ =	sdelay $0x1  }
0x8a: {  	s1 =	srdreg.scid  }
0x8b: {  	s0 =	sand.u32 $0x1, s1  }
0x8c: {  	s18 =	sshll.u32 s0, $0xA;
	s2 =	sadd.s32 s3, s2  }
0x8d: {  	s2 =	sadd.s32 s2, s18  }
0x8e: {  	[smem:$0x3FC6] =	sst s2  }
0x8f: {  	_ = 	snop  }
0x90: {  	s2 =	sld [smem:$0x3FC9]  }
0x91: {  	s19 =	sld [smem:$0x3FC8]  }
0x92: {  	s4 =	sld [smem:$0x3FD0];
	(tm) =	ssettm $0x1  }
0x93: {  	s5 =	sld [smem:$0x3FFB];
	_ =	sdelay $0x3  }
0x94: {  	_ =	strace s5  }
0x95: {  	s5 =	sld [smem:$0x3FFC];
	_ =	sdelay $0x3  }
0x96: {  	_ =	strace s5  }
0x97: {  	s5 =	sld [smem:$0x3FFD];
	_ =	sdelay $0x3  }
0x98: {  	_ =	strace s5  }
0x99: {  	_ =	strace $0x8FFFFFFF  }
0x9a: {  	s20 =	sld [smem:$0x3FDB];
	_ =	sdelay $0x1  }
0x9b: {  	s6 =	simm.s32 $_scs_section_size  }
0x9c: {  	s7 =	simm.s32 $_size__tile_overlayer_lowered;
	s8 =	simm.s32 $_tile_overlayer_lowered  }
0x9d: {  	s23 =	simm.s32 $0x1BFF;
	s22 =	sshll.u32 s8, $0x1;
	s5 =	sadd.s32 s6, s20  }
0x9e: {  	s9 =	simm.s32 $0x0;
	s21 =	sshll.u32 s7, $0x1;
	s7 =	sadd.s32 s22, s5  }
0x9f: {  	[timem:s9], [sflag:s23] =	dma.local [hbm:s7], s21  }
0xa0: {  	_ =	swait.ge [sflag:s23], s21  }
0xa1: {  	s6 =	ssub.s32 $0x0, s21;
	[sflag:s23] =	ssyncset.done $0x0  }
0xa2: {  	[sflag:s23] =	ssyncadd.s32 s6;
	_ =	sdelay $0x1  }
0xa3: {  	s24 =	simm.s32 $0x1B8B  }
0xa4: {  	_ =	swait.ge [sflag:s24], $0x1  }
0xa5: {  	[sflag:s24] =	ssyncset.done $0x0  }
0xa6: {  	s25 =	simm.s32 $0x1B8E;
	[sflag:s24] =	ssyncadd.s32 $0xFFFFFFFF  }
0xa7: {  	s26 =	simm.s32 $execute0_lowered;
	[smem:$0x3FD2] =	sst s25  }
0xa8: {  	s6 =	sshll.u32 s26, $0x1;
	_ =	strace $0x80000046;
	[dreg:$0x1] =	wrdreg $0xFFFFFFFF  }
0xa9: {  	s28 =	simm.s32 $_size_execute0_lowered;
	s5 =	sadd.s32 s5, s6;
	[dreg:$0x0] =	wrdreg $0x0  }
0xaa: {  	s6 =	sshll.u32 s28, $0x1;
	[dreg:$0x2] =	wrdreg s5  }
0xab: {  	[dreg:$0x3] =	wrdreg s6  }
0xac: {  	[dreg:$0x4] =	wrdreg $0xC0  }
0xad: {  	_ =	task [dreg:s9], $0x5FFFF  }
0xae: {  	[dreg:$0x1] =	wrdreg $0xFFFFFFFF  }
0xaf: {  	[dreg:$0x0] =	wrdreg $0x60  }
0xb0: {  	[dreg:$0x2] =	wrdreg s19  }
0xb1: {  	[dreg:$0x3] =	wrdreg s2  }
0xb2: {  	[dreg:$0x4] =	wrdreg s4  }
0xb3: {  	[dreg:$0x5] =	wrdreg $0x9  }
0xb4: {  	_ =	task.clear_ibuf [dreg:s9], $0x6FFFF;
	_ =	strace $0x90000046  }
0xb5: {  	s29 =	simm.s32 $0x9;
	_ =	strace $0x80000048  }
0xb6: {  	_ =	swait.ge [sflag:s29], $0x1  }
0xb7: {  	[sflag:s29] =	ssyncadd.s32 $0xFFFFFFFF  }
0xb8: {  	_ =	strace $0x90000048  }
0xb9: {  	_ =	sfence  }
0xba: {  	s30 =	sld [smem:$0x0];
	_ =	sdelay $0x2  }
0xbb: {  	s31 =	sshll.u32 s1, $0xD;
	s1 =	sshrl.u32 s1, $0x2  }
0xbc: {  	s3 =	sand.u32 $0x4000, s31;
	s1 =	sadd.s32 s1, s30  }
0xbd: {  	s0 =	sor.u32 s3, s0;
	s1 =	sshll.u32 s1, $0x11  }
0xbe: {  	s0 =	sor.u32 s1, s0  }
0xbf: {  	s0 =	sadd.s32 $0x8F2B, s0  }
0xc0: {  	[sflag:s0] =	ssyncadd.remote.s32 $0x1  }
0xc1: {  	_ =	sfence.sel $0xFFFF  }
0xc2: {  	[dreg:$0x0] =	wrdreg $0xFFFFFFFF;
	(pc) =	sbr.abs _section_cstart, $3  }
0xc3: {  	[dreg:$0x1] =	wrdreg $0xFFFFFFFF  }
0xc4: {  	_ =	task.clear_ibuf [dreg:s9], $0x2FFFF;
	_ =	strace $0x9FFFFFFF  }
0xc5: {  	(tm) =	ssettm $0x7FFFFFFF  }
tec
execute0_lowered:
.L_overlay_start_1:
0x0: {  	(tag) =	ssettag $0x1  }
0x1: {  	s1 =	rddreg [dreg:$0x0]  }
0x2: {  	s0 =	rddreg [dreg:$0x1];
	s2 =	srdreg.scid  }
0x3: {  	s10 =	rddreg [dreg:$0x2];
	s8 =	stileid.u32;
	s2 =	sand.u32 $0x1, s2  }
0x4: {  	s4 =	simm.s32 $0x0;
	s3 =	sshll.u32 s8, $0x8;
	s5 =	sshll.u32 s2, $0x7  }
0x5: {  	[smem:$0x7FF] =	sst s4;
	s6 =	ssub.s32 $0x2, s2;
	s3 =	sor.u32 s5, s3  }
0x6: {  	_ =	strace $0x80000047;
	s26 =	sshrl.u32 s6, $0x1;
	s0 =	sadd.s32 s0, s3  }
0x7: {  	s7 =	sshll.u32 s3, $0x4;
	[dreg:$0xd] =	wrdreg s0;
	s0 =	sadd.s32 $0x1000, s0  }
0x8: {  	s5 =	ssub.s32 s6, s26;
	s6 =	sadd.s32 s10, s7;
	[dreg:$0xf] =	wrdreg s0  }
0x9: {  	s3 =	sadd.s32 $0x400, s6;
	[dreg:$0xe] =	wrdreg s6  }
0xa: {  	s7 =	sadd.s32 $0x10000, s6;
	[dreg:$0x10] =	wrdreg s3  }
0xb: {  	s9 =	sadd.s32 $0x10400, s6;
	[dreg:$0x11] =	wrdreg s7  }
0xc: {  	s11 =	sadd.s32 $0x20000, s6;
	[dreg:$0x12] =	wrdreg s9  }
0xd: {  	s12 =	sadd.s32 $0x20400, s6;
	[dreg:$0x13] =	wrdreg s11  }
0xe: {  	s13 =	sadd.s32 $0x30000, s6;
	[dreg:$0x14] =	wrdreg s12  }
0xf: {  	s14 =	sadd.s32 $0x30400, s6;
	[dreg:$0x15] =	wrdreg s13  }
0x10: {  	s15 =	sadd.s32 $0x40000, s6;
	[dreg:$0x16] =	wrdreg s14  }
0x11: {  	s16 =	sadd.s32 $0x40400, s6;
	[dreg:$0x17] =	wrdreg s15  }
0x12: {  	s18 =	sadd.s32 $0x2D0000, s6;
	[dreg:$0x18] =	wrdreg s16  }
0x13: {  	s19 =	sadd.s32 $0x2D0400, s6;
	[dreg:$0x19] =	wrdreg s18  }
0x14: {  	s17 =	sshll.u32 s8, $0xF;
	s20 =	sadd.s32 $0x2E0000, s6;
	[dreg:$0x1a] =	wrdreg s19  }
0x15: {  	s2 =	sshll.u32 s2, $0xE;
	s21 =	sadd.s32 $0x2E0400, s6;
	[dreg:$0x1b] =	wrdreg s20  }
0x16: {  	s0 =	sor.u32 s2, s17;
	s23 =	sadd.s32 $0x2F0000, s6;
	[dreg:$0x1c] =	wrdreg s21  }
0x17: {  	s22 =	sor.u32 $0x400000, s0;
	[dreg:$0x1d] =	wrdreg s23;
	s24 =	sor.u32 $0x382000, s0  }
0x18: {  	s26 =	sor.u32 $0x380000, s0;
	s8 =	sor.u32 $0x302000, s0;
	s11 =	sor.u32 $0x300000, s0  }
0x19: {  	s13 =	sor.u32 $0x282000, s0;
	s15 =	sor.u32 $0x482000, s0;
	s20 =	sadd.s32 $0x2F0400, s6  }
0x1a: {  	s17 =	sor.u32 $0x480000, s0;
	s23 =	smax.u32 s5, $0x1;
	[dreg:$0x1e] =	wrdreg s20  }
0x1b: {  	s19 =	sor.u32 $0x402000, s0;
	s0 =	sor.u32 $0x280000, s0;
	[smem:$0x7F9] =	sst s23  }
0x1c: {  	s2 =	sshrl.u32 s22, $0x3;
	[smem:$0x7FA] =	sst s0  }
0x1d: {  	s25 =	sshrl.u32 s24, $0x3;
	[dreg:$0x4] =	wrdreg s2  }
0x1e: {  	s7 =	sshrl.u32 s26, $0x3;
	[dreg:$0x5] =	wrdreg s25  }
0x1f: {  	s9 =	sshrl.u32 s8, $0x3;
	[dreg:$0x6] =	wrdreg s7  }
0x20: {  	s12 =	sshrl.u32 s11, $0x3;
	[dreg:$0x7] =	wrdreg s9  }
0x21: {  	s31 =	simm.s32 $0x40;
	s14 =	sshrl.u32 s13, $0x3;
	[dreg:$0x8] =	wrdreg s12  }
0x22: {  	s28 =	simm.s32 $0xE;
	s16 =	sshrl.u32 s15, $0x3;
	[dreg:$0x9] =	wrdreg s14  }
0x23: {  	s29 =	simm.s32 $0x8;
	s18 =	sshrl.u32 s17, $0x3;
	[dreg:$0xa] =	wrdreg s16  }
0x24: {  	s30 =	simm.s32 $0x11;
	s21 =	sshrl.u32 s19, $0x3;
	[dreg:$0xb] =	wrdreg s18  }
0x25: {  	s3 =	simm.s32 $0x12;
	s22 =	sadd.s32 $0x300000, s6;
	[dreg:$0xc] =	wrdreg s21  }
0x26: {  	s5 =	simm.s32 $0x0;
	s24 =	sadd.s32 $0x300400, s6;
	[dreg:$0x1f] =	wrdreg s22  }
0x27: {  	s26 =	sadd.s32 $0x310400, s6;
	s13 =	simm.s32 $0xF;
	[smem:$0x7FB] =	sst s24  }
0x28: {  	s0 =	simm.s32 $0x13;
	s25 =	sadd.s32 $0x310000, s6;
	[smem:$0x7FD] =	sst s26  }
0x29: {  	s26 =	simm.s32 $0x7;
	s6 =	simm.s32 $0x9;
	s7 =	simm.s32 $0x10  }
0x2a: {  	s2 =	simm.s32 $0x14;
	[smem:$0x7FC] =	sst s25;
	s25 =	simm.s32 $0xA  }
.LBB2_1:
0x2b: {  	[smem:$0x7F8] =	sst s5  }
0x2c: {  	s8 =	rddreg [dreg:$0xd];
	s9 =	simm.s32 $0x15  }
0x2d: {  	[tilespmem:s4], [sflag:$0x15] =	stream.linear.gather [hbm4b:s8+s4], $0x400, $0x38;
	[tilespmem:$0x15C00] =	vst v63  }
0x2e: {  	_ =	swait.ge [sflag:s9], $0x400  }
0x2f: {  	[sflag:s9] =	ssyncset.done $0x0  }
0x30: {  	s20 =	simm.s32 $0x1C00;
	[sflag:s9] =	ssyncadd.s32 $0xFFFFFC00  }
0x31: {  	[tilespmem:s20], [sflag:$0x1] =	stream.indirect.gather [hbm4b:s1+s31], $0x80, s4, s31, $0xb8;
	[tilespmem:$0x15C00] =	vst v63  }
0x32: {  	s22 =	simm.s32 $0x3C00  }
0x33: {  	[tilespmem:s22], [sflag:$0x2] =	stream.indirect.gather [hbm4b:s1+s31], $0x80, s31, s31, $0xb8;
	[tilespmem:$0x15C00] =	vst v63  }
0x34: {  	s15 =	simm.s32 $0x80;
	s16 =	simm.s32 $0x5C00  }
0x35: {  	[tilespmem:s16], [sflag:$0x3] =	stream.indirect.gather [hbm4b:s1+s31], $0x80, s15, s31, $0xb8;
	[tilespmem:$0x15C00] =	vst v63  }
0x36: {  	s17 =	simm.s32 $0xC0;
	s18 =	simm.s32 $0x7C00  }
0x37: {  	[tilespmem:s18], [sflag:$0x4] =	stream.indirect.gather [hbm4b:s1+s31], $0x80, s17, s31, $0xb8;
	[tilespmem:$0x15C00] =	vst v63  }
0x38: {  	s19 =	simm.s32 $0x100;
	s21 =	simm.s32 $0x9C00  }
0x39: {  	[tilespmem:s21], [sflag:$0x5] =	stream.indirect.gather [hbm4b:s1+s31], $0x80, s19, s31, $0xb8;
	[tilespmem:$0x15C00] =	vst v63  }
0x3a: {  	s23 =	simm.s32 $0x140;
	s24 =	simm.s32 $0xBC00  }
0x3b: {  	[tilespmem:s24], [sflag:$0x6] =	stream.indirect.gather [hbm4b:s1+s31], $0x80, s23, s31, $0xb8;
	[tilespmem:$0x15C00] =	vst v63  }
0x3c: {  	s8 =	simm.s32 $0x180;
	s15 =	simm.s32 $0xDC00  }
0x3d: {  	[tilespmem:s15], [sflag:$0x7] =	stream.indirect.gather [hbm4b:s1+s31], $0x80, s8, s31, $0xb8;
	[tilespmem:$0x15C00] =	vst v63  }
0x3e: {  	s16 =	rddreg [dreg:$0xf];
	s17 =	simm.s32 $0x8000;
	s15 =	simm.s32 $0x400  }
0x3f: {  	[tilespmem:s15], [sflag:$0x15] =	stream.strided.gather [hbm4b:s16+s15], $0x1400, s17, s15, $0x38;
	[tilespmem:$0x15C00] =	vst v63  }
0x40: {  	s18 =	simm.s32 $0x1800;
	s8 =	sadd.s32 $0x5000, s16  }
0x41: {  	[tilespmem:s18], [sflag:$0x15] =	stream.linear.gather [hbm4b:s8+s4], $0x100, $0x38;
	[tilespmem:$0x15C00] =	vst v63  }
0x42: {  	_ =	swait.ge [sflag:s9], $0x1500  }
0x43: {  	[sflag:s9] =	ssyncset.done $0x0  }
0x44: {  	s5 =	simm.s32 $0x1;
	[sflag:s9] =	ssyncadd.s32 $0xFFFFEB00  }
0x45: {  	_ =	swait.ge [sflag:s5], $0x2000  }
0x46: {  	[sflag:s5] =	ssyncset.done $0x0  }
0x47: {  	s21 =	rddreg [dreg:$0xe];
	[sflag:s5] =	ssyncadd.s32 $0xFFFFE000  }
0x48: {  	[hbm4b:s21+s4] =	stream.linear.scatter [tilespmem:s20], [sflag:$0xB], $0x2000, $0x38;
	[tilespmem:$0x15C00] =	vst v63  }
0x49: {  	s23 =	simm.s32 $0x1C0;
	s24 =	simm.s32 $0xFC00;
	s21 =	simm.s32 $0x2  }
0x4a: {  	[tilespmem:s24], [sflag:$0x8] =	stream.indirect.gather [hbm4b:s1+s31], $0x80, s23, s31, $0xb8;
	[tilespmem:$0x15C00] =	vst v63  }
0x4b: {  	_ =	swait.ge [sflag:s21], $0x2000  }
0x4c: {  	[sflag:s21] =	ssyncset.done $0x0  }
0x4d: {  	s9 =	rddreg [dreg:$0x10];
	[sflag:s21] =	ssyncadd.s32 $0xFFFFE000  }
0x4e: {  	[hbm4b:s9+s4] =	stream.linear.scatter [tilespmem:s22], [sflag:$0xC], $0x2000, $0x38;
	[tilespmem:$0x15C00] =	vst v63  }
0x4f: {  	s15 =	simm.s32 $0x200;
	s16 =	simm.s32 $0x11C00;
	s23 =	simm.s32 $0x3  }
0x50: {  	[tilespmem:s16], [sflag:$0x9] =	stream.indirect.gather [hbm4b:s1+s31], $0x80, s15, s31, $0xb8;
	[tilespmem:$0x15C00] =	vst v63  }
0x51: {  	_ =	swait.ge [sflag:s23], $0x2000  }
0x52: {  	[sflag:s23] =	ssyncset.done $0x0  }
0x53: {  	s14 =	simm.s32 $0x5C00;
	s17 =	rddreg [dreg:$0x11];
	[sflag:s23] =	ssyncadd.s32 $0xFFFFE000  }
0x54: {  	[hbm4b:s17+s4] =	stream.linear.scatter [tilespmem:s14], [sflag:$0xD], $0x2000, $0x38;
	[tilespmem:$0x15C00] =	vst v63  }
0x55: {  	s18 =	simm.s32 $0x240;
	s24 =	simm.s32 $0x13C00  }
0x56: {  	[tilespmem:s24], [sflag:$0xA] =	stream.indirect.gather [hbm4b:s1+s31], $0x80, s18, s31, $0xb8;
	[tilespmem:$0x15C00] =	vst v63  }
0x57: {  	s24 =	simm.s32 $0x4  }
0x58: {  	_ =	swait.ge [sflag:s24], $0x2000  }
0x59: {  	s11 =	simm.s32 $0x7C00;
	[sflag:s24] =	ssyncset.done $0x0  }
0x5a: {  	s9 =	simm.s32 $0xB;
	s14 =	rddreg [dreg:$0x12];
	[sflag:s24] =	ssyncadd.s32 $0xFFFFE000  }
0x5b: {  	[hbm4b:s14+s4] =	stream.linear.scatter [tilespmem:s11], [sflag:$0xE], $0x2000, $0x38;
	[tilespmem:$0x15C00] =	vst v63  }
0x5c: {  	_ =	swait.ge [sflag:s9], $0x2000  }
0x5d: {  	[sflag:s9] =	ssyncset.done $0x0  }
0x5e: {  	s16 =	simm.s32 $0x280;
	s11 =	simm.s32 $0x5;
	[sflag:s9] =	ssyncadd.s32 $0xFFFFE000  }
0x5f: {  	[tilespmem:s20], [sflag:$0x1] =	stream.indirect.gather [hbm4b:s1+s31], $0x80, s16, s31, $0xb8;
	[tilespmem:$0x15C00] =	vst v63  }
0x60: {  	_ =	swait.ge [sflag:s11], $0x2000  }
0x61: {  	[sflag:s11] =	ssyncset.done $0x0  }
0x62: {  	s12 =	simm.s32 $0x9C00;
	s18 =	rddreg [dreg:$0x13];
	[sflag:s11] =	ssyncadd.s32 $0xFFFFE000  }
0x63: {  	[hbm4b:s18+s4] =	stream.linear.scatter [tilespmem:s12], [sflag:$0xF], $0x2000, $0x38;
	[tilespmem:$0x15C00] =	vst v63  }
0x64: {  	s12 =	simm.s32 $0xC  }
0x65: {  	_ =	swait.ge [sflag:s12], $0x2000  }
0x66: {  	[sflag:s12] =	ssyncset.done $0x0  }
0x67: {  	s14 =	simm.s32 $0x2C0;
	[sflag:s12] =	ssyncadd.s32 $0xFFFFE000  }
0x68: {  	[tilespmem:s22], [sflag:$0x2] =	stream.indirect.gather [hbm4b:s1+s31], $0x80, s14, s31, $0xb8;
	[tilespmem:$0x15C00] =	vst v63  }
0x69: {  	s14 =	simm.s32 $0x6  }
0x6a: {  	_ =	swait.ge [sflag:s14], $0x2000  }
0x6b: {  	[sflag:s14] =	ssyncset.done $0x0  }
0x6c: {  	s19 =	simm.s32 $0xBC00;
	s16 =	rddreg [dreg:$0x14];
	[sflag:s14] =	ssyncadd.s32 $0xFFFFE000  }
0x6d: {  	[hbm4b:s16+s4] =	stream.linear.scatter [tilespmem:s19], [sflag:$0x10], $0x2000, $0x38;
	[tilespmem:$0x15C00] =	vst v63  }
0x6e: {  	s16 =	simm.s32 $0xD  }
0x6f: {  	_ =	swait.ge [sflag:s16], $0x2000  }
0x70: {  	[sflag:s16] =	ssyncset.done $0x0  }
0x71: {  	s8 =	simm.s32 $0x300;
	s15 =	simm.s32 $0x5C00;
	[sflag:s16] =	ssyncadd.s32 $0xFFFFE000  }
0x72: {  	[tilespmem:s15], [sflag:$0x3] =	stream.indirect.gather [hbm4b:s1+s31], $0x80, s8, s31, $0xb8;
	[tilespmem:$0x15C00] =	vst v63  }
0x73: {  	_ =	swait.ge [sflag:s26], $0x2000  }
0x74: {  	[sflag:s26] =	ssyncset.done $0x0  }
0x75: {  	s15 =	simm.s32 $0xDC00;
	s8 =	rddreg [dreg:$0x15];
	[sflag:s26] =	ssyncadd.s32 $0xFFFFE000  }
0x76: {  	[hbm4b:s8+s4] =	stream.linear.scatter [tilespmem:s15], [sflag:$0x11], $0x2000, $0x38;
	[tilespmem:$0x15C00] =	vst v63  }
0x77: {  	_ =	swait.ge [sflag:s28], $0x2000  }
0x78: {  	[sflag:s28] =	ssyncset.done $0x0  }
0x79: {  	s17 =	simm.s32 $0x7C00;
	s8 =	simm.s32 $0x340;
	[sflag:s28] =	ssyncadd.s32 $0xFFFFE000  }
0x7a: {  	[tilespmem:s17], [sflag:$0x4] =	stream.indirect.gather [hbm4b:s1+s31], $0x80, s8, s31, $0xb8;
	[tilespmem:$0x15C00] =	vst v63  }
0x7b: {  	_ =	swait.ge [sflag:s29], $0x2000  }
0x7c: {  	[sflag:s29] =	ssyncset.done $0x0  }
0x7d: {  	s17 =	simm.s32 $0xFC00;
	s8 =	rddreg [dreg:$0x16];
	[sflag:s29] =	ssyncadd.s32 $0xFFFFE000  }
0x7e: {  	[hbm4b:s8+s4] =	stream.linear.scatter [tilespmem:s17], [sflag:$0x12], $0x2000, $0x38;
	[tilespmem:$0x15C00] =	vst v63  }
0x7f: {  	_ =	swait.ge [sflag:s13], $0x2000  }
0x80: {  	[sflag:s13] =	ssyncset.done $0x0  }
0x81: {  	s18 =	simm.s32 $0x9C00;
	s8 =	simm.s32 $0x380;
	[sflag:s13] =	ssyncadd.s32 $0xFFFFE000  }
0x82: {  	[tilespmem:s18], [sflag:$0x5] =	stream.indirect.gather [hbm4b:s1+s31], $0x80, s8, s31, $0xb8;
	[tilespmem:$0x15C00] =	vst v63  }
0x83: {  	_ =	swait.ge [sflag:s6], $0x2000  }
0x84: {  	[sflag:s6] =	ssyncset.done $0x0  }
0x85: {  	s18 =	simm.s32 $0x11C00;
	s8 =	rddreg [dreg:$0x17];
	[sflag:s6] =	ssyncadd.s32 $0xFFFFE000  }
0x86: {  	[hbm4b:s8+s4] =	stream.linear.scatter [tilespmem:s18], [sflag:$0x13], $0x2000, $0x38;
	[tilespmem:$0x15C00] =	vst v63  }
0x87: {  	_ =	swait.ge [sflag:s7], $0x2000  }
0x88: {  	[sflag:s7] =	ssyncset.done $0x0  }
0x89: {  	s18 =	simm.s32 $0x3C0;
	[sflag:s7] =	ssyncadd.s32 $0xFFFFE000  }
0x8a: {  	[tilespmem:s19], [sflag:$0x6] =	stream.indirect.gather [hbm4b:s1+s31], $0x80, s18, s31, $0xb8;
	[tilespmem:$0x15C00] =	vst v63  }
0x8b: {  	_ =	swait.ge [sflag:s25], $0x2000  }
0x8c: {  	[sflag:s25] =	ssyncset.done $0x0  }
0x8d: {  	s18 =	simm.s32 $0x13C00;
	s19 =	rddreg [dreg:$0x18];
	[sflag:s25] =	ssyncadd.s32 $0xFFFFE000  }
0x8e: {  	[hbm4b:s19+s4] =	stream.linear.scatter [tilespmem:s18], [sflag:$0x14], $0x2000, $0x38;
	[tilespmem:$0x15C00] =	vst v63  }
0x8f: {  	_ =	swait.ge [sflag:s30], $0x2000  }
0x90: {  	[sflag:s30] =	ssyncset.done $0x0  }
0x91: {  	s19 =	simm.s32 $0x400;
	[sflag:s30] =	ssyncadd.s32 $0xFFFFE000  }
0x92: {  	[tilespmem:s15], [sflag:$0x7] =	stream.indirect.gather [hbm4b:s1+s31], $0x80, s19, s31, $0xb8;
	[tilespmem:$0x15C00] =	vst v63  }
0x93: {  	_ =	swait.ge [sflag:s5], $0x2000  }
0x94: {  	s19 =	sld [smem:$0x7FA];
	_ =	sdelay $0x2  }
0x95: {  	[sflag:s5] =	ssyncset.done $0x0;
	s15 =	sshrl.u32 s19, $0x3  }
0x96: {  	[sflag:s5] =	ssyncadd.s32 $0xFFFFE000;
	s8 =	sadd.s32 s10, s15  }
0x97: {  	[hbm4b:s8+s4] =	stream.linear.scatter [tilespmem:s20], [sflag:$0xB], $0x2000, $0x38;
	[tilespmem:$0x15C00] =	vst v63  }
0x98: {  	_ =	swait.ge [sflag:s3], $0x2000  }
0x99: {  	[sflag:s3] =	ssyncset.done $0x0  }
0x9a: {  	s15 =	simm.s32 $0x440;
	[sflag:s3] =	ssyncadd.s32 $0xFFFFE000  }
0x9b: {  	[tilespmem:s17], [sflag:$0x8] =	stream.indirect.gather [hbm4b:s1+s31], $0x80, s15, s31, $0xb8;
	[tilespmem:$0x15C00] =	vst v63  }
0x9c: {  	_ =	swait.ge [sflag:s21], $0x2000  }
0x9d: {  	s5 =	rddreg [dreg:$0x9];
	[sflag:s21] =	ssyncset.done $0x0  }
0x9e: {  	[sflag:s21] =	ssyncadd.s32 $0xFFFFE000;
	s8 =	sadd.s32 s10, s5  }
0x9f: {  	[hbm4b:s8+s4] =	stream.linear.scatter [tilespmem:s22], [sflag:$0xC], $0x2000, $0x38;
	[tilespmem:$0x15C00] =	vst v63  }
0xa0: {  	_ =	swait.ge [sflag:s0], $0x2000  }
0xa1: {  	[sflag:s0] =	ssyncset.done $0x0  }
0xa2: {  	s17 =	simm.s32 $0x480;
	s21 =	simm.s32 $0x11C00;
	[sflag:s0] =	ssyncadd.s32 $0xFFFFE000  }
0xa3: {  	[tilespmem:s21], [sflag:$0x9] =	stream.indirect.gather [hbm4b:s1+s31], $0x80, s17, s31, $0xb8;
	[tilespmem:$0x15C00] =	vst v63  }
0xa4: {  	_ =	swait.ge [sflag:s23], $0x2000  }
0xa5: {  	s5 =	rddreg [dreg:$0x8];
	[sflag:s23] =	ssyncset.done $0x0  }
0xa6: {  	[sflag:s23] =	ssyncadd.s32 $0xFFFFE000;
	s8 =	sadd.s32 s10, s5;
	s23 =	simm.s32 $0x5C00  }
0xa7: {  	[hbm4b:s8+s4] =	stream.linear.scatter [tilespmem:s23], [sflag:$0xD], $0x2000, $0x38;
	[tilespmem:$0x15C00] =	vst v63  }
0xa8: {  	_ =	swait.ge [sflag:s2], $0x2000  }
0xa9: {  	[sflag:s2] =	ssyncset.done $0x0  }
0xaa: {  	s21 =	simm.s32 $0x4C0;
	[sflag:s2] =	ssyncadd.s32 $0xFFFFE000  }
0xab: {  	[tilespmem:s18], [sflag:$0xA] =	stream.indirect.gather [hbm4b:s1+s31], $0x80, s21, s31, $0xb8;
	[tilespmem:$0x15C00] =	vst v63  }
0xac: {  	_ =	swait.ge [sflag:s24], $0x2000  }
0xad: {  	s5 =	rddreg [dreg:$0x7];
	[sflag:s24] =	ssyncset.done $0x0  }
0xae: {  	s18 =	simm.s32 $0x7C00;
	[sflag:s24] =	ssyncadd.s32 $0xFFFFE000;
	s8 =	sadd.s32 s10, s5  }
0xaf: {  	[hbm4b:s8+s4] =	stream.linear.scatter [tilespmem:s18], [sflag:$0xE], $0x2000, $0x38;
	[tilespmem:$0x15C00] =	vst v63  }
0xb0: {  	_ =	swait.ge [sflag:s9], $0x2000  }
0xb1: {  	[sflag:s9] =	ssyncset.done $0x0  }
0xb2: {  	[sflag:s9] =	ssyncadd.s32 $0xFFFFE000;
	s9 =	simm.s32 $0x500  }
0xb3: {  	[tilespmem:s20], [sflag:$0x1] =	stream.indirect.gather [hbm4b:s1+s31], $0x80, s9, s31, $0xb8;
	[tilespmem:$0x15C00] =	vst v63  }
0xb4: {  	_ =	swait.ge [sflag:s11], $0x2000  }
0xb5: {  	s24 =	rddreg [dreg:$0x6];
	[sflag:s11] =	ssyncset.done $0x0  }
0xb6: {  	s5 =	simm.s32 $0x9C00;
	[sflag:s11] =	ssyncadd.s32 $0xFFFFE000;
	s8 =	sadd.s32 s10, s24  }
0xb7: {  	[hbm4b:s8+s4] =	stream.linear.scatter [tilespmem:s5], [sflag:$0xF], $0x2000, $0x38;
	[tilespmem:$0x15C00] =	vst v63  }
0xb8: {  	_ =	swait.ge [sflag:s12], $0x2000  }
0xb9: {  	[sflag:s12] =	ssyncset.done $0x0  }
0xba: {  	s20 =	simm.s32 $0x540;
	[sflag:s12] =	ssyncadd.s32 $0xFFFFE000  }
0xbb: {  	[tilespmem:s22], [sflag:$0x2] =	stream.indirect.gather [hbm4b:s1+s31], $0x80, s20, s31, $0xb8;
	[tilespmem:$0x15C00] =	vst v63  }
0xbc: {  	_ =	swait.ge [sflag:s14], $0x2000  }
0xbd: {  	s22 =	rddreg [dreg:$0x5];
	[sflag:s14] =	ssyncset.done $0x0  }
0xbe: {  	s24 =	simm.s32 $0xBC00;
	[sflag:s14] =	ssyncadd.s32 $0xFFFFE000;
	s8 =	sadd.s32 s10, s22  }
0xbf: {  	[hbm4b:s8+s4] =	stream.linear.scatter [tilespmem:s24], [sflag:$0x10], $0x2000, $0x38;
	[tilespmem:$0x15C00] =	vst v63  }
0xc0: {  	_ =	swait.ge [sflag:s16], $0x2000  }
0xc1: {  	[sflag:s16] =	ssyncset.done $0x0  }
0xc2: {  	s11 =	simm.s32 $0x580;
	[sflag:s16] =	ssyncadd.s32 $0xFFFFE000  }
0xc3: {  	[tilespmem:s23], [sflag:$0x3] =	stream.indirect.gather [hbm4b:s1+s31], $0x80, s11, s31, $0xb8;
	[tilespmem:$0x15C00] =	vst v63  }
0xc4: {  	_ =	swait.ge [sflag:s26], $0x2000  }
0xc5: {  	s12 =	rddreg [dreg:$0x4];
	[sflag:s26] =	ssyncset.done $0x0  }
0xc6: {  	s14 =	simm.s32 $0xDC00;
	[sflag:s26] =	ssyncadd.s32 $0xFFFFE000;
	s8 =	sadd.s32 s10, s12  }
0xc7: {  	[hbm4b:s8+s4] =	stream.linear.scatter [tilespmem:s14], [sflag:$0x11], $0x2000, $0x38;
	[tilespmem:$0x15C00] =	vst v63  }
0xc8: {  	_ =	swait.ge [sflag:s28], $0x2000  }
0xc9: {  	[sflag:s28] =	ssyncset.done $0x0  }
0xca: {  	s16 =	simm.s32 $0x5C0;
	[sflag:s28] =	ssyncadd.s32 $0xFFFFE000  }
0xcb: {  	[tilespmem:s18], [sflag:$0x4] =	stream.indirect.gather [hbm4b:s1+s31], $0x80, s16, s31, $0xb8;
	[tilespmem:$0x15C00] =	vst v63  }
0xcc: {  	_ =	swait.ge [sflag:s29], $0x2000  }
0xcd: {  	s18 =	rddreg [dreg:$0xc];
	[sflag:s29] =	ssyncset.done $0x0  }
0xce: {  	s15 =	simm.s32 $0xFC00;
	[sflag:s29] =	ssyncadd.s32 $0xFFFFE000;
	s8 =	sadd.s32 s10, s18  }
0xcf: {  	[hbm4b:s8+s4] =	stream.linear.scatter [tilespmem:s15], [sflag:$0x12], $0x2000, $0x38;
	[tilespmem:$0x15C00] =	vst v63  }
0xd0: {  	_ =	swait.ge [sflag:s13], $0x2000  }
0xd1: {  	[sflag:s13] =	ssyncset.done $0x0  }
0xd2: {  	s20 =	simm.s32 $0x600;
	[sflag:s13] =	ssyncadd.s32 $0xFFFFE000  }
0xd3: {  	[tilespmem:s5], [sflag:$0x5] =	stream.indirect.gather [hbm4b:s1+s31], $0x80, s20, s31, $0xb8;
	[tilespmem:$0x15C00] =	vst v63  }
0xd4: {  	_ =	swait.ge [sflag:s6], $0x2000  }
0xd5: {  	s22 =	rddreg [dreg:$0xb];
	[sflag:s6] =	ssyncset.done $0x0  }
0xd6: {  	s17 =	simm.s32 $0x11C00;
	[sflag:s6] =	ssyncadd.s32 $0xFFFFE000;
	s8 =	sadd.s32 s10, s22  }
0xd7: {  	[hbm4b:s8+s4] =	stream.linear.scatter [tilespmem:s17], [sflag:$0x13], $0x2000, $0x38;
	[tilespmem:$0x15C00] =	vst v63  }
0xd8: {  	_ =	swait.ge [sflag:s7], $0x2000  }
0xd9: {  	[sflag:s7] =	ssyncset.done $0x0  }
0xda: {  	s23 =	simm.s32 $0x640;
	[sflag:s7] =	ssyncadd.s32 $0xFFFFE000  }
0xdb: {  	[tilespmem:s24], [sflag:$0x6] =	stream.indirect.gather [hbm4b:s1+s31], $0x80, s23, s31, $0xb8;
	[tilespmem:$0x15C00] =	vst v63  }
0xdc: {  	_ =	swait.ge [sflag:s25], $0x2000  }
0xdd: {  	s24 =	rddreg [dreg:$0xa];
	[sflag:s25] =	ssyncset.done $0x0  }
0xde: {  	s21 =	simm.s32 $0x13C00;
	[sflag:s25] =	ssyncadd.s32 $0xFFFFE000;
	s8 =	sadd.s32 s10, s24  }
0xdf: {  	[hbm4b:s8+s4] =	stream.linear.scatter [tilespmem:s21], [sflag:$0x14], $0x2000, $0x38;
	[tilespmem:$0x15C00] =	vst v63  }
0xe0: {  	s9 =	sadd.s32 $0x280000, s19;
	_ =	swait.ge [sflag:s30], $0x2000  }
0xe1: {  	s11 =	simm.s32 $0x680;
	s15 =	smov.u32 s10;
	[sflag:s30] =	ssyncset.done $0x0  }
0xe2: {  	s10 =	sadd.s32 $0x50000, s10;
	s8 =	simm.s32 $0xA00;
	[sflag:s30] =	ssyncadd.s32 $0xFFFFE000  }
.LBB2_2:
0xe3: {  	s21 =	simm.s32 $0xDC00;
	s5 =	simm.s32 $0x1  }
0xe4: {  	[tilespmem:s21], [sflag:$0x7] =	stream.indirect.gather [hbm4b:s1+s31], $0x80, s11, s31, $0xb8;
	[tilespmem:$0x15C00] =	vst v63  }
0xe5: {  	_ =	swait.ge [sflag:s5], $0x2000  }
0xe6: {  	s12 =	sshrl.u32 s9, $0x3;
	[sflag:s5] =	ssyncset.done $0x0  }
0xe7: {  	s19 =	simm.s32 $0x1C00;
	s12 =	sadd.s32 s15, s12;
	[sflag:s5] =	ssyncadd.s32 $0xFFFFE000  }
0xe8: {  	[hbm4b:s12+s4] =	stream.linear.scatter [tilespmem:s19], [sflag:$0xB], $0x2000, $0x38;
	[tilespmem:$0x15C00] =	vst v63  }
0xe9: {  	s24 =	smov.u32 s8;
	_ =	swait.ge [sflag:s3], $0x2000  }
0xea: {  	s22 =	simm.s32 $0xFC00;
	s11 =	sshra.s32 s24, $0x2;
	[sflag:s3] =	ssyncset.done $0x0  }
0xeb: {  	s16 =	simm.s32 $0x2;
	s14 =	sadd.s32 $0x440, s11;
	[sflag:s3] =	ssyncadd.s32 $0xFFFFE000  }
0xec: {  	[tilespmem:s22], [sflag:$0x8] =	stream.indirect.gather [hbm4b:s1+s31], $0x80, s14, s31, $0xb8;
	[tilespmem:$0x15C00] =	vst v63  }
0xed: {  	_ =	swait.ge [sflag:s16], $0x2000  }
0xee: {  	s17 =	rddreg [dreg:$0x9];
	[sflag:s16] =	ssyncset.done $0x0  }
0xef: {  	s14 =	simm.s32 $0x3C00;
	[sflag:s16] =	ssyncadd.s32 $0xFFFFE000;
	s12 =	sadd.s32 s10, s17  }
0xf0: {  	[hbm4b:s12+s4] =	stream.linear.scatter [tilespmem:s14], [sflag:$0xC], $0x2000, $0x38;
	[tilespmem:$0x15C00] =	vst v63  }
0xf1: {  	_ =	swait.ge [sflag:s0], $0x2000  }
0xf2: {  	s23 =	simm.s32 $0x11C00;
	[sflag:s0] =	ssyncset.done $0x0  }
0xf3: {  	s20 =	simm.s32 $0x3;
	s18 =	sadd.s32 $0x480, s11;
	[sflag:s0] =	ssyncadd.s32 $0xFFFFE000  }
0xf4: {  	[tilespmem:s23], [sflag:$0x9] =	stream.indirect.gather [hbm4b:s1+s31], $0x80, s18, s31, $0xb8;
	[tilespmem:$0x15C00] =	vst v63  }
0xf5: {  	_ =	swait.ge [sflag:s20], $0x2000  }
0xf6: {  	s24 =	rddreg [dreg:$0x8];
	[sflag:s20] =	ssyncset.done $0x0  }
0xf7: {  	s16 =	simm.s32 $0x5C00;
	[sflag:s20] =	ssyncadd.s32 $0xFFFFE000;
	s12 =	sadd.s32 s10, s24  }
0xf8: {  	[hbm4b:s12+s4] =	stream.linear.scatter [tilespmem:s16], [sflag:$0xD], $0x2000, $0x38;
	[tilespmem:$0x15C00] =	vst v63  }
0xf9: {  	_ =	swait.ge [sflag:s2], $0x2000  }
0xfa: {  	s5 =	sadd.s32 $0x4C0, s11;
	[sflag:s2] =	ssyncset.done $0x0  }
0xfb: {  	s17 =	simm.s32 $0x4;
	s24 =	simm.s32 $0x13C00;
	[sflag:s2] =	ssyncadd.s32 $0xFFFFE000  }
0xfc: {  	[tilespmem:s24], [sflag:$0xA] =	stream.indirect.gather [hbm4b:s1+s31], $0x80, s5, s31, $0xb8;
	[tilespmem:$0x15C00] =	vst v63  }
0xfd: {  	_ =	swait.ge [sflag:s17], $0x2000  }
0xfe: {  	s20 =	simm.s32 $0xB;
	s18 =	rddreg [dreg:$0x7];
	[sflag:s17] =	ssyncset.done $0x0  }
0xff: {  	[sflag:s17] =	ssyncadd.s32 $0xFFFFE000;
	s12 =	sadd.s32 s10, s18;
	s18 =	simm.s32 $0x7C00  }
0x100: {  	[hbm4b:s12+s4] =	stream.linear.scatter [tilespmem:s18], [sflag:$0xE], $0x2000, $0x38;
	[tilespmem:$0x15C00] =	vst v63  }
0x101: {  	_ =	swait.ge [sflag:s20], $0x2000  }
0x102: {  	[sflag:s20] =	ssyncset.done $0x0  }
0x103: {  	s5 =	sadd.s32 $0x500, s11;
	[sflag:s20] =	ssyncadd.s32 $0xFFFFE000  }
0x104: {  	[tilespmem:s19], [sflag:$0x1] =	stream.indirect.gather [hbm4b:s1+s31], $0x80, s5, s31, $0xb8;
	[tilespmem:$0x15C00] =	vst v63  }
0x105: {  	s19 =	simm.s32 $0x5  }
0x106: {  	_ =	swait.ge [sflag:s19], $0x2000  }
0x107: {  	[sflag:s19] =	ssyncset.done $0x0  }
0x108: {  	s20 =	rddreg [dreg:$0x6];
	[sflag:s19] =	ssyncadd.s32 $0xFFFFE000  }
0x109: {  	s12 =	sadd.s32 s10, s20;
	s20 =	simm.s32 $0x9C00;
	s19 =	simm.s32 $0xC  }
0x10a: {  	[hbm4b:s12+s4] =	stream.linear.scatter [tilespmem:s20], [sflag:$0xF], $0x2000, $0x38;
	[tilespmem:$0x15C00] =	vst v63  }
0x10b: {  	_ =	swait.ge [sflag:s19], $0x2000  }
0x10c: {  	[sflag:s19] =	ssyncset.done $0x0  }
0x10d: {  	s5 =	sadd.s32 $0x540, s11;
	s12 =	simm.s32 $0x6;
	[sflag:s19] =	ssyncadd.s32 $0xFFFFE000  }
0x10e: {  	[tilespmem:s14], [sflag:$0x2] =	stream.indirect.gather [hbm4b:s1+s31], $0x80, s5, s31, $0xb8;
	[tilespmem:$0x15C00] =	vst v63  }
0x10f: {  	_ =	swait.ge [sflag:s12], $0x2000  }
0x110: {  	s5 =	simm.s32 $0xBC00;
	s14 =	rddreg [dreg:$0x5];
	[sflag:s12] =	ssyncset.done $0x0  }
0x111: {  	[sflag:s12] =	ssyncadd.s32 $0xFFFFE000;
	s12 =	sadd.s32 s10, s14;
	s14 =	simm.s32 $0xD  }
0x112: {  	[hbm4b:s12+s4] =	stream.linear.scatter [tilespmem:s5], [sflag:$0x10], $0x2000, $0x38;
	[tilespmem:$0x15C00] =	vst v63  }
0x113: {  	_ =	swait.ge [sflag:s14], $0x2000  }
0x114: {  	[sflag:s14] =	ssyncset.done $0x0  }
0x115: {  	s12 =	sadd.s32 $0x580, s11;
	[sflag:s14] =	ssyncadd.s32 $0xFFFFE000  }
0x116: {  	[tilespmem:s16], [sflag:$0x3] =	stream.indirect.gather [hbm4b:s1+s31], $0x80, s12, s31, $0xb8;
	[tilespmem:$0x15C00] =	vst v63  }
0x117: {  	_ =	swait.ge [sflag:s26], $0x2000  }
0x118: {  	s16 =	rddreg [dreg:$0x4];
	[sflag:s26] =	ssyncset.done $0x0  }
0x119: {  	[sflag:s26] =	ssyncadd.s32 $0xFFFFE000;
	s12 =	sadd.s32 s10, s16  }
0x11a: {  	[hbm4b:s12+s4] =	stream.linear.scatter [tilespmem:s21], [sflag:$0x11], $0x2000, $0x38;
	[tilespmem:$0x15C00] =	vst v63  }
0x11b: {  	_ =	swait.ge [sflag:s28], $0x2000  }
0x11c: {  	[sflag:s28] =	ssyncset.done $0x0  }
0x11d: {  	s21 =	sadd.s32 $0x5C0, s11;
	[sflag:s28] =	ssyncadd.s32 $0xFFFFE000  }
0x11e: {  	[tilespmem:s18], [sflag:$0x4] =	stream.indirect.gather [hbm4b:s1+s31], $0x80, s21, s31, $0xb8;
	[tilespmem:$0x15C00] =	vst v63  }
0x11f: {  	_ =	swait.ge [sflag:s29], $0x2000  }
0x120: {  	s21 =	rddreg [dreg:$0xc];
	[sflag:s29] =	ssyncset.done $0x0  }
0x121: {  	[sflag:s29] =	ssyncadd.s32 $0xFFFFE000;
	s12 =	sadd.s32 s10, s21  }
0x122: {  	[hbm4b:s12+s4] =	stream.linear.scatter [tilespmem:s22], [sflag:$0x12], $0x2000, $0x38;
	[tilespmem:$0x15C00] =	vst v63  }
0x123: {  	_ =	swait.ge [sflag:s13], $0x2000  }
0x124: {  	[sflag:s13] =	ssyncset.done $0x0  }
0x125: {  	s22 =	sadd.s32 $0x600, s11;
	[sflag:s13] =	ssyncadd.s32 $0xFFFFE000  }
0x126: {  	[tilespmem:s20], [sflag:$0x5] =	stream.indirect.gather [hbm4b:s1+s31], $0x80, s22, s31, $0xb8;
	[tilespmem:$0x15C00] =	vst v63  }
0x127: {  	_ =	swait.ge [sflag:s6], $0x2000  }
0x128: {  	s21 =	rddreg [dreg:$0xb];
	[sflag:s6] =	ssyncset.done $0x0  }
0x129: {  	[sflag:s6] =	ssyncadd.s32 $0xFFFFE000;
	s12 =	sadd.s32 s10, s21  }
0x12a: {  	[hbm4b:s12+s4] =	stream.linear.scatter [tilespmem:s23], [sflag:$0x13], $0x2000, $0x38;
	[tilespmem:$0x15C00] =	vst v63  }
0x12b: {  	_ =	swait.ge [sflag:s7], $0x2000  }
0x12c: {  	p0 =	sne.s32 s8, $0x4600;
	[sflag:s7] =	ssyncset.done $0x0  }
0x12d: {  	s8 =	sadd.s32 $0xA00, s8;
	s22 =	sadd.s32 $0x640, s11;
	[sflag:s7] =	ssyncadd.s32 $0xFFFFE000  }
0x12e: {  	[tilespmem:s5], [sflag:$0x6] =	stream.indirect.gather [hbm4b:s1+s31], $0x80, s22, s31, $0xb8;
	[tilespmem:$0x15C00] =	vst v63  }
0x12f: {  	s9 =	sadd.s32 $0x280000, s9;
	s17 =	simm.s32 $0x1C00;
	_ =	swait.ge [sflag:s25], $0x2000  }
0x130: {  	s19 =	simm.s32 $0x3C00;
	s23 =	rddreg [dreg:$0xa];
	[sflag:s25] =	ssyncset.done $0x0  }
.Ltmp0:
0x131: {  	[sflag:s25] =	ssyncadd.s32 $0xFFFFE000;
	s12 =	sadd.s32 s10, s23;
	(pc) =	sbr.rel @p0 .LBB2_2-.Ltmp0, $4  }
0x132: {  	[hbm4b:s12+s4] =	stream.linear.scatter [tilespmem:s24], [sflag:$0x14], $0x2000, $0x38;
	[tilespmem:$0x15C00] =	vst v63  }
0x133: {  	s14 =	simm.s32 $0x5C00;
	s16 =	simm.s32 $0x7C00;
	_ =	swait.ge [sflag:s30], $0x2000  }
0x134: {  	s18 =	simm.s32 $0x9C00;
	s20 =	simm.s32 $0xBC00;
	[sflag:s30] =	ssyncset.done $0x0  }
0x135: {  	s11 =	sadd.s32 $0x680, s11;
	s10 =	sadd.s32 $0x50000, s10;
	[sflag:s30] =	ssyncadd.s32 $0xFFFFE000  }
0x136: {  	s5 =	simm.s32 $0xDC00;
	s8 =	simm.s32 $0x1  }
0x137: {  	[tilespmem:s5], [sflag:$0x7] =	stream.indirect.gather [hbm4b:s1+s31], $0x80, s11, s31, $0xb8;
	[tilespmem:$0x15C00] =	vst v63  }
0x138: {  	_ =	swait.ge [sflag:s8], $0x2000  }
0x139: {  	[sflag:s8] =	ssyncset.done $0x0  }
0x13a: {  	s22 =	rddreg [dreg:$0x19];
	[sflag:s8] =	ssyncadd.s32 $0xFFFFE000  }
0x13b: {  	[hbm4b:s22+s4] =	stream.linear.scatter [tilespmem:s17], [sflag:$0xB], $0x2000, $0x38;
	[tilespmem:$0x15C00] =	vst v63  }
0x13c: {  	_ =	swait.ge [sflag:s3], $0x2000  }
0x13d: {  	s9 =	simm.s32 $0xFC00;
	[sflag:s3] =	ssyncset.done $0x0  }
0x13e: {  	s23 =	simm.s32 $0x1840;
	s24 =	simm.s32 $0x2;
	[sflag:s3] =	ssyncadd.s32 $0xFFFFE000  }
0x13f: {  	[tilespmem:s9], [sflag:$0x8] =	stream.indirect.gather [hbm4b:s1+s31], $0x80, s23, s31, $0xb8;
	[tilespmem:$0x15C00] =	vst v63  }
0x140: {  	_ =	swait.ge [sflag:s24], $0x2000  }
0x141: {  	[sflag:s24] =	ssyncset.done $0x0  }
0x142: {  	s10 =	rddreg [dreg:$0x1a];
	[sflag:s24] =	ssyncadd.s32 $0xFFFFE000  }
0x143: {  	[hbm4b:s10+s4] =	stream.linear.scatter [tilespmem:s19], [sflag:$0xC], $0x2000, $0x38;
	[tilespmem:$0x15C00] =	vst v63  }
0x144: {  	_ =	swait.ge [sflag:s0], $0x2000  }
0x145: {  	s12 =	simm.s32 $0x3;
	[sflag:s0] =	ssyncset.done $0x0  }
0x146: {  	s11 =	simm.s32 $0x1880;
	s10 =	simm.s32 $0x11C00;
	[sflag:s0] =	ssyncadd.s32 $0xFFFFE000  }
0x147: {  	[tilespmem:s10], [sflag:$0x9] =	stream.indirect.gather [hbm4b:s1+s31], $0x80, s11, s31, $0xb8;
	[tilespmem:$0x15C00] =	vst v63  }
0x148: {  	_ =	swait.ge [sflag:s12], $0x2000  }
0x149: {  	[sflag:s12] =	ssyncset.done $0x0  }
0x14a: {  	s17 =	rddreg [dreg:$0x1b];
	[sflag:s12] =	ssyncadd.s32 $0xFFFFE000  }
0x14b: {  	[hbm4b:s17+s4] =	stream.linear.scatter [tilespmem:s14], [sflag:$0xD], $0x2000, $0x38;
	[tilespmem:$0x15C00] =	vst v63  }
0x14c: {  	_ =	swait.ge [sflag:s2], $0x2000  }
0x14d: {  	s21 =	simm.s32 $0x4;
	[sflag:s2] =	ssyncset.done $0x0  }
0x14e: {  	s19 =	simm.s32 $0x18C0;
	s11 =	simm.s32 $0x13C00;
	[sflag:s2] =	ssyncadd.s32 $0xFFFFE000  }
0x14f: {  	[tilespmem:s11], [sflag:$0xA] =	stream.indirect.gather [hbm4b:s1+s31], $0x80, s19, s31, $0xb8;
	[tilespmem:$0x15C00] =	vst v63  }
0x150: {  	_ =	swait.ge [sflag:s21], $0x2000  }
0x151: {  	[sflag:s21] =	ssyncset.done $0x0  }
0x152: {  	s23 =	simm.s32 $0x5;
	s22 =	rddreg [dreg:$0x1c];
	[sflag:s21] =	ssyncadd.s32 $0xFFFFE000  }
0x153: {  	[hbm4b:s22+s4] =	stream.linear.scatter [tilespmem:s16], [sflag:$0xE], $0x2000, $0x38;
	[tilespmem:$0x15C00] =	vst v63  }
0x154: {  	_ =	swait.ge [sflag:s23], $0x2000  }
0x155: {  	[sflag:s23] =	ssyncset.done $0x0  }
0x156: {  	s12 =	simm.s32 $0x6;
	s24 =	rddreg [dreg:$0x1d];
	[sflag:s23] =	ssyncadd.s32 $0xFFFFE000  }
0x157: {  	[hbm4b:s24+s4] =	stream.linear.scatter [tilespmem:s18], [sflag:$0xF], $0x2000, $0x38;
	[tilespmem:$0x15C00] =	vst v63  }
0x158: {  	_ =	swait.ge [sflag:s12], $0x2000  }
0x159: {  	[sflag:s12] =	ssyncset.done $0x0  }
0x15a: {  	s14 =	rddreg [dreg:$0x1e];
	[sflag:s12] =	ssyncadd.s32 $0xFFFFE000  }
0x15b: {  	[hbm4b:s14+s4] =	stream.linear.scatter [tilespmem:s20], [sflag:$0x10], $0x2000, $0x38;
	[tilespmem:$0x15C00] =	vst v63  }
0x15c: {  	_ =	swait.ge [sflag:s26], $0x2000  }
0x15d: {  	[sflag:s26] =	ssyncset.done $0x0  }
0x15e: {  	s16 =	rddreg [dreg:$0x1f];
	[sflag:s26] =	ssyncadd.s32 $0xFFFFE000  }
0x15f: {  	[hbm4b:s16+s4] =	stream.linear.scatter [tilespmem:s5], [sflag:$0x11], $0x2000, $0x38;
	[tilespmem:$0x15C00] =	vst v63  }
0x160: {  	_ =	swait.ge [sflag:s29], $0x2000  }
0x161: {  	s17 =	sld [smem:$0x7FB]  }
0x162: {  	[sflag:s29] =	ssyncset.done $0x0  }
0x163: {  	[sflag:s29] =	ssyncadd.s32 $0xFFFFE000  }
0x164: {  	[hbm4b:s17+s4] =	stream.linear.scatter [tilespmem:s9], [sflag:$0x12], $0x2000, $0x38;
	[tilespmem:$0x15C00] =	vst v63  }
0x165: {  	_ =	swait.ge [sflag:s6], $0x2000  }
0x166: {  	s18 =	sld [smem:$0x7FC]  }
0x167: {  	[sflag:s6] =	ssyncset.done $0x0  }
0x168: {  	[sflag:s6] =	ssyncadd.s32 $0xFFFFE000  }
0x169: {  	[hbm4b:s18+s4] =	stream.linear.scatter [tilespmem:s10], [sflag:$0x13], $0x2000, $0x38;
	[tilespmem:$0x15C00] =	vst v63  }
0x16a: {  	_ =	swait.ge [sflag:s25], $0x2000  }
0x16b: {  	s19 =	sld [smem:$0x7FD]  }
0x16c: {  	[sflag:s25] =	ssyncset.done $0x0  }
0x16d: {  	s20 =	simm.s32 $0xB;
	[sflag:s25] =	ssyncadd.s32 $0xFFFFE000  }
0x16e: {  	[hbm4b:s19+s4] =	stream.linear.scatter [tilespmem:s11], [sflag:$0x14], $0x2000, $0x38;
	[tilespmem:$0x15C00] =	vst v63  }
0x16f: {  	_ =	swait.ge [sflag:s20], $0x2000  }
0x170: {  	[sflag:s20] =	ssyncset.done $0x0  }
0x171: {  	s21 =	simm.s32 $0xC;
	[sflag:s20] =	ssyncadd.s32 $0xFFFFE000  }
0x172: {  	_ =	swait.ge [sflag:s21], $0x2000  }
0x173: {  	[sflag:s21] =	ssyncset.done $0x0  }
0x174: {  	s22 =	simm.s32 $0xD;
	[sflag:s21] =	ssyncadd.s32 $0xFFFFE000  }
0x175: {  	_ =	swait.ge [sflag:s22], $0x2000  }
0x176: {  	[sflag:s22] =	ssyncset.done $0x0  }
0x177: {  	[sflag:s22] =	ssyncadd.s32 $0xFFFFE000  }
0x178: {  	_ =	swait.ge [sflag:s28], $0x2000  }
0x179: {  	[sflag:s28] =	ssyncset.done $0x0  }
0x17a: {  	[sflag:s28] =	ssyncadd.s32 $0xFFFFE000  }
0x17b: {  	_ =	swait.ge [sflag:s13], $0x2000  }
0x17c: {  	[sflag:s13] =	ssyncset.done $0x0  }
0x17d: {  	[sflag:s13] =	ssyncadd.s32 $0xFFFFE000  }
0x17e: {  	_ =	swait.ge [sflag:s7], $0x2000  }
0x17f: {  	[sflag:s7] =	ssyncset.done $0x0  }
0x180: {  	[sflag:s7] =	ssyncadd.s32 $0xFFFFE000  }
0x181: {  	_ =	swait.ge [sflag:s30], $0x2000  }
0x182: {  	[sflag:s30] =	ssyncset.done $0x0  }
0x183: {  	[sflag:s30] =	ssyncadd.s32 $0xFFFFE000  }
0x184: {  	_ =	swait.ge [sflag:s3], $0x2000  }
0x185: {  	[sflag:s3] =	ssyncset.done $0x0  }
0x186: {  	[sflag:s3] =	ssyncadd.s32 $0xFFFFE000  }
0x187: {  	_ =	swait.ge [sflag:s0], $0x2000  }
0x188: {  	[sflag:s0] =	ssyncset.done $0x0  }
0x189: {  	[sflag:s0] =	ssyncadd.s32 $0xFFFFE000  }
0x18a: {  	_ =	swait.ge [sflag:s2], $0x2000  }
0x18b: {  	s23 =	sld [smem:$0x7F8]  }
0x18c: {  	s24 =	sld [smem:$0x7F9];
	_ =	sdelay $0x1  }
0x18d: {  	s5 =	sadd.s32 $0x1, s23  }
0x18e: {  	p0 =	sne.s32 s5, s24  }
.Ltmp1:
0x18f: {  	_ = 	snop;
	(pc) =	sbr.rel @p0 .LBB2_1-.Ltmp1, $3  }
0x190: {  	_ =	sdelay $0x1  }
0x191: {  	[sflag:s2] =	ssyncset.done $0x0  }
0x192: {  	s10 =	smov.u32 s15;
	[sflag:s2] =	ssyncadd.s32 $0xFFFFE000  }
0x193: {  	_ =	sfence.sel $0x180000  }
0x194: {  	[bflag:$0x0] =	sbarrier.arrive $0xFFFF  }
0x195: {  	_ =	strace $0x90000047  }
0x196: {  	s0 =	stileid.u32;
	[bflag:$0x2] =	sbarrier.arrive $0xFFFF  }
0x197: {  	p0 =	sne.s32 s0, $0x0;
	s0 =	rddreg [dreg:$0x3]  }
0x198: {  	s0 =	sadd.s32 @!p0 $0x100000, s0  }
0x199: {  	[sflag:s0] =	ssyncadd.tile.s32 @!p0 $0x1;
	_ =	shalt  }
.Lfunc_end2:
_tile_overlayer_lowered:
.L_overlay_start_2:
0x19a: {  	(tag) =	ssettag $0x2  }
0x19b: {  	s0 =	rddreg [dreg:$0x0];
	s2 =	stileid.u32  }
0x19c: {  	s1 =	rddreg [dreg:$0x1];
	p0 =	sne.s32 s2, $0x0  }
0x19d: {  	s3 =	rddreg [dreg:$0x2];
	[bflag:$0x3] =	sbarrier.arrive $0xFFFF;
	s2 =	simm.s32 @!p0 $0x1C15  }
0x19e: {  	[timem:s3], [sflag:s2] =	dma.local @!p0 [hbm:s0], s1  }
0x19f: {  	s0 =	simm.s32 @!p0 $0x15  }
0x1a0: {  	_ =	swait.ge @!p0 [sflag:s0], s1  }
0x1a1: {  	s1 =	ssub.s32 @!p0 $0x0, s1;
	[sflag:s0] =	ssyncset.done @!p0 $0x0  }
0x1a2: {  	[sflag:s0] =	ssyncadd.s32 @!p0 s1  }
0x1a3: {  	[bflag:$0x3] =	sbarrier.arrive $0xFFFF  }
0x1a4: {  	_ =	shalt  }

</sc_bundles>
